<compile_context>
chip_gen: v7x
topology: tpu7x:2x2x1
jax: 0.10.2.dev20260603
libtpu: 0.0.44.dev20260713+nightly
codegen_flags: <defaults>
</compile_context>

<pallas_src>
import functools

import jax
import jax.numpy as jnp
from jax import lax
from jax.experimental import pallas as pl
from jax.experimental.pallas import tpu as pltpu
from jax.experimental.pallas import tpu_sc as plsc

N = 10000
E = 320000
D = 128
R = 16
DOUT = 64

NC = 2
NS = 16
CH = 128
CPT = 80
CPT_A = 120
CPT_B = 40
CPT_MAX = max(CPT_A, CPT_B, 1)
EP = NC * NS * CPT * CH
NROWS = EP // CH
NH = 10112
PAD_ROW = N
NHIST = 10240
EPT = EP // (NC * NS)


def _agg_body(msg_hbm, src_hbm, dst_hbm, zeros_hbm, out_hbm,
              src_v, dst_v, b0, shared, s0):
    c = lax.axis_index("c")
    s = lax.axis_index("s")
    rows_per_tile = NH // NS
    r0 = s * rows_per_tile
    pltpu.sync_copy(zeros_hbm, shared.at[pl.ds(r0, rows_per_tile)])

    def run(t0, cpt):
        pltpu.sync_copy(src_hbm.at[pl.ds(t0, cpt)], src_v.at[pl.ds(0, cpt)])
        pltpu.sync_copy(dst_hbm.at[pl.ds(t0, cpt)], dst_v.at[pl.ds(0, cpt)])
        plsc.subcore_barrier()

        def body(j, carry):
            pltpu.async_copy(msg_hbm.at[src_v.at[j]], b0, s0).wait()
            pltpu.sync_copy(b0, shared.at[dst_v.at[j]], add=True)
            return carry

        lax.fori_loop(0, cpt, body, 0)

    @pl.when(c == 0)
    def _():
        run(s * CPT_A, CPT_A)

    if CPT_B:
        @pl.when(c == 1)
        def _():
            run(NS * CPT_A + s * CPT_B, CPT_B)

    plsc.subcore_barrier()
    pltpu.sync_copy(shared.at[pl.ds(r0, rows_per_tile)],
                    out_hbm.at[c, pl.ds(r0, rows_per_tile)])


def _deg_body(src_hbm, dst_hbm, out_hbm, src_v, dst_v, hist_v):
    c = lax.axis_index("c")
    s = lax.axis_index("s")
    wid = s * NC + c
    pltpu.sync_copy(src_hbm.at[wid], src_v)
    pltpu.sync_copy(dst_hbm.at[wid], dst_v)

    zeros16 = jnp.zeros((16,), jnp.float32)
    ones16 = jnp.ones((16,), jnp.float32)

    def zbody(g, carry):
        hist_v[pl.ds(g * 16, 16)] = zeros16
        return carry

    lax.fori_loop(0, (2 * NHIST) // 16, zbody, 0)

    def body(g, carry):
        si = src_v[pl.ds(g * 16, 16)]
        di = dst_v[pl.ds(g * 16, 16)] + NHIST
        plsc.addupdate_scatter(hist_v, [si], ones16)
        plsc.addupdate_scatter(hist_v, [di], ones16)
        return carry

    lax.fori_loop(0, EPT // 16, body, 0)
    pltpu.sync_copy(hist_v, out_hbm.at[wid])


@functools.lru_cache(maxsize=None)
def _sc_kernels():
    mesh = plsc.VectorSubcoreMesh(core_axis_name="c", subcore_axis_name="s")
    deg = pl.kernel(
        _deg_body,
        mesh=mesh,
        out_type=jax.ShapeDtypeStruct((NC * NS, 2 * NHIST), jnp.float32),
        scratch_types=[
            pltpu.VMEM((EPT,), jnp.int32),
            pltpu.VMEM((EPT,), jnp.int32),
            pltpu.VMEM((2 * NHIST,), jnp.float32),
        ],
        compiler_params=pltpu.CompilerParams(needs_layout_passes=False),
    )
    agg = pl.kernel(
        _agg_body,
        mesh=mesh,
        out_type=jax.ShapeDtypeStruct((NC, NH, D), jnp.float32),
        scratch_types=[
            pltpu.VMEM((CPT_MAX, CH), jnp.int32),
            pltpu.VMEM((CPT_MAX, CH), jnp.int32),
            pltpu.VMEM((CH, D), jnp.float32),
            pltpu.VMEM_SHARED((NH, D), jnp.float32),
            pltpu.SemaphoreType.DMA,
        ],
    )
    return deg, agg



BLK = 1000
GRID = N // BLK


def _row_spec(blk, width):
    return pl.BlockSpec((blk, width), lambda i: (i, 0))


def _full_spec(shape):
    return pl.BlockSpec(shape, lambda i: tuple(0 for _ in shape))


def _h0_body(x_ref, wi_ref, bi_ref, out_ref):
    h = jnp.dot(x_ref[...], wi_ref[...], preferred_element_type=jnp.float32)
    out_ref[...] = jnp.maximum(h + bi_ref[...], 0.0)


def _apply_bn(h, hn_ref, stats_ref, gamma_ref, beta_ref):
    mean = stats_ref[0:1, :] * (1.0 / N)
    var = stats_ref[1:2, :] * (1.0 / N) - mean * mean
    scale = gamma_ref[...] * lax.rsqrt(var + 1e-5)
    bias = beta_ref[...] - mean * scale
    return h + hn_ref[...] * scale + bias


def _msg_body(apply_bn, *refs):
    if apply_bn:
        (h_ref, hn_ref, stats_ref, gamma_ref, beta_ref,
         cen_ref, sig_ref, wflat_ref, br_ref, deg_ref, ho_ref, msg_ref) = refs
        h = _apply_bn(h_ref[...], hn_ref, stats_ref, gamma_ref, beta_ref)
    else:
        (h_ref, cen_ref, sig_ref, wflat_ref, br_ref, deg_ref,
         ho_ref, msg_ref) = refs
        h = h_ref[...]
    ho_ref[...] = h
    cen = cen_ref[...]
    sig = sig_ref[...]
    cols = []
    for r in range(R):
        diff = (h - cen[r:r + 1, :]) / sig[r:r + 1, :]
        mu = jnp.exp(-0.5 * diff * diff)
        cols.append(jnp.mean(mu, axis=1, keepdims=True))
    firing = jnp.concatenate(cols, axis=1)
    fn = firing / (jnp.sum(firing, axis=1, keepdims=True) + 1e-12)
    z = jnp.concatenate([fn[:, r:r + 1] * h for r in range(R)], axis=1)
    msg = jnp.dot(z, wflat_ref[...], preferred_element_type=jnp.float32)
    msg = msg + jnp.dot(fn, br_ref[...], preferred_element_type=jnp.float32)
    msg_ref[...] = msg * lax.rsqrt(deg_ref[...] + 1.0)


def _stats_body(p0_ref, p1_ref, deg_ref, hn_ref, stats_ref):
    a = (p0_ref[...] + p1_ref[...]) * lax.rsqrt(deg_ref[...] + 1.0)
    hn = jnp.maximum(a, 0.0)
    hn_ref[...] = hn
    s1 = jnp.sum(hn, axis=0, keepdims=True)
    s2 = jnp.sum(hn * hn, axis=0, keepdims=True)
    block = jnp.concatenate([s1, s2, jnp.zeros((6, D), jnp.float32)], axis=0)

    @pl.when(pl.program_id(0) == 0)
    def _():
        stats_ref[...] = jnp.zeros_like(stats_ref)

    stats_ref[...] += block


def _final_body(h_ref, hn_ref, stats_ref, gamma_ref, beta_ref,
                wh_ref, bh_ref, out_ref):
    h = _apply_bn(h_ref[...], hn_ref, stats_ref, gamma_ref, beta_ref)
    logits = jnp.dot(h, wh_ref[...], preferred_element_type=jnp.float32)
    logits = logits + bh_ref[...]
    m = jnp.max(logits, axis=1, keepdims=True)
    e = jnp.exp(logits - m)
    out_ref[...] = e / jnp.sum(e, axis=1, keepdims=True)


def _h0_call(x, Wi, bi):
    return pl.pallas_call(
        _h0_body,
        grid=(GRID,),
        in_specs=[_row_spec(BLK, D), _full_spec((D, D)), _full_spec((1, D))],
        out_specs=_row_spec(BLK, D),
        out_shape=jax.ShapeDtypeStruct((N, D), jnp.float32),
    )(x, Wi, bi)


def _msg_call(apply_bn, args):
    if apply_bn:
        in_specs = [_row_spec(BLK, D), _row_spec(BLK, D), _full_spec((8, D)),
                    _full_spec((1, D)), _full_spec((1, D))]
    else:
        in_specs = [_row_spec(BLK, D)]
    in_specs += [_full_spec((R, D)), _full_spec((R, D)),
                 _full_spec((R * D, D)), _full_spec((R, D)),
                 _row_spec(BLK, 1)]
    return pl.pallas_call(
        functools.partial(_msg_body, apply_bn),
        grid=(GRID,),
        in_specs=in_specs,
        out_specs=[_row_spec(BLK, D), _row_spec(BLK, D)],
        out_shape=[jax.ShapeDtypeStruct((N, D), jnp.float32),
                   jax.ShapeDtypeStruct((N, D), jnp.float32)],
    )(*args)


def _stats_call(p0, p1, deg_dst):
    return pl.pallas_call(
        _stats_body,
        grid=(GRID,),
        in_specs=[_row_spec(BLK, D), _row_spec(BLK, D), _row_spec(BLK, 1)],
        out_specs=[_row_spec(BLK, D), _full_spec((8, D))],
        out_shape=[jax.ShapeDtypeStruct((N, D), jnp.float32),
                   jax.ShapeDtypeStruct((8, D), jnp.float32)],
    )(p0, p1, deg_dst)


def _final_call(h, hn, stats, gamma, beta, Wh, bh):
    return pl.pallas_call(
        _final_body,
        grid=(GRID,),
        in_specs=[_row_spec(BLK, D), _row_spec(BLK, D), _full_spec((8, D)),
                  _full_spec((1, D)), _full_spec((1, D)),
                  _full_spec((D, DOUT)), _full_spec((1, DOUT))],
        out_specs=_row_spec(BLK, DOUT),
        out_shape=jax.ShapeDtypeStruct((N, DOUT), jnp.float32),
    )(h, hn, stats, gamma, beta, Wh, bh)



def kernel(x, edge_index, Wi, bi, centers, sigmas, Wr, br, gamma, beta, Wh, bh):
    src = edge_index[0]
    dst = edge_index[1]
    npad = EP - E
    pad_discard = jnp.full((npad,), PAD_ROW, jnp.int32)
    pad_zero = jnp.zeros((npad,), jnp.int32)
    src_agg = jnp.concatenate([src, pad_zero]).reshape(NROWS, CH)
    src_p = jnp.concatenate([src, pad_discard])
    dst_p = jnp.concatenate([dst, pad_discard])
    dst_sc = dst_p.reshape(NROWS, CH)
    src_tiles = src_p.reshape(NC * NS, EPT)
    dst_tiles = dst_p.reshape(NC * NS, EPT)

    zeros_agg = jnp.zeros((NH // NS, D), jnp.float32)

    deg_kernel, agg_kernel = _sc_kernels()
    hist = deg_kernel(src_tiles, dst_tiles).sum(axis=0)
    deg_src = hist[:N].reshape(N, 1)
    deg_dst = hist[NHIST:NHIST + N].reshape(N, 1)

    bi2 = bi.reshape(1, D)
    bh2 = bh.reshape(1, DOUT)

    h = _h0_call(x, Wi, bi2)
    hn = None
    stats = None
    for l in range(3):
        cen = centers[l]
        sig = sigmas[l]
        wflat = Wr[l].reshape(R * D, D)
        brl = br[l]
        if l == 0:
            h, msg = _msg_call(False, (h, cen, sig, wflat, brl, deg_src))
        else:
            h, msg = _msg_call(True, (h, hn, stats,
                                      gamma[l - 1].reshape(1, D),
                                      beta[l - 1].reshape(1, D),
                                      cen, sig, wflat, brl, deg_src))
        part = agg_kernel(msg, src_agg, dst_sc, zeros_agg)
        hn, stats = _stats_call(part[0, :N], part[1, :N], deg_dst)
    return _final_call(h, hn, stats, gamma[2].reshape(1, D),
                       beta[2].reshape(1, D), Wh, bh2)

# --- scband reference (transcript-rebuilt; emitter-appended) ---
"""Pipeline reference for scband-flgnn-90941637525593 (READ-ONLY COPY).

The authoritative reference and input builder live on the scoring server;
editing this copy changes nothing except your own understanding.
"""

import jax, jax.numpy as jnp
import numpy as np

N = 10000
E = 320000
D_IN = 128
D_H = 128
D_OUT = 64
L = 3
R = 16


def setup_inputs(seed: int = 0) -> dict:
    key = jax.random.key(seed)
    ks = jax.random.split(key, 10)
    x = jax.random.normal(ks[0], (N, D_IN), dtype=jnp.float32)
    edge_index = jax.random.randint(ks[1], (2, E), 0, N, dtype=jnp.int32)
    Wi = jax.random.normal(ks[2], (D_IN, D_H), dtype=jnp.float32) * (1.0 / np.sqrt(D_IN))
    bi = jnp.zeros((D_H,), dtype=jnp.float32)
    centers = jax.random.normal(ks[3], (L, R, D_H), dtype=jnp.float32) * 0.5
    sigmas = jnp.ones((L, R, D_H), dtype=jnp.float32)
    Wr = jax.random.normal(ks[4], (L, R, D_H, D_H), dtype=jnp.float32) * (1.0 / np.sqrt(D_H))
    br = jnp.zeros((L, R, D_H), dtype=jnp.float32)
    gamma = jnp.ones((L, D_H), dtype=jnp.float32)
    beta = jnp.zeros((L, D_H), dtype=jnp.float32)
    Wh = jax.random.normal(ks[5], (D_H, D_OUT), dtype=jnp.float32) * (1.0 / np.sqrt(D_H))
    bh = jnp.zeros((D_OUT,), dtype=jnp.float32)
    return {"x": x, "edge_index": edge_index, "Wi": Wi, "bi": bi,
            "centers": centers, "sigmas": sigmas, "Wr": Wr, "br": br,
            "gamma": gamma, "beta": beta, "Wh": Wh, "bh": bh}


def reference(x, edge_index, Wi, bi, centers, sigmas, Wr, br, gamma, beta, Wh, bh):
    src = edge_index[0]
    dst = edge_index[1]
    n = x.shape[0]
    # GCN-style symmetric degree normalization (with self-loop count)
    deg_dst = jnp.zeros((n,), x.dtype).at[dst].add(1.0) + 1.0
    deg_src = jnp.zeros((n,), x.dtype).at[src].add(1.0) + 1.0
    norm = jax.lax.rsqrt(deg_src[src] * deg_dst[dst])
    h = jax.nn.relu(x @ Wi + bi)
    for l in range(L):
        # Fuzzy membership (Gaussian MF per rule, per feature)
        diff = (h[:, None, :] - centers[l][None, :, :]) / sigmas[l][None, :, :]
        mu = jnp.exp(-0.5 * diff * diff)  # [N, R, D]
        firing = mu.mean(axis=-1)  # [N, R]
        fn = firing / (firing.sum(axis=-1, keepdims=True) + 1e-12)
        # TSK defuzzification: rule-wise linear consequents weighted by firing
        proj = jnp.einsum('nd,rdo->nro', h, Wr[l]) + br[l][None, :, :]
        msg = jnp.einsum('nr,nro->no', fn, proj)  # [N, D]
        # message passing: gather at src, scatter-add at dst
        agg = jnp.zeros_like(msg).at[dst].add(msg[src] * norm[:, None])
        hn = jax.nn.relu(agg)
        # BatchNorm1d (batch statistics, deterministic)
        mean = hn.mean(axis=0)
        var = hn.var(axis=0)
        hn = (hn - mean) / jnp.sqrt(var + 1e-5) * gamma[l] + beta[l]
        h = h + hn  # dropout is identity in deterministic reference
    logits = h @ Wh + bh
    return jax.nn.softmax(logits, axis=-1)

if __name__ == "__main__":
    import jax
    _d = setup_inputs()
    print(jax.jit(kernel)(*tuple(_d.values())))

</pallas_src>

<mosaic_0001>
#map = affine_map<(d0, d1) -> (0, 0)>
#map1 = affine_map<(d0, d1) -> (0, 0, 0)>
module attributes {stable_mosaic.version = 14 : i64} {
  func.func @_agg_body(%arg0: i32, %arg1: i32, %arg2: memref<10000x128xf32, #tpu.memory_space<hbm>>, %arg3: memref<2560x128xi32, #tpu.memory_space<hbm>>, %arg4: memref<2560x128xi32, #tpu.memory_space<hbm>>, %arg5: memref<632x128xf32, #tpu.memory_space<hbm>>, %arg6: memref<2x10112x128xf32, #tpu.memory_space<hbm>>, %arg7: memref<120x128xi32, #tpu.memory_space<vmem>>, %arg8: memref<120x128xi32, #tpu.memory_space<vmem>>, %arg9: memref<128x128xf32, #tpu.memory_space<vmem>>, %arg10: memref<10112x128xf32, #tpu.memory_space<vmem_shared>>, %arg11: memref<!tpu.dma_semaphore, #tpu.memory_space<semaphore_mem>>) attributes {dimension_semantics = [#tpu.dimension_semantics<core_parallel>, #tpu.dimension_semantics<subcore_parallel>], iteration_bounds = array<i64: 2, 16>, scalar_prefetch = 0 : i64, scratch_operands = 5 : i64, tpu.core_type = #tpu.core_type<sc_vector_subcore>, window_params = [{transform_indices = #map}, {transform_indices = #map}, {transform_indices = #map}, {transform_indices = #map}, {transform_indices = #map1}]} {
    %mul3A = arith.constant 632 : i32
    %mul3A_0 = arith.muli %arg1, %mul3A : i32
    "tpu.region"() ({
      %run_scoped3A = tpu.sem_alloc : memref<!tpu.dma_semaphore, #tpu.memory_space<semaphore_mem>>
      %dma_start3A = arith.constant 0 : i32
      %dma_start3A_8 = tpu.memref_slice %arg10[%mul3A_0, %dma_start3A] : memref<10112x128xf32, #tpu.memory_space<vmem_shared>> -> memref<632x128xf32, #tpu.memory_space<vmem_shared>>
      tpu.enqueue_dma source(%arg5 : memref<632x128xf32, #tpu.memory_space<hbm>>) target(%dma_start3A_8 : memref<632x128xf32, #tpu.memory_space<vmem_shared>>) target_semaphore(%run_scoped3A : memref<!tpu.dma_semaphore, #tpu.memory_space<semaphore_mem>>)
      %dma_wait3A = arith.constant 0 : i32
      %dma_wait3A_9 = tpu.memref_slice %arg10[%mul3A_0, %dma_wait3A] : memref<10112x128xf32, #tpu.memory_space<vmem_shared>> -> memref<632x128xf32, #tpu.memory_space<vmem_shared>>
      tpu.wait_dma2 semaphore(%run_scoped3A : memref<!tpu.dma_semaphore, #tpu.memory_space<semaphore_mem>>) src(%arg5 : memref<632x128xf32, #tpu.memory_space<hbm>>) dst(%dma_wait3A_9 : memref<632x128xf32, #tpu.memory_space<vmem_shared>>)
      tpu.yield
    }) : () -> ()
    %eq3A = arith.constant 0 : i32
    %eq3A_1 = arith.cmpi eq, %arg0, %eq3A : i32
    %convert_element_type3A = arith.extui %eq3A_1 : i1 to i32
    %cond3A = arith.constant 0 : i32
    %cond3A_2 = arith.cmpi ne, %convert_element_type3A, %cond3A : i32
    scf.if %cond3A_2 {
      %mul3A_8 = arith.constant 120 : i32
      %mul3A_9 = arith.muli %arg1, %mul3A_8 : i32
      "tpu.region"() ({
        %run_scoped3A = tpu.sem_alloc : memref<!tpu.dma_semaphore, #tpu.memory_space<semaphore_mem>>
        %dma_start3A = arith.constant 0 : i32
        %dma_start3A_16 = arith.constant 0 : i32
        %dma_start3A_17 = tpu.memref_slice %arg7[%dma_start3A, %dma_start3A_16] : memref<120x128xi32, #tpu.memory_space<vmem>> -> memref<120x128xi32, #tpu.memory_space<vmem>>
        %dma_start3A_18 = arith.constant 0 : i32
        %dma_start3A_19 = tpu.memref_slice %arg3[%mul3A_9, %dma_start3A_18] : memref<2560x128xi32, #tpu.memory_space<hbm>> -> memref<120x128xi32, #tpu.memory_space<hbm>>
        %dma_start3A_20 = arith.constant 0 : i32
        %dma_start3A_21 = arith.constant 0 : i32
        %dma_start3A_22 = tpu.memref_slice %arg7[%dma_start3A_20, %dma_start3A_21] : memref<120x128xi32, #tpu.memory_space<vmem>> -> memref<120x128xi32, #tpu.memory_space<vmem>>
        %dma_start3A_23 = arith.constant 0 : i32
        %dma_start3A_24 = tpu.memref_slice %arg3[%mul3A_9, %dma_start3A_23] : memref<2560x128xi32, #tpu.memory_space<hbm>> -> memref<120x128xi32, #tpu.memory_space<hbm>>
        tpu.enqueue_dma source(%dma_start3A_24 : memref<120x128xi32, #tpu.memory_space<hbm>>) target(%dma_start3A_22 : memref<120x128xi32, #tpu.memory_space<vmem>>) target_semaphore(%run_scoped3A : memref<!tpu.dma_semaphore, #tpu.memory_space<semaphore_mem>>)
        %dma_wait3A = arith.constant 0 : i32
        %dma_wait3A_25 = arith.constant 0 : i32
        %dma_wait3A_26 = tpu.memref_slice %arg7[%dma_wait3A, %dma_wait3A_25] : memref<120x128xi32, #tpu.memory_space<vmem>> -> memref<120x128xi32, #tpu.memory_space<vmem>>
        %dma_wait3A_27 = arith.constant 0 : i32
        %dma_wait3A_28 = tpu.memref_slice %arg3[%mul3A_9, %dma_wait3A_27] : memref<2560x128xi32, #tpu.memory_space<hbm>> -> memref<120x128xi32, #tpu.memory_space<hbm>>
        %dma_wait3A_29 = arith.constant 0 : i32
        %dma_wait3A_30 = arith.constant 0 : i32
        %dma_wait3A_31 = tpu.memref_slice %arg7[%dma_wait3A_29, %dma_wait3A_30] : memref<120x128xi32, #tpu.memory_space<vmem>> -> memref<120x128xi32, #tpu.memory_space<vmem>>
        %dma_wait3A_32 = arith.constant 0 : i32
        %dma_wait3A_33 = tpu.memref_slice %arg3[%mul3A_9, %dma_wait3A_32] : memref<2560x128xi32, #tpu.memory_space<hbm>> -> memref<120x128xi32, #tpu.memory_space<hbm>>
        tpu.wait_dma2 semaphore(%run_scoped3A : memref<!tpu.dma_semaphore, #tpu.memory_space<semaphore_mem>>) src(%dma_wait3A_33 : memref<120x128xi32, #tpu.memory_space<hbm>>) dst(%dma_wait3A_31 : memref<120x128xi32, #tpu.memory_space<vmem>>)
        tpu.yield
      }) : () -> ()
      "tpu.region"() ({
        %run_scoped3A = tpu.sem_alloc : memref<!tpu.dma_semaphore, #tpu.memory_space<semaphore_mem>>
        %dma_start3A = arith.constant 0 : i32
        %dma_start3A_16 = arith.constant 0 : i32
        %dma_start3A_17 = tpu.memref_slice %arg8[%dma_start3A, %dma_start3A_16] : memref<120x128xi32, #tpu.memory_space<vmem>> -> memref<120x128xi32, #tpu.memory_space<vmem>>
        %dma_start3A_18 = arith.constant 0 : i32
        %dma_start3A_19 = tpu.memref_slice %arg4[%mul3A_9, %dma_start3A_18] : memref<2560x128xi32, #tpu.memory_space<hbm>> -> memref<120x128xi32, #tpu.memory_space<hbm>>
        %dma_start3A_20 = arith.constant 0 : i32
        %dma_start3A_21 = arith.constant 0 : i32
        %dma_start3A_22 = tpu.memref_slice %arg8[%dma_start3A_20, %dma_start3A_21] : memref<120x128xi32, #tpu.memory_space<vmem>> -> memref<120x128xi32, #tpu.memory_space<vmem>>
        %dma_start3A_23 = arith.constant 0 : i32
        %dma_start3A_24 = tpu.memref_slice %arg4[%mul3A_9, %dma_start3A_23] : memref<2560x128xi32, #tpu.memory_space<hbm>> -> memref<120x128xi32, #tpu.memory_space<hbm>>
        tpu.enqueue_dma source(%dma_start3A_24 : memref<120x128xi32, #tpu.memory_space<hbm>>) target(%dma_start3A_22 : memref<120x128xi32, #tpu.memory_space<vmem>>) target_semaphore(%run_scoped3A : memref<!tpu.dma_semaphore, #tpu.memory_space<semaphore_mem>>)
        %dma_wait3A = arith.constant 0 : i32
        %dma_wait3A_25 = arith.constant 0 : i32
        %dma_wait3A_26 = tpu.memref_slice %arg8[%dma_wait3A, %dma_wait3A_25] : memref<120x128xi32, #tpu.memory_space<vmem>> -> memref<120x128xi32, #tpu.memory_space<vmem>>
        %dma_wait3A_27 = arith.constant 0 : i32
        %dma_wait3A_28 = tpu.memref_slice %arg4[%mul3A_9, %dma_wait3A_27] : memref<2560x128xi32, #tpu.memory_space<hbm>> -> memref<120x128xi32, #tpu.memory_space<hbm>>
        %dma_wait3A_29 = arith.constant 0 : i32
        %dma_wait3A_30 = arith.constant 0 : i32
        %dma_wait3A_31 = tpu.memref_slice %arg8[%dma_wait3A_29, %dma_wait3A_30] : memref<120x128xi32, #tpu.memory_space<vmem>> -> memref<120x128xi32, #tpu.memory_space<vmem>>
        %dma_wait3A_32 = arith.constant 0 : i32
        %dma_wait3A_33 = tpu.memref_slice %arg4[%mul3A_9, %dma_wait3A_32] : memref<2560x128xi32, #tpu.memory_space<hbm>> -> memref<120x128xi32, #tpu.memory_space<hbm>>
        tpu.wait_dma2 semaphore(%run_scoped3A : memref<!tpu.dma_semaphore, #tpu.memory_space<semaphore_mem>>) src(%dma_wait3A_33 : memref<120x128xi32, #tpu.memory_space<hbm>>) dst(%dma_wait3A_31 : memref<120x128xi32, #tpu.memory_space<vmem>>)
        tpu.yield
      }) : () -> ()
      %barrier3A_10 = arith.constant 0 : index
      tpu.barrier barrier_id(%barrier3A_10)
      %scan3A = arith.constant 0 : i32
      %scan3A_11 = arith.constant 0 : i32
      %scan3A_12 = arith.constant 120 : i32
      %scan3A_13 = arith.addi %scan3A_11, %scan3A_12 : i32
      %scan3A_14 = arith.constant 1 : i32
      scf.for %scan3A_16 = %scan3A_11 to %scan3A_13 step %scan3A_14  : i32 {
        %dma_start3A = arith.constant 0 : i32
        %dma_start3A_17 = tpu.memref_slice %arg7[%scan3A_16, %dma_start3A] : memref<120x128xi32, #tpu.memory_space<vmem>> -> memref<1x128xi32, #tpu.memory_space<vmem>>
        %dma_start3A_18 = tpu.memref_squeeze %dma_start3A_17 : memref<1x128xi32, #tpu.memory_space<vmem>> -> memref<128xi32, #tpu.memory_space<vmem>>
        %dma_start3A_19 = arith.constant 0 : i32
        %dma_start3A_20 = arith.constant 0 : i32
        %dma_start3A_21 = tpu.memref_slice %arg2[%dma_start3A_19, %dma_start3A_20] : memref<10000x128xf32, #tpu.memory_space<hbm>> -> memref<10000x128xf32, #tpu.memory_space<hbm>>
        tpu.enqueue_indirect_dma source(%dma_start3A_21 : memref<10000x128xf32, #tpu.memory_space<hbm>>) target(%arg9 : memref<128x128xf32, #tpu.memory_space<vmem>>) offsets(%dma_start3A_18 : memref<128xi32, #tpu.memory_space<vmem>>) semaphore(%arg11 : memref<!tpu.dma_semaphore, #tpu.memory_space<semaphore_mem>>)
        %dma_wait3A = arith.constant 0 : i32
        %dma_wait3A_22 = tpu.memref_slice %arg7[%scan3A_16, %dma_wait3A] : memref<120x128xi32, #tpu.memory_space<vmem>> -> memref<1x128xi32, #tpu.memory_space<vmem>>
        %dma_wait3A_23 = tpu.memref_squeeze %dma_wait3A_22 : memref<1x128xi32, #tpu.memory_space<vmem>> -> memref<128xi32, #tpu.memory_space<vmem>>
        %dma_wait3A_24 = arith.constant 0 : i32
        %dma_wait3A_25 = arith.constant 0 : i32
        %dma_wait3A_26 = tpu.memref_slice %arg2[%dma_wait3A_24, %dma_wait3A_25] : memref<10000x128xf32, #tpu.memory_space<hbm>> -> memref<10000x128xf32, #tpu.memory_space<hbm>>
        tpu.wait_indirect_dma semaphore(%arg11 : memref<!tpu.dma_semaphore, #tpu.memory_space<semaphore_mem>>) src(%dma_wait3A_26 : memref<10000x128xf32, #tpu.memory_space<hbm>>) dst(%arg9 : memref<128x128xf32, #tpu.memory_space<vmem>>)
        "tpu.region"() ({
          %run_scoped3A = tpu.sem_alloc : memref<!tpu.dma_semaphore, #tpu.memory_space<semaphore_mem>>
          %dma_start3A_27 = arith.constant 0 : i32
          %dma_start3A_28 = tpu.memref_slice %arg8[%scan3A_16, %dma_start3A_27] : memref<120x128xi32, #tpu.memory_space<vmem>> -> memref<1x128xi32, #tpu.memory_space<vmem>>
          %dma_start3A_29 = tpu.memref_squeeze %dma_start3A_28 : memref<1x128xi32, #tpu.memory_space<vmem>> -> memref<128xi32, #tpu.memory_space<vmem>>
          %dma_start3A_30 = arith.constant 0 : i32
          %dma_start3A_31 = arith.constant 0 : i32
          %dma_start3A_32 = tpu.memref_slice %arg10[%dma_start3A_30, %dma_start3A_31] : memref<10112x128xf32, #tpu.memory_space<vmem_shared>> -> memref<10112x128xf32, #tpu.memory_space<vmem_shared>>
          tpu.enqueue_indirect_dma source(%arg9 : memref<128x128xf32, #tpu.memory_space<vmem>>) target(%dma_start3A_32 : memref<10112x128xf32, #tpu.memory_space<vmem_shared>>) offsets(%dma_start3A_29 : memref<128xi32, #tpu.memory_space<vmem>>) semaphore(%run_scoped3A : memref<!tpu.dma_semaphore, #tpu.memory_space<semaphore_mem>>) {add = true}
          %dma_wait3A_33 = arith.constant 0 : i32
          %dma_wait3A_34 = tpu.memref_slice %arg8[%scan3A_16, %dma_wait3A_33] : memref<120x128xi32, #tpu.memory_space<vmem>> -> memref<1x128xi32, #tpu.memory_space<vmem>>
          %dma_wait3A_35 = tpu.memref_squeeze %dma_wait3A_34 : memref<1x128xi32, #tpu.memory_space<vmem>> -> memref<128xi32, #tpu.memory_space<vmem>>
          %dma_wait3A_36 = arith.constant 0 : i32
          %dma_wait3A_37 = arith.constant 0 : i32
          %dma_wait3A_38 = tpu.memref_slice %arg10[%dma_wait3A_36, %dma_wait3A_37] : memref<10112x128xf32, #tpu.memory_space<vmem_shared>> -> memref<10112x128xf32, #tpu.memory_space<vmem_shared>>
          tpu.wait_indirect_dma semaphore(%run_scoped3A : memref<!tpu.dma_semaphore, #tpu.memory_space<semaphore_mem>>) src(%arg9 : memref<128x128xf32, #tpu.memory_space<vmem>>) dst(%dma_wait3A_38 : memref<10112x128xf32, #tpu.memory_space<vmem_shared>>)
          tpu.yield
        }) : () -> ()
      }
      %scan3A_15 = arith.constant 120 : i32
    } else {
    }
    %eq3A_3 = arith.constant 1 : i32
    %eq3A_4 = arith.cmpi eq, %arg0, %eq3A_3 : i32
    %convert_element_type3A_5 = arith.extui %eq3A_4 : i1 to i32
    %cond3A_6 = arith.constant 0 : i32
    %cond3A_7 = arith.cmpi ne, %convert_element_type3A_5, %cond3A_6 : i32
    scf.if %cond3A_7 {
      %mul3A_8 = arith.constant 40 : i32
      %mul3A_9 = arith.muli %arg1, %mul3A_8 : i32
      %add3A = arith.constant 1920 : i32
      %add3A_10 = arith.addi %add3A, %mul3A_9 : i32
      "tpu.region"() ({
        %run_scoped3A = tpu.sem_alloc : memref<!tpu.dma_semaphore, #tpu.memory_space<semaphore_mem>>
        %dma_start3A = arith.constant 0 : i32
        %dma_start3A_17 = arith.constant 0 : i32
        %dma_start3A_18 = tpu.memref_slice %arg7[%dma_start3A, %dma_start3A_17] : memref<120x128xi32, #tpu.memory_space<vmem>> -> memref<40x128xi32, #tpu.memory_space<vmem>>
        %dma_start3A_19 = arith.constant 0 : i32
        %dma_start3A_20 = tpu.memref_slice %arg3[%add3A_10, %dma_start3A_19] : memref<2560x128xi32, #tpu.memory_space<hbm>> -> memref<40x128xi32, #tpu.memory_space<hbm>>
        %dma_start3A_21 = arith.constant 0 : i32
        %dma_start3A_22 = arith.constant 0 : i32
        %dma_start3A_23 = tpu.memref_slice %arg7[%dma_start3A_21, %dma_start3A_22] : memref<120x128xi32, #tpu.memory_space<vmem>> -> memref<40x128xi32, #tpu.memory_space<vmem>>
        %dma_start3A_24 = arith.constant 0 : i32
        %dma_start3A_25 = tpu.memref_slice %arg3[%add3A_10, %dma_start3A_24] : memref<2560x128xi32, #tpu.memory_space<hbm>> -> memref<40x128xi32, #tpu.memory_space<hbm>>
        tpu.enqueue_dma source(%dma_start3A_25 : memref<40x128xi32, #tpu.memory_space<hbm>>) target(%dma_start3A_23 : memref<40x128xi32, #tpu.memory_space<vmem>>) target_semaphore(%run_scoped3A : memref<!tpu.dma_semaphore, #tpu.memory_space<semaphore_mem>>)
        %dma_wait3A = arith.constant 0 : i32
        %dma_wait3A_26 = arith.constant 0 : i32
        %dma_wait3A_27 = tpu.memref_slice %arg7[%dma_wait3A, %dma_wait3A_26] : memref<120x128xi32, #tpu.memory_space<vmem>> -> memref<40x128xi32, #tpu.memory_space<vmem>>
        %dma_wait3A_28 = arith.constant 0 : i32
        %dma_wait3A_29 = tpu.memref_slice %arg3[%add3A_10, %dma_wait3A_28] : memref<2560x128xi32, #tpu.memory_space<hbm>> -> memref<40x128xi32, #tpu.memory_space<hbm>>
        %dma_wait3A_30 = arith.constant 0 : i32
        %dma_wait3A_31 = arith.constant 0 : i32
        %dma_wait3A_32 = tpu.memref_slice %arg7[%dma_wait3A_30, %dma_wait3A_31] : memref<120x128xi32, #tpu.memory_space<vmem>> -> memref<40x128xi32, #tpu.memory_space<vmem>>
        %dma_wait3A_33 = arith.constant 0 : i32
        %dma_wait3A_34 = tpu.memref_slice %arg3[%add3A_10, %dma_wait3A_33] : memref<2560x128xi32, #tpu.memory_space<hbm>> -> memref<40x128xi32, #tpu.memory_space<hbm>>
        tpu.wait_dma2 semaphore(%run_scoped3A : memref<!tpu.dma_semaphore, #tpu.memory_space<semaphore_mem>>) src(%dma_wait3A_34 : memref<40x128xi32, #tpu.memory_space<hbm>>) dst(%dma_wait3A_32 : memref<40x128xi32, #tpu.memory_space<vmem>>)
        tpu.yield
      }) : () -> ()
      "tpu.region"() ({
        %run_scoped3A = tpu.sem_alloc : memref<!tpu.dma_semaphore, #tpu.memory_space<semaphore_mem>>
        %dma_start3A = arith.constant 0 : i32
        %dma_start3A_17 = arith.constant 0 : i32
        %dma_start3A_18 = tpu.memref_slice %arg8[%dma_start3A, %dma_start3A_17] : memref<120x128xi32, #tpu.memory_space<vmem>> -> memref<40x128xi32, #tpu.memory_space<vmem>>
        %dma_start3A_19 = arith.constant 0 : i32
        %dma_start3A_20 = tpu.memref_slice %arg4[%add3A_10, %dma_start3A_19] : memref<2560x128xi32, #tpu.memory_space<hbm>> -> memref<40x128xi32, #tpu.memory_space<hbm>>
        %dma_start3A_21 = arith.constant 0 : i32
        %dma_start3A_22 = arith.constant 0 : i32
        %dma_start3A_23 = tpu.memref_slice %arg8[%dma_start3A_21, %dma_start3A_22] : memref<120x128xi32, #tpu.memory_space<vmem>> -> memref<40x128xi32, #tpu.memory_space<vmem>>
        %dma_start3A_24 = arith.constant 0 : i32
        %dma_start3A_25 = tpu.memref_slice %arg4[%add3A_10, %dma_start3A_24] : memref<2560x128xi32, #tpu.memory_space<hbm>> -> memref<40x128xi32, #tpu.memory_space<hbm>>
        tpu.enqueue_dma source(%dma_start3A_25 : memref<40x128xi32, #tpu.memory_space<hbm>>) target(%dma_start3A_23 : memref<40x128xi32, #tpu.memory_space<vmem>>) target_semaphore(%run_scoped3A : memref<!tpu.dma_semaphore, #tpu.memory_space<semaphore_mem>>)
        %dma_wait3A = arith.constant 0 : i32
        %dma_wait3A_26 = arith.constant 0 : i32
        %dma_wait3A_27 = tpu.memref_slice %arg8[%dma_wait3A, %dma_wait3A_26] : memref<120x128xi32, #tpu.memory_space<vmem>> -> memref<40x128xi32, #tpu.memory_space<vmem>>
        %dma_wait3A_28 = arith.constant 0 : i32
        %dma_wait3A_29 = tpu.memref_slice %arg4[%add3A_10, %dma_wait3A_28] : memref<2560x128xi32, #tpu.memory_space<hbm>> -> memref<40x128xi32, #tpu.memory_space<hbm>>
        %dma_wait3A_30 = arith.constant 0 : i32
        %dma_wait3A_31 = arith.constant 0 : i32
        %dma_wait3A_32 = tpu.memref_slice %arg8[%dma_wait3A_30, %dma_wait3A_31] : memref<120x128xi32, #tpu.memory_space<vmem>> -> memref<40x128xi32, #tpu.memory_space<vmem>>
        %dma_wait3A_33 = arith.constant 0 : i32
        %dma_wait3A_34 = tpu.memref_slice %arg4[%add3A_10, %dma_wait3A_33] : memref<2560x128xi32, #tpu.memory_space<hbm>> -> memref<40x128xi32, #tpu.memory_space<hbm>>
        tpu.wait_dma2 semaphore(%run_scoped3A : memref<!tpu.dma_semaphore, #tpu.memory_space<semaphore_mem>>) src(%dma_wait3A_34 : memref<40x128xi32, #tpu.memory_space<hbm>>) dst(%dma_wait3A_32 : memref<40x128xi32, #tpu.memory_space<vmem>>)
        tpu.yield
      }) : () -> ()
      %barrier3A_11 = arith.constant 0 : index
      tpu.barrier barrier_id(%barrier3A_11)
      %scan3A = arith.constant 0 : i32
      %scan3A_12 = arith.constant 0 : i32
      %scan3A_13 = arith.constant 40 : i32
      %scan3A_14 = arith.addi %scan3A_12, %scan3A_13 : i32
      %scan3A_15 = arith.constant 1 : i32
      scf.for %scan3A_17 = %scan3A_12 to %scan3A_14 step %scan3A_15  : i32 {
        %dma_start3A = arith.constant 0 : i32
        %dma_start3A_18 = tpu.memref_slice %arg7[%scan3A_17, %dma_start3A] : memref<120x128xi32, #tpu.memory_space<vmem>> -> memref<1x128xi32, #tpu.memory_space<vmem>>
        %dma_start3A_19 = tpu.memref_squeeze %dma_start3A_18 : memref<1x128xi32, #tpu.memory_space<vmem>> -> memref<128xi32, #tpu.memory_space<vmem>>
        %dma_start3A_20 = arith.constant 0 : i32
        %dma_start3A_21 = arith.constant 0 : i32
        %dma_start3A_22 = tpu.memref_slice %arg2[%dma_start3A_20, %dma_start3A_21] : memref<10000x128xf32, #tpu.memory_space<hbm>> -> memref<10000x128xf32, #tpu.memory_space<hbm>>
        tpu.enqueue_indirect_dma source(%dma_start3A_22 : memref<10000x128xf32, #tpu.memory_space<hbm>>) target(%arg9 : memref<128x128xf32, #tpu.memory_space<vmem>>) offsets(%dma_start3A_19 : memref<128xi32, #tpu.memory_space<vmem>>) semaphore(%arg11 : memref<!tpu.dma_semaphore, #tpu.memory_space<semaphore_mem>>)
        %dma_wait3A = arith.constant 0 : i32
        %dma_wait3A_23 = tpu.memref_slice %arg7[%scan3A_17, %dma_wait3A] : memref<120x128xi32, #tpu.memory_space<vmem>> -> memref<1x128xi32, #tpu.memory_space<vmem>>
        %dma_wait3A_24 = tpu.memref_squeeze %dma_wait3A_23 : memref<1x128xi32, #tpu.memory_space<vmem>> -> memref<128xi32, #tpu.memory_space<vmem>>
        %dma_wait3A_25 = arith.constant 0 : i32
        %dma_wait3A_26 = arith.constant 0 : i32
        %dma_wait3A_27 = tpu.memref_slice %arg2[%dma_wait3A_25, %dma_wait3A_26] : memref<10000x128xf32, #tpu.memory_space<hbm>> -> memref<10000x128xf32, #tpu.memory_space<hbm>>
        tpu.wait_indirect_dma semaphore(%arg11 : memref<!tpu.dma_semaphore, #tpu.memory_space<semaphore_mem>>) src(%dma_wait3A_27 : memref<10000x128xf32, #tpu.memory_space<hbm>>) dst(%arg9 : memref<128x128xf32, #tpu.memory_space<vmem>>)
        "tpu.region"() ({
          %run_scoped3A = tpu.sem_alloc : memref<!tpu.dma_semaphore, #tpu.memory_space<semaphore_mem>>
          %dma_start3A_28 = arith.constant 0 : i32
          %dma_start3A_29 = tpu.memref_slice %arg8[%scan3A_17, %dma_start3A_28] : memref<120x128xi32, #tpu.memory_space<vmem>> -> memref<1x128xi32, #tpu.memory_space<vmem>>
          %dma_start3A_30 = tpu.memref_squeeze %dma_start3A_29 : memref<1x128xi32, #tpu.memory_space<vmem>> -> memref<128xi32, #tpu.memory_space<vmem>>
          %dma_start3A_31 = arith.constant 0 : i32
          %dma_start3A_32 = arith.constant 0 : i32
          %dma_start3A_33 = tpu.memref_slice %arg10[%dma_start3A_31, %dma_start3A_32] : memref<10112x128xf32, #tpu.memory_space<vmem_shared>> -> memref<10112x128xf32, #tpu.memory_space<vmem_shared>>
          tpu.enqueue_indirect_dma source(%arg9 : memref<128x128xf32, #tpu.memory_space<vmem>>) target(%dma_start3A_33 : memref<10112x128xf32, #tpu.memory_space<vmem_shared>>) offsets(%dma_start3A_30 : memref<128xi32, #tpu.memory_space<vmem>>) semaphore(%run_scoped3A : memref<!tpu.dma_semaphore, #tpu.memory_space<semaphore_mem>>) {add = true}
          %dma_wait3A_34 = arith.constant 0 : i32
          %dma_wait3A_35 = tpu.memref_slice %arg8[%scan3A_17, %dma_wait3A_34] : memref<120x128xi32, #tpu.memory_space<vmem>> -> memref<1x128xi32, #tpu.memory_space<vmem>>
          %dma_wait3A_36 = tpu.memref_squeeze %dma_wait3A_35 : memref<1x128xi32, #tpu.memory_space<vmem>> -> memref<128xi32, #tpu.memory_space<vmem>>
          %dma_wait3A_37 = arith.constant 0 : i32
          %dma_wait3A_38 = arith.constant 0 : i32
          %dma_wait3A_39 = tpu.memref_slice %arg10[%dma_wait3A_37, %dma_wait3A_38] : memref<10112x128xf32, #tpu.memory_space<vmem_shared>> -> memref<10112x128xf32, #tpu.memory_space<vmem_shared>>
          tpu.wait_indirect_dma semaphore(%run_scoped3A : memref<!tpu.dma_semaphore, #tpu.memory_space<semaphore_mem>>) src(%arg9 : memref<128x128xf32, #tpu.memory_space<vmem>>) dst(%dma_wait3A_39 : memref<10112x128xf32, #tpu.memory_space<vmem_shared>>)
          tpu.yield
        }) : () -> ()
      }
      %scan3A_16 = arith.constant 40 : i32
    } else {
    }
    %barrier3A = arith.constant 0 : index
    tpu.barrier barrier_id(%barrier3A)
    "tpu.region"() ({
      %run_scoped3A = tpu.sem_alloc : memref<!tpu.dma_semaphore, #tpu.memory_space<semaphore_mem>>
      %dma_start3A = arith.constant 0 : i32
      %dma_start3A_8 = tpu.memref_slice %arg6[%arg0, %mul3A_0, %dma_start3A] : memref<2x10112x128xf32, #tpu.memory_space<hbm>> -> memref<1x632x128xf32, #tpu.memory_space<hbm>>
      %dma_start3A_9 = tpu.memref_squeeze %dma_start3A_8 : memref<1x632x128xf32, #tpu.memory_space<hbm>> -> memref<632x128xf32, #tpu.memory_space<hbm>>
      %dma_start3A_10 = arith.constant 0 : i32
      %dma_start3A_11 = tpu.memref_slice %arg10[%mul3A_0, %dma_start3A_10] : memref<10112x128xf32, #tpu.memory_space<vmem_shared>> -> memref<632x128xf32, #tpu.memory_space<vmem_shared>>
      tpu.enqueue_dma source(%dma_start3A_11 : memref<632x128xf32, #tpu.memory_space<vmem_shared>>) target(%dma_start3A_9 : memref<632x128xf32, #tpu.memory_space<hbm>>) target_semaphore(%run_scoped3A : memref<!tpu.dma_semaphore, #tpu.memory_space<semaphore_mem>>)
      %dma_wait3A = arith.constant 0 : i32
      %dma_wait3A_12 = tpu.memref_slice %arg6[%arg0, %mul3A_0, %dma_wait3A] : memref<2x10112x128xf32, #tpu.memory_space<hbm>> -> memref<1x632x128xf32, #tpu.memory_space<hbm>>
      %dma_wait3A_13 = tpu.memref_squeeze %dma_wait3A_12 : memref<1x632x128xf32, #tpu.memory_space<hbm>> -> memref<632x128xf32, #tpu.memory_space<hbm>>
      %dma_wait3A_14 = arith.constant 0 : i32
      %dma_wait3A_15 = tpu.memref_slice %arg10[%mul3A_0, %dma_wait3A_14] : memref<10112x128xf32, #tpu.memory_space<vmem_shared>> -> memref<632x128xf32, #tpu.memory_space<vmem_shared>>
      tpu.wait_dma2 semaphore(%run_scoped3A : memref<!tpu.dma_semaphore, #tpu.memory_space<semaphore_mem>>) src(%dma_wait3A_15 : memref<632x128xf32, #tpu.memory_space<vmem_shared>>) dst(%dma_wait3A_13 : memref<632x128xf32, #tpu.memory_space<hbm>>)
      tpu.yield
    }) : () -> ()
    return
  }
}

#map = affine_map<(d0, d1) -> (0, 0)>
#map1 = affine_map<(d0, d1) -> (0, 0, 0)>
module attributes {stable_mosaic.version = 14 : i64} {
  func.func @_agg_body(%arg0: i32, %arg1: i32, %arg2: memref<10000x128xf32, #tpu.memory_space<hbm>>, %arg3: memref<2560x128xi32, #tpu.memory_space<hbm>>, %arg4: memref<2560x128xi32, #tpu.memory_space<hbm>>, %arg5: memref<632x128xf32, #tpu.memory_space<hbm>>, %arg6: memref<2x10112x128xf32, #tpu.memory_space<hbm>>, %arg7: memref<120x128xi32, #tpu.memory_space<vmem>>, %arg8: memref<120x128xi32, #tpu.memory_space<vmem>>, %arg9: memref<128x128xf32, #tpu.memory_space<vmem>>, %arg10: memref<10112x128xf32, #tpu.memory_space<vmem_shared>>, %arg11: memref<!tpu.dma_semaphore, #tpu.memory_space<semaphore_mem>>) attributes {dimension_semantics = [#tpu.dimension_semantics<core_parallel>, #tpu.dimension_semantics<subcore_parallel>], iteration_bounds = array<i64: 2, 16>, scalar_prefetch = 0 : i64, scratch_operands = 5 : i64, tpu.core_type = #tpu.core_type<sc_vector_subcore>, window_params = [{transform_indices = #map}, {transform_indices = #map}, {transform_indices = #map}, {transform_indices = #map}, {transform_indices = #map1}]} {
    %mul3A = arith.constant 632 : i32
    %mul3A_0 = arith.muli %arg1, %mul3A : i32
    "tpu.region"() ({
      %run_scoped3A = tpu.sem_alloc : memref<!tpu.dma_semaphore, #tpu.memory_space<semaphore_mem>>
      %dma_start3A = arith.constant 0 : i32
      %dma_start3A_8 = tpu.memref_slice %arg10[%mul3A_0, %dma_start3A] : memref<10112x128xf32, #tpu.memory_space<vmem_shared>> -> memref<632x128xf32, #tpu.memory_space<vmem_shared>>
      tpu.enqueue_dma source(%arg5 : memref<632x128xf32, #tpu.memory_space<hbm>>) target(%dma_start3A_8 : memref<632x128xf32, #tpu.memory_space<vmem_shared>>) target_semaphore(%run_scoped3A : memref<!tpu.dma_semaphore, #tpu.memory_space<semaphore_mem>>)
      %dma_wait3A = arith.constant 0 : i32
      %dma_wait3A_9 = tpu.memref_slice %arg10[%mul3A_0, %dma_wait3A] : memref<10112x128xf32, #tpu.memory_space<vmem_shared>> -> memref<632x128xf32, #tpu.memory_space<vmem_shared>>
      tpu.wait_dma2 semaphore(%run_scoped3A : memref<!tpu.dma_semaphore, #tpu.memory_space<semaphore_mem>>) src(%arg5 : memref<632x128xf32, #tpu.memory_space<hbm>>) dst(%dma_wait3A_9 : memref<632x128xf32, #tpu.memory_space<vmem_shared>>)
      tpu.yield
    }) : () -> ()
    %eq3A = arith.constant 0 : i32
    %eq3A_1 = arith.cmpi eq, %arg0, %eq3A : i32
    %convert_element_type3A = arith.extui %eq3A_1 : i1 to i32
    %cond3A = arith.constant 0 : i32
    %cond3A_2 = arith.cmpi ne, %convert_element_type3A, %cond3A : i32
    scf.if %cond3A_2 {
      %mul3A_8 = arith.constant 120 : i32
      %mul3A_9 = arith.muli %arg1, %mul3A_8 : i32
      "tpu.region"() ({
        %run_scoped3A = tpu.sem_alloc : memref<!tpu.dma_semaphore, #tpu.memory_space<semaphore_mem>>
        %dma_start3A = arith.constant 0 : i32
        %dma_start3A_16 = arith.constant 0 : i32
        %dma_start3A_17 = tpu.memref_slice %arg7[%dma_start3A, %dma_start3A_16] : memref<120x128xi32, #tpu.memory_space<vmem>> -> memref<120x128xi32, #tpu.memory_space<vmem>>
        %dma_start3A_18 = arith.constant 0 : i32
        %dma_start3A_19 = tpu.memref_slice %arg3[%mul3A_9, %dma_start3A_18] : memref<2560x128xi32, #tpu.memory_space<hbm>> -> memref<120x128xi32, #tpu.memory_space<hbm>>
        %dma_start3A_20 = arith.constant 0 : i32
        %dma_start3A_21 = arith.constant 0 : i32
        %dma_start3A_22 = tpu.memref_slice %arg7[%dma_start3A_20, %dma_start3A_21] : memref<120x128xi32, #tpu.memory_space<vmem>> -> memref<120x128xi32, #tpu.memory_space<vmem>>
        %dma_start3A_23 = arith.constant 0 : i32
        %dma_start3A_24 = tpu.memref_slice %arg3[%mul3A_9, %dma_start3A_23] : memref<2560x128xi32, #tpu.memory_space<hbm>> -> memref<120x128xi32, #tpu.memory_space<hbm>>
        tpu.enqueue_dma source(%dma_start3A_24 : memref<120x128xi32, #tpu.memory_space<hbm>>) target(%dma_start3A_22 : memref<120x128xi32, #tpu.memory_space<vmem>>) target_semaphore(%run_scoped3A : memref<!tpu.dma_semaphore, #tpu.memory_space<semaphore_mem>>)
        %dma_wait3A = arith.constant 0 : i32
        %dma_wait3A_25 = arith.constant 0 : i32
        %dma_wait3A_26 = tpu.memref_slice %arg7[%dma_wait3A, %dma_wait3A_25] : memref<120x128xi32, #tpu.memory_space<vmem>> -> memref<120x128xi32, #tpu.memory_space<vmem>>
        %dma_wait3A_27 = arith.constant 0 : i32
        %dma_wait3A_28 = tpu.memref_slice %arg3[%mul3A_9, %dma_wait3A_27] : memref<2560x128xi32, #tpu.memory_space<hbm>> -> memref<120x128xi32, #tpu.memory_space<hbm>>
        %dma_wait3A_29 = arith.constant 0 : i32
        %dma_wait3A_30 = arith.constant 0 : i32
        %dma_wait3A_31 = tpu.memref_slice %arg7[%dma_wait3A_29, %dma_wait3A_30] : memref<120x128xi32, #tpu.memory_space<vmem>> -> memref<120x128xi32, #tpu.memory_space<vmem>>
        %dma_wait3A_32 = arith.constant 0 : i32
        %dma_wait3A_33 = tpu.memref_slice %arg3[%mul3A_9, %dma_wait3A_32] : memref<2560x128xi32, #tpu.memory_space<hbm>> -> memref<120x128xi32, #tpu.memory_space<hbm>>
        tpu.wait_dma2 semaphore(%run_scoped3A : memref<!tpu.dma_semaphore, #tpu.memory_space<semaphore_mem>>) src(%dma_wait3A_33 : memref<120x128xi32, #tpu.memory_space<hbm>>) dst(%dma_wait3A_31 : memref<120x128xi32, #tpu.memory_space<vmem>>)
        tpu.yield
      }) : () -> ()
      "tpu.region"() ({
        %run_scoped3A = tpu.sem_alloc : memref<!tpu.dma_semaphore, #tpu.memory_space<semaphore_mem>>
        %dma_start3A = arith.constant 0 : i32
        %dma_start3A_16 = arith.constant 0 : i32
        %dma_start3A_17 = tpu.memref_slice %arg8[%dma_start3A, %dma_start3A_16] : memref<120x128xi32, #tpu.memory_space<vmem>> -> memref<120x128xi32, #tpu.memory_space<vmem>>
        %dma_start3A_18 = arith.constant 0 : i32
        %dma_start3A_19 = tpu.memref_slice %arg4[%mul3A_9, %dma_start3A_18] : memref<2560x128xi32, #tpu.memory_space<hbm>> -> memref<120x128xi32, #tpu.memory_space<hbm>>
        %dma_start3A_20 = arith.constant 0 : i32
        %dma_start3A_21 = arith.constant 0 : i32
        %dma_start3A_22 = tpu.memref_slice %arg8[%dma_start3A_20, %dma_start3A_21] : memref<120x128xi32, #tpu.memory_space<vmem>> -> memref<120x128xi32, #tpu.memory_space<vmem>>
        %dma_start3A_23 = arith.constant 0 : i32
        %dma_start3A_24 = tpu.memref_slice %arg4[%mul3A_9, %dma_start3A_23] : memref<2560x128xi32, #tpu.memory_space<hbm>> -> memref<120x128xi32, #tpu.memory_space<hbm>>
        tpu.enqueue_dma source(%dma_start3A_24 : memref<120x128xi32, #tpu.memory_space<hbm>>) target(%dma_start3A_22 : memref<120x128xi32, #tpu.memory_space<vmem>>) target_semaphore(%run_scoped3A : memref<!tpu.dma_semaphore, #tpu.memory_space<semaphore_mem>>)
        %dma_wait3A = arith.constant 0 : i32
        %dma_wait3A_25 = arith.constant 0 : i32
        %dma_wait3A_26 = tpu.memref_slice %arg8[%dma_wait3A, %dma_wait3A_25] : memref<120x128xi32, #tpu.memory_space<vmem>> -> memref<120x128xi32, #tpu.memory_space<vmem>>
        %dma_wait3A_27 = arith.constant 0 : i32
        %dma_wait3A_28 = tpu.memref_slice %arg4[%mul3A_9, %dma_wait3A_27] : memref<2560x128xi32, #tpu.memory_space<hbm>> -> memref<120x128xi32, #tpu.memory_space<hbm>>
        %dma_wait3A_29 = arith.constant 0 : i32
        %dma_wait3A_30 = arith.constant 0 : i32
        %dma_wait3A_31 = tpu.memref_slice %arg8[%dma_wait3A_29, %dma_wait3A_30] : memref<120x128xi32, #tpu.memory_space<vmem>> -> memref<120x128xi32, #tpu.memory_space<vmem>>
        %dma_wait3A_32 = arith.constant 0 : i32
        %dma_wait3A_33 = tpu.memref_slice %arg4[%mul3A_9, %dma_wait3A_32] : memref<2560x128xi32, #tpu.memory_space<hbm>> -> memref<120x128xi32, #tpu.memory_space<hbm>>
        tpu.wait_dma2 semaphore(%run_scoped3A : memref<!tpu.dma_semaphore, #tpu.memory_space<semaphore_mem>>) src(%dma_wait3A_33 : memref<120x128xi32, #tpu.memory_space<hbm>>) dst(%dma_wait3A_31 : memref<120x128xi32, #tpu.memory_space<vmem>>)
        tpu.yield
      }) : () -> ()
      %barrier3A_10 = arith.constant 0 : index
      tpu.barrier barrier_id(%barrier3A_10)
      %scan3A = arith.constant 0 : i32
      %scan3A_11 = arith.constant 0 : i32
      %scan3A_12 = arith.constant 120 : i32
      %scan3A_13 = arith.addi %scan3A_11, %scan3A_12 : i32
      %scan3A_14 = arith.constant 1 : i32
      scf.for %scan3A_16 = %scan3A_11 to %scan3A_13 step %scan3A_14  : i32 {
        %dma_start3A = arith.constant 0 : i32
        %dma_start3A_17 = tpu.memref_slice %arg7[%scan3A_16, %dma_start3A] : memref<120x128xi32, #tpu.memory_space<vmem>> -> memref<1x128xi32, #tpu.memory_space<vmem>>
        %dma_start3A_18 = tpu.memref_squeeze %dma_start3A_17 : memref<1x128xi32, #tpu.memory_space<vmem>> -> memref<128xi32, #tpu.memory_space<vmem>>
        %dma_start3A_19 = arith.constant 0 : i32
        %dma_start3A_20 = arith.constant 0 : i32
        %dma_start3A_21 = tpu.memref_slice %arg2[%dma_start3A_19, %dma_start3A_20] : memref<10000x128xf32, #tpu.memory_space<hbm>> -> memref<10000x128xf32, #tpu.memory_space<hbm>>
        tpu.enqueue_indirect_dma source(%dma_start3A_21 : memref<10000x128xf32, #tpu.memory_space<hbm>>) target(%arg9 : memref<128x128xf32, #tpu.memory_space<vmem>>) offsets(%dma_start3A_18 : memref<128xi32, #tpu.memory_space<vmem>>) semaphore(%arg11 : memref<!tpu.dma_semaphore, #tpu.memory_space<semaphore_mem>>)
        %dma_wait3A = arith.constant 0 : i32
        %dma_wait3A_22 = tpu.memref_slice %arg7[%scan3A_16, %dma_wait3A] : memref<120x128xi32, #tpu.memory_space<vmem>> -> memref<1x128xi32, #tpu.memory_space<vmem>>
        %dma_wait3A_23 = tpu.memref_squeeze %dma_wait3A_22 : memref<1x128xi32, #tpu.memory_space<vmem>> -> memref<128xi32, #tpu.memory_space<vmem>>
        %dma_wait3A_24 = arith.constant 0 : i32
        %dma_wait3A_25 = arith.constant 0 : i32
        %dma_wait3A_26 = tpu.memref_slice %arg2[%dma_wait3A_24, %dma_wait3A_25] : memref<10000x128xf32, #tpu.memory_space<hbm>> -> memref<10000x128xf32, #tpu.memory_space<hbm>>
        tpu.wait_indirect_dma semaphore(%arg11 : memref<!tpu.dma_semaphore, #tpu.memory_space<semaphore_mem>>) src(%dma_wait3A_26 : memref<10000x128xf32, #tpu.memory_space<hbm>>) dst(%arg9 : memref<128x128xf32, #tpu.memory_space<vmem>>)
        "tpu.region"() ({
          %run_scoped3A = tpu.sem_alloc : memref<!tpu.dma_semaphore, #tpu.memory_space<semaphore_mem>>
          %dma_start3A_27 = arith.constant 0 : i32
          %dma_start3A_28 = tpu.memref_slice %arg8[%scan3A_16, %dma_start3A_27] : memref<120x128xi32, #tpu.memory_space<vmem>> -> memref<1x128xi32, #tpu.memory_space<vmem>>
          %dma_start3A_29 = tpu.memref_squeeze %dma_start3A_28 : memref<1x128xi32, #tpu.memory_space<vmem>> -> memref<128xi32, #tpu.memory_space<vmem>>
          %dma_start3A_30 = arith.constant 0 : i32
          %dma_start3A_31 = arith.constant 0 : i32
          %dma_start3A_32 = tpu.memref_slice %arg10[%dma_start3A_30, %dma_start3A_31] : memref<10112x128xf32, #tpu.memory_space<vmem_shared>> -> memref<10112x128xf32, #tpu.memory_space<vmem_shared>>
          tpu.enqueue_indirect_dma source(%arg9 : memref<128x128xf32, #tpu.memory_space<vmem>>) target(%dma_start3A_32 : memref<10112x128xf32, #tpu.memory_space<vmem_shared>>) offsets(%dma_start3A_29 : memref<128xi32, #tpu.memory_space<vmem>>) semaphore(%run_scoped3A : memref<!tpu.dma_semaphore, #tpu.memory_space<semaphore_mem>>) {add = true}
          %dma_wait3A_33 = arith.constant 0 : i32
          %dma_wait3A_34 = tpu.memref_slice %arg8[%scan3A_16, %dma_wait3A_33] : memref<120x128xi32, #tpu.memory_space<vmem>> -> memref<1x128xi32, #tpu.memory_space<vmem>>
          %dma_wait3A_35 = tpu.memref_squeeze %dma_wait3A_34 : memref<1x128xi32, #tpu.memory_space<vmem>> -> memref<128xi32, #tpu.memory_space<vmem>>
          %dma_wait3A_36 = arith.constant 0 : i32
          %dma_wait3A_37 = arith.constant 0 : i32
          %dma_wait3A_38 = tpu.memref_slice %arg10[%dma_wait3A_36, %dma_wait3A_37] : memref<10112x128xf32, #tpu.memory_space<vmem_shared>> -> memref<10112x128xf32, #tpu.memory_space<vmem_shared>>
          tpu.wait_indirect_dma semaphore(%run_scoped3A : memref<!tpu.dma_semaphore, #tpu.memory_space<semaphore_mem>>) src(%arg9 : memref<128x128xf32, #tpu.memory_space<vmem>>) dst(%dma_wait3A_38 : memref<10112x128xf32, #tpu.memory_space<vmem_shared>>)
          tpu.yield
        }) : () -> ()
      }
      %scan3A_15 = arith.constant 120 : i32
    } else {
    }
    %eq3A_3 = arith.constant 1 : i32
    %eq3A_4 = arith.cmpi eq, %arg0, %eq3A_3 : i32
    %convert_element_type3A_5 = arith.extui %eq3A_4 : i1 to i32
    %cond3A_6 = arith.constant 0 : i32
    %cond3A_7 = arith.cmpi ne, %convert_element_type3A_5, %cond3A_6 : i32
    scf.if %cond3A_7 {
      %mul3A_8 = arith.constant 40 : i32
      %mul3A_9 = arith.muli %arg1, %mul3A_8 : i32
      %add3A = arith.constant 1920 : i32
      %add3A_10 = arith.addi %add3A, %mul3A_9 : i32
      "tpu.region"() ({
        %run_scoped3A = tpu.sem_alloc : memref<!tpu.dma_semaphore, #tpu.memory_space<semaphore_mem>>
        %dma_start3A = arith.constant 0 : i32
        %dma_start3A_17 = arith.constant 0 : i32
        %dma_start3A_18 = tpu.memref_slice %arg7[%dma_start3A, %dma_start3A_17] : memref<120x128xi32, #tpu.memory_space<vmem>> -> memref<40x128xi32, #tpu.memory_space<vmem>>
        %dma_start3A_19 = arith.constant 0 : i32
        %dma_start3A_20 = tpu.memref_slice %arg3[%add3A_10, %dma_start3A_19] : memref<2560x128xi32, #tpu.memory_space<hbm>> -> memref<40x128xi32, #tpu.memory_space<hbm>>
        %dma_start3A_21 = arith.constant 0 : i32
        %dma_start3A_22 = arith.constant 0 : i32
        %dma_start3A_23 = tpu.memref_slice %arg7[%dma_start3A_21, %dma_start3A_22] : memref<120x128xi32, #tpu.memory_space<vmem>> -> memref<40x128xi32, #tpu.memory_space<vmem>>
        %dma_start3A_24 = arith.constant 0 : i32
        %dma_start3A_25 = tpu.memref_slice %arg3[%add3A_10, %dma_start3A_24] : memref<2560x128xi32, #tpu.memory_space<hbm>> -> memref<40x128xi32, #tpu.memory_space<hbm>>
        tpu.enqueue_dma source(%dma_start3A_25 : memref<40x128xi32, #tpu.memory_space<hbm>>) target(%dma_start3A_23 : memref<40x128xi32, #tpu.memory_space<vmem>>) target_semaphore(%run_scoped3A : memref<!tpu.dma_semaphore, #tpu.memory_space<semaphore_mem>>)
        %dma_wait3A = arith.constant 0 : i32
        %dma_wait3A_26 = arith.constant 0 : i32
        %dma_wait3A_27 = tpu.memref_slice %arg7[%dma_wait3A, %dma_wait3A_26] : memref<120x128xi32, #tpu.memory_space<vmem>> -> memref<40x128xi32, #tpu.memory_space<vmem>>
        %dma_wait3A_28 = arith.constant 0 : i32
        %dma_wait3A_29 = tpu.memref_slice %arg3[%add3A_10, %dma_wait3A_28] : memref<2560x128xi32, #tpu.memory_space<hbm>> -> memref<40x128xi32, #tpu.memory_space<hbm>>
        %dma_wait3A_30 = arith.constant 0 : i32
        %dma_wait3A_31 = arith.constant 0 : i32
        %dma_wait3A_32 = tpu.memref_slice %arg7[%dma_wait3A_30, %dma_wait3A_31] : memref<120x128xi32, #tpu.memory_space<vmem>> -> memref<40x128xi32, #tpu.memory_space<vmem>>
        %dma_wait3A_33 = arith.constant 0 : i32
        %dma_wait3A_34 = tpu.memref_slice %arg3[%add3A_10, %dma_wait3A_33] : memref<2560x128xi32, #tpu.memory_space<hbm>> -> memref<40x128xi32, #tpu.memory_space<hbm>>
        tpu.wait_dma2 semaphore(%run_scoped3A : memref<!tpu.dma_semaphore, #tpu.memory_space<semaphore_mem>>) src(%dma_wait3A_34 : memref<40x128xi32, #tpu.memory_space<hbm>>) dst(%dma_wait3A_32 : memref<40x128xi32, #tpu.memory_space<vmem>>)
        tpu.yield
      }) : () -> ()
      "tpu.region"() ({
        %run_scoped3A = tpu.sem_alloc : memref<!tpu.dma_semaphore, #tpu.memory_space<semaphore_mem>>
        %dma_start3A = arith.constant 0 : i32
        %dma_start3A_17 = arith.constant 0 : i32
        %dma_start3A_18 = tpu.memref_slice %arg8[%dma_start3A, %dma_start3A_17] : memref<120x128xi32, #tpu.memory_space<vmem>> -> memref<40x128xi32, #tpu.memory_space<vmem>>
        %dma_start3A_19 = arith.constant 0 : i32
        %dma_start3A_20 = tpu.memref_slice %arg4[%add3A_10, %dma_start3A_19] : memref<2560x128xi32, #tpu.memory_space<hbm>> -> memref<40x128xi32, #tpu.memory_space<hbm>>
        %dma_start3A_21 = arith.constant 0 : i32
        %dma_start3A_22 = arith.constant 0 : i32
        %dma_start3A_23 = tpu.memref_slice %arg8[%dma_start3A_21, %dma_start3A_22] : memref<120x128xi32, #tpu.memory_space<vmem>> -> memref<40x128xi32, #tpu.memory_space<vmem>>
        %dma_start3A_24 = arith.constant 0 : i32
        %dma_start3A_25 = tpu.memref_slice %arg4[%add3A_10, %dma_start3A_24] : memref<2560x128xi32, #tpu.memory_space<hbm>> -> memref<40x128xi32, #tpu.memory_space<hbm>>
        tpu.enqueue_dma source(%dma_start3A_25 : memref<40x128xi32, #tpu.memory_space<hbm>>) target(%dma_start3A_23 : memref<40x128xi32, #tpu.memory_space<vmem>>) target_semaphore(%run_scoped3A : memref<!tpu.dma_semaphore, #tpu.memory_space<semaphore_mem>>)
        %dma_wait3A = arith.constant 0 : i32
        %dma_wait3A_26 = arith.constant 0 : i32
        %dma_wait3A_27 = tpu.memref_slice %arg8[%dma_wait3A, %dma_wait3A_26] : memref<120x128xi32, #tpu.memory_space<vmem>> -> memref<40x128xi32, #tpu.memory_space<vmem>>
        %dma_wait3A_28 = arith.constant 0 : i32
        %dma_wait3A_29 = tpu.memref_slice %arg4[%add3A_10, %dma_wait3A_28] : memref<2560x128xi32, #tpu.memory_space<hbm>> -> memref<40x128xi32, #tpu.memory_space<hbm>>
        %dma_wait3A_30 = arith.constant 0 : i32
        %dma_wait3A_31 = arith.constant 0 : i32
        %dma_wait3A_32 = tpu.memref_slice %arg8[%dma_wait3A_30, %dma_wait3A_31] : memref<120x128xi32, #tpu.memory_space<vmem>> -> memref<40x128xi32, #tpu.memory_space<vmem>>
        %dma_wait3A_33 = arith.constant 0 : i32
        %dma_wait3A_34 = tpu.memref_slice %arg4[%add3A_10, %dma_wait3A_33] : memref<2560x128xi32, #tpu.memory_space<hbm>> -> memref<40x128xi32, #tpu.memory_space<hbm>>
        tpu.wait_dma2 semaphore(%run_scoped3A : memref<!tpu.dma_semaphore, #tpu.memory_space<semaphore_mem>>) src(%dma_wait3A_34 : memref<40x128xi32, #tpu.memory_space<hbm>>) dst(%dma_wait3A_32 : memref<40x128xi32, #tpu.memory_space<vmem>>)
        tpu.yield
      }) : () -> ()
      %barrier3A_11 = arith.constant 0 : index
      tpu.barrier barrier_id(%barrier3A_11)
      %scan3A = arith.constant 0 : i32
      %scan3A_12 = arith.constant 0 : i32
      %scan3A_13 = arith.constant 40 : i32
      %scan3A_14 = arith.addi %scan3A_12, %scan3A_13 : i32
      %scan3A_15 = arith.constant 1 : i32
      scf.for %scan3A_17 = %scan3A_12 to %scan3A_14 step %scan3A_15  : i32 {
        %dma_start3A = arith.constant 0 : i32
        %dma_start3A_18 = tpu.memref_slice %arg7[%scan3A_17, %dma_start3A] : memref<120x128xi32, #tpu.memory_space<vmem>> -> memref<1x128xi32, #tpu.memory_space<vmem>>
        %dma_start3A_19 = tpu.memref_squeeze %dma_start3A_18 : memref<1x128xi32, #tpu.memory_space<vmem>> -> memref<128xi32, #tpu.memory_space<vmem>>
        %dma_start3A_20 = arith.constant 0 : i32
        %dma_start3A_21 = arith.constant 0 : i32
        %dma_start3A_22 = tpu.memref_slice %arg2[%dma_start3A_20, %dma_start3A_21] : memref<10000x128xf32, #tpu.memory_space<hbm>> -> memref<10000x128xf32, #tpu.memory_space<hbm>>
        tpu.enqueue_indirect_dma source(%dma_start3A_22 : memref<10000x128xf32, #tpu.memory_space<hbm>>) target(%arg9 : memref<128x128xf32, #tpu.memory_space<vmem>>) offsets(%dma_start3A_19 : memref<128xi32, #tpu.memory_space<vmem>>) semaphore(%arg11 : memref<!tpu.dma_semaphore, #tpu.memory_space<semaphore_mem>>)
        %dma_wait3A = arith.constant 0 : i32
        %dma_wait3A_23 = tpu.memref_slice %arg7[%scan3A_17, %dma_wait3A] : memref<120x128xi32, #tpu.memory_space<vmem>> -> memref<1x128xi32, #tpu.memory_space<vmem>>
        %dma_wait3A_24 = tpu.memref_squeeze %dma_wait3A_23 : memref<1x128xi32, #tpu.memory_space<vmem>> -> memref<128xi32, #tpu.memory_space<vmem>>
        %dma_wait3A_25 = arith.constant 0 : i32
        %dma_wait3A_26 = arith.constant 0 : i32
        %dma_wait3A_27 = tpu.memref_slice %arg2[%dma_wait3A_25, %dma_wait3A_26] : memref<10000x128xf32, #tpu.memory_space<hbm>> -> memref<10000x128xf32, #tpu.memory_space<hbm>>
        tpu.wait_indirect_dma semaphore(%arg11 : memref<!tpu.dma_semaphore, #tpu.memory_space<semaphore_mem>>) src(%dma_wait3A_27 : memref<10000x128xf32, #tpu.memory_space<hbm>>) dst(%arg9 : memref<128x128xf32, #tpu.memory_space<vmem>>)
        "tpu.region"() ({
          %run_scoped3A = tpu.sem_alloc : memref<!tpu.dma_semaphore, #tpu.memory_space<semaphore_mem>>
          %dma_start3A_28 = arith.constant 0 : i32
          %dma_start3A_29 = tpu.memref_slice %arg8[%scan3A_17, %dma_start3A_28] : memref<120x128xi32, #tpu.memory_space<vmem>> -> memref<1x128xi32, #tpu.memory_space<vmem>>
          %dma_start3A_30 = tpu.memref_squeeze %dma_start3A_29 : memref<1x128xi32, #tpu.memory_space<vmem>> -> memref<128xi32, #tpu.memory_space<vmem>>
          %dma_start3A_31 = arith.constant 0 : i32
          %dma_start3A_32 = arith.constant 0 : i32
          %dma_start3A_33 = tpu.memref_slice %arg10[%dma_start3A_31, %dma_start3A_32] : memref<10112x128xf32, #tpu.memory_space<vmem_shared>> -> memref<10112x128xf32, #tpu.memory_space<vmem_shared>>
          tpu.enqueue_indirect_dma source(%arg9 : memref<128x128xf32, #tpu.memory_space<vmem>>) target(%dma_start3A_33 : memref<10112x128xf32, #tpu.memory_space<vmem_shared>>) offsets(%dma_start3A_30 : memref<128xi32, #tpu.memory_space<vmem>>) semaphore(%run_scoped3A : memref<!tpu.dma_semaphore, #tpu.memory_space<semaphore_mem>>) {add = true}
          %dma_wait3A_34 = arith.constant 0 : i32
          %dma_wait3A_35 = tpu.memref_slice %arg8[%scan3A_17, %dma_wait3A_34] : memref<120x128xi32, #tpu.memory_space<vmem>> -> memref<1x128xi32, #tpu.memory_space<vmem>>
          %dma_wait3A_36 = tpu.memref_squeeze %dma_wait3A_35 : memref<1x128xi32, #tpu.memory_space<vmem>> -> memref<128xi32, #tpu.memory_space<vmem>>
          %dma_wait3A_37 = arith.constant 0 : i32
          %dma_wait3A_38 = arith.constant 0 : i32
          %dma_wait3A_39 = tpu.memref_slice %arg10[%dma_wait3A_37, %dma_wait3A_38] : memref<10112x128xf32, #tpu.memory_space<vmem_shared>> -> memref<10112x128xf32, #tpu.memory_space<vmem_shared>>
          tpu.wait_indirect_dma semaphore(%run_scoped3A : memref<!tpu.dma_semaphore, #tpu.memory_space<semaphore_mem>>) src(%arg9 : memref<128x128xf32, #tpu.memory_space<vmem>>) dst(%dma_wait3A_39 : memref<10112x128xf32, #tpu.memory_space<vmem_shared>>)
          tpu.yield
        }) : () -> ()
      }
      %scan3A_16 = arith.constant 40 : i32
    } else {
    }
    %barrier3A = arith.constant 0 : index
    tpu.barrier barrier_id(%barrier3A)
    "tpu.region"() ({
      %run_scoped3A = tpu.sem_alloc : memref<!tpu.dma_semaphore, #tpu.memory_space<semaphore_mem>>
      %dma_start3A = arith.constant 0 : i32
      %dma_start3A_8 = tpu.memref_slice %arg6[%arg0, %mul3A_0, %dma_start3A] : memref<2x10112x128xf32, #tpu.memory_space<hbm>> -> memref<1x632x128xf32, #tpu.memory_space<hbm>>
      %dma_start3A_9 = tpu.memref_squeeze %dma_start3A_8 : memref<1x632x128xf32, #tpu.memory_space<hbm>> -> memref<632x128xf32, #tpu.memory_space<hbm>>
      %dma_start3A_10 = arith.constant 0 : i32
      %dma_start3A_11 = tpu.memref_slice %arg10[%mul3A_0, %dma_start3A_10] : memref<10112x128xf32, #tpu.memory_space<vmem_shared>> -> memref<632x128xf32, #tpu.memory_space<vmem_shared>>
      tpu.enqueue_dma source(%dma_start3A_11 : memref<632x128xf32, #tpu.memory_space<vmem_shared>>) target(%dma_start3A_9 : memref<632x128xf32, #tpu.memory_space<hbm>>) target_semaphore(%run_scoped3A : memref<!tpu.dma_semaphore, #tpu.memory_space<semaphore_mem>>)
      %dma_wait3A = arith.constant 0 : i32
      %dma_wait3A_12 = tpu.memref_slice %arg6[%arg0, %mul3A_0, %dma_wait3A] : memref<2x10112x128xf32, #tpu.memory_space<hbm>> -> memref<1x632x128xf32, #tpu.memory_space<hbm>>
      %dma_wait3A_13 = tpu.memref_squeeze %dma_wait3A_12 : memref<1x632x128xf32, #tpu.memory_space<hbm>> -> memref<632x128xf32, #tpu.memory_space<hbm>>
      %dma_wait3A_14 = arith.constant 0 : i32
      %dma_wait3A_15 = tpu.memref_slice %arg10[%mul3A_0, %dma_wait3A_14] : memref<10112x128xf32, #tpu.memory_space<vmem_shared>> -> memref<632x128xf32, #tpu.memory_space<vmem_shared>>
      tpu.wait_dma2 semaphore(%run_scoped3A : memref<!tpu.dma_semaphore, #tpu.memory_space<semaphore_mem>>) src(%dma_wait3A_15 : memref<632x128xf32, #tpu.memory_space<vmem_shared>>) dst(%dma_wait3A_13 : memref<632x128xf32, #tpu.memory_space<hbm>>)
      tpu.yield
    }) : () -> ()
    return
  }
}

#map = affine_map<(d0, d1) -> (0, 0)>
module attributes {stable_mosaic.version = 14 : i64} {
  func.func @_deg_body(%arg0: i32, %arg1: i32, %arg2: memref<32x10240xi32, #tpu.memory_space<hbm>>, %arg3: memref<32x10240xi32, #tpu.memory_space<hbm>>, %arg4: memref<32x20480xf32, #tpu.memory_space<hbm>>, %arg5: memref<10240xi32, #tpu.memory_space<vmem>>, %arg6: memref<10240xi32, #tpu.memory_space<vmem>>, %arg7: memref<20480xf32, #tpu.memory_space<vmem>>) attributes {dimension_semantics = [#tpu.dimension_semantics<core_parallel>, #tpu.dimension_semantics<subcore_parallel>], iteration_bounds = array<i64: 2, 16>, scalar_prefetch = 0 : i64, scratch_operands = 3 : i64, tpu.core_type = #tpu.core_type<sc_vector_subcore>, window_params = [{transform_indices = #map}, {transform_indices = #map}, {transform_indices = #map}]} {
    %mul3A = arith.constant 2 : i32
    %mul3A_0 = arith.muli %arg1, %mul3A : i32
    %add3A = arith.addi %mul3A_0, %arg0 : i32
    "tpu.region"() ({
      %run_scoped3A = tpu.sem_alloc : memref<!tpu.dma_semaphore, #tpu.memory_space<semaphore_mem>>
      %dma_start3A = arith.constant 0 : i32
      %dma_start3A_15 = tpu.memref_slice %arg2[%add3A, %dma_start3A] : memref<32x10240xi32, #tpu.memory_space<hbm>> -> memref<1x10240xi32, #tpu.memory_space<hbm>>
      %dma_start3A_16 = tpu.memref_squeeze %dma_start3A_15 : memref<1x10240xi32, #tpu.memory_space<hbm>> -> memref<10240xi32, #tpu.memory_space<hbm>>
      %dma_start3A_17 = arith.constant 0 : i32
      %dma_start3A_18 = tpu.memref_slice %arg2[%add3A, %dma_start3A_17] : memref<32x10240xi32, #tpu.memory_space<hbm>> -> memref<1x10240xi32, #tpu.memory_space<hbm>>
      %dma_start3A_19 = tpu.memref_squeeze %dma_start3A_18 : memref<1x10240xi32, #tpu.memory_space<hbm>> -> memref<10240xi32, #tpu.memory_space<hbm>>
      tpu.enqueue_dma source(%dma_start3A_19 : memref<10240xi32, #tpu.memory_space<hbm>>) target(%arg5 : memref<10240xi32, #tpu.memory_space<vmem>>) target_semaphore(%run_scoped3A : memref<!tpu.dma_semaphore, #tpu.memory_space<semaphore_mem>>)
      %dma_wait3A = arith.constant 0 : i32
      %dma_wait3A_20 = tpu.memref_slice %arg2[%add3A, %dma_wait3A] : memref<32x10240xi32, #tpu.memory_space<hbm>> -> memref<1x10240xi32, #tpu.memory_space<hbm>>
      %dma_wait3A_21 = tpu.memref_squeeze %dma_wait3A_20 : memref<1x10240xi32, #tpu.memory_space<hbm>> -> memref<10240xi32, #tpu.memory_space<hbm>>
      %dma_wait3A_22 = arith.constant 0 : i32
      %dma_wait3A_23 = tpu.memref_slice %arg2[%add3A, %dma_wait3A_22] : memref<32x10240xi32, #tpu.memory_space<hbm>> -> memref<1x10240xi32, #tpu.memory_space<hbm>>
      %dma_wait3A_24 = tpu.memref_squeeze %dma_wait3A_23 : memref<1x10240xi32, #tpu.memory_space<hbm>> -> memref<10240xi32, #tpu.memory_space<hbm>>
      tpu.wait_dma2 semaphore(%run_scoped3A : memref<!tpu.dma_semaphore, #tpu.memory_space<semaphore_mem>>) src(%dma_wait3A_24 : memref<10240xi32, #tpu.memory_space<hbm>>) dst(%arg5 : memref<10240xi32, #tpu.memory_space<vmem>>)
      tpu.yield
    }) : () -> ()
    "tpu.region"() ({
      %run_scoped3A = tpu.sem_alloc : memref<!tpu.dma_semaphore, #tpu.memory_space<semaphore_mem>>
      %dma_start3A = arith.constant 0 : i32
      %dma_start3A_15 = tpu.memref_slice %arg3[%add3A, %dma_start3A] : memref<32x10240xi32, #tpu.memory_space<hbm>> -> memref<1x10240xi32, #tpu.memory_space<hbm>>
      %dma_start3A_16 = tpu.memref_squeeze %dma_start3A_15 : memref<1x10240xi32, #tpu.memory_space<hbm>> -> memref<10240xi32, #tpu.memory_space<hbm>>
      %dma_start3A_17 = arith.constant 0 : i32
      %dma_start3A_18 = tpu.memref_slice %arg3[%add3A, %dma_start3A_17] : memref<32x10240xi32, #tpu.memory_space<hbm>> -> memref<1x10240xi32, #tpu.memory_space<hbm>>
      %dma_start3A_19 = tpu.memref_squeeze %dma_start3A_18 : memref<1x10240xi32, #tpu.memory_space<hbm>> -> memref<10240xi32, #tpu.memory_space<hbm>>
      tpu.enqueue_dma source(%dma_start3A_19 : memref<10240xi32, #tpu.memory_space<hbm>>) target(%arg6 : memref<10240xi32, #tpu.memory_space<vmem>>) target_semaphore(%run_scoped3A : memref<!tpu.dma_semaphore, #tpu.memory_space<semaphore_mem>>)
      %dma_wait3A = arith.constant 0 : i32
      %dma_wait3A_20 = tpu.memref_slice %arg3[%add3A, %dma_wait3A] : memref<32x10240xi32, #tpu.memory_space<hbm>> -> memref<1x10240xi32, #tpu.memory_space<hbm>>
      %dma_wait3A_21 = tpu.memref_squeeze %dma_wait3A_20 : memref<1x10240xi32, #tpu.memory_space<hbm>> -> memref<10240xi32, #tpu.memory_space<hbm>>
      %dma_wait3A_22 = arith.constant 0 : i32
      %dma_wait3A_23 = tpu.memref_slice %arg3[%add3A, %dma_wait3A_22] : memref<32x10240xi32, #tpu.memory_space<hbm>> -> memref<1x10240xi32, #tpu.memory_space<hbm>>
      %dma_wait3A_24 = tpu.memref_squeeze %dma_wait3A_23 : memref<1x10240xi32, #tpu.memory_space<hbm>> -> memref<10240xi32, #tpu.memory_space<hbm>>
      tpu.wait_dma2 semaphore(%run_scoped3A : memref<!tpu.dma_semaphore, #tpu.memory_space<semaphore_mem>>) src(%dma_wait3A_24 : memref<10240xi32, #tpu.memory_space<hbm>>) dst(%arg6 : memref<10240xi32, #tpu.memory_space<vmem>>)
      tpu.yield
    }) : () -> ()
    %broadcast_in_dim3A = arith.constant 0.000000e+00 : f32
    %broadcast_in_dim3A_1 = vector.broadcast %broadcast_in_dim3A : f32 to vector<16xf32>
    %broadcast_in_dim3A_2 = arith.constant 1.000000e+00 : f32
    %broadcast_in_dim3A_3 = vector.broadcast %broadcast_in_dim3A_2 : f32 to vector<16xf32>
    %scan3A = arith.constant 0 : i32
    %scan3A_4 = arith.constant 0 : i32
    %scan3A_5 = arith.constant 1280 : i32
    %scan3A_6 = arith.addi %scan3A_4, %scan3A_5 : i32
    %scan3A_7 = arith.constant 1 : i32
    scf.for %scan3A_15 = %scan3A_4 to %scan3A_6 step %scan3A_7  : i32 {
      %mul3A_16 = arith.constant 16 : i32
      %mul3A_17 = arith.muli %scan3A_15, %mul3A_16 : i32
      %swap3A = arith.index_cast %mul3A_17 : i32 to index
      %swap3A_18 = tpu.vector_load %arg7[%swap3A] {strides = array<i32>} : memref<20480xf32, #tpu.memory_space<vmem>>, vector<16xf32>,
      tpu.vector_store %arg7[%swap3A], %broadcast_in_dim3A_1 {strides = array<i32>} : memref<20480xf32, #tpu.memory_space<vmem>>, vector<16xf32>,
    }
    %scan3A_8 = arith.constant 1280 : i32
    %scan3A_9 = arith.constant 0 : i32
    %scan3A_10 = arith.constant 0 : i32
    %scan3A_11 = arith.constant 640 : i32
    %scan3A_12 = arith.addi %scan3A_10, %scan3A_11 : i32
    %scan3A_13 = arith.constant 1 : i32
    scf.for %scan3A_15 = %scan3A_10 to %scan3A_12 step %scan3A_13  : i32 {
      %mul3A_16 = arith.constant 16 : i32
      %mul3A_17 = arith.muli %scan3A_15, %mul3A_16 : i32
      %get3A = arith.index_cast %mul3A_17 : i32 to index
      %get3A_18 = tpu.vector_load %arg5[%get3A] {strides = array<i32>} : memref<10240xi32, #tpu.memory_space<vmem>>, vector<16xi32>,
      %mul3A_19 = arith.constant 16 : i32
      %mul3A_20 = arith.muli %scan3A_15, %mul3A_19 : i32
      %get3A_21 = arith.index_cast %mul3A_20 : i32 to index
      %get3A_22 = tpu.vector_load %arg6[%get3A_21] {strides = array<i32>} : memref<10240xi32, #tpu.memory_space<vmem>>, vector<16xi32>,
      %add3A_23 = arith.constant 10240 : i32
      %add3A_24 = vector.broadcast %add3A_23 : i32 to vector<16xi32>
      %add3A_25 = arith.addi %get3A_22, %add3A_24 : vector<16xi32>
      tpu.vector_store_idx %arg7[%get3A_18], %broadcast_in_dim3A_3 {add = true} : memref<20480xf32, #tpu.memory_space<vmem>>[vector<16xi32>], vector<16xf32>,
      tpu.vector_store_idx %arg7[%add3A_25], %broadcast_in_dim3A_3 {add = true} : memref<20480xf32, #tpu.memory_space<vmem>>[vector<16xi32>], vector<16xf32>,
    }
    %scan3A_14 = arith.constant 640 : i32
    "tpu.region"() ({
      %run_scoped3A = tpu.sem_alloc : memref<!tpu.dma_semaphore, #tpu.memory_space<semaphore_mem>>
      %dma_start3A = arith.constant 0 : i32
      %dma_start3A_15 = tpu.memref_slice %arg4[%add3A, %dma_start3A] : memref<32x20480xf32, #tpu.memory_space<hbm>> -> memref<1x20480xf32, #tpu.memory_space<hbm>>
      %dma_start3A_16 = tpu.memref_squeeze %dma_start3A_15 : memref<1x20480xf32, #tpu.memory_space<hbm>> -> memref<20480xf32, #tpu.memory_space<hbm>>
      %dma_start3A_17 = arith.constant 0 : i32
      %dma_start3A_18 = tpu.memref_slice %arg4[%add3A, %dma_start3A_17] : memref<32x20480xf32, #tpu.memory_space<hbm>> -> memref<1x20480xf32, #tpu.memory_space<hbm>>
      %dma_start3A_19 = tpu.memref_squeeze %dma_start3A_18 : memref<1x20480xf32, #tpu.memory_space<hbm>> -> memref<20480xf32, #tpu.memory_space<hbm>>
      tpu.enqueue_dma source(%arg7 : memref<20480xf32, #tpu.memory_space<vmem>>) target(%dma_start3A_19 : memref<20480xf32, #tpu.memory_space<hbm>>) target_semaphore(%run_scoped3A : memref<!tpu.dma_semaphore, #tpu.memory_space<semaphore_mem>>)
      %dma_wait3A = arith.constant 0 : i32
      %dma_wait3A_20 = tpu.memref_slice %arg4[%add3A, %dma_wait3A] : memref<32x20480xf32, #tpu.memory_space<hbm>> -> memref<1x20480xf32, #tpu.memory_space<hbm>>
      %dma_wait3A_21 = tpu.memref_squeeze %dma_wait3A_20 : memref<1x20480xf32, #tpu.memory_space<hbm>> -> memref<20480xf32, #tpu.memory_space<hbm>>
      %dma_wait3A_22 = arith.constant 0 : i32
      %dma_wait3A_23 = tpu.memref_slice %arg4[%add3A, %dma_wait3A_22] : memref<32x20480xf32, #tpu.memory_space<hbm>> -> memref<1x20480xf32, #tpu.memory_space<hbm>>
      %dma_wait3A_24 = tpu.memref_squeeze %dma_wait3A_23 : memref<1x20480xf32, #tpu.memory_space<hbm>> -> memref<20480xf32, #tpu.memory_space<hbm>>
      tpu.wait_dma2 semaphore(%run_scoped3A : memref<!tpu.dma_semaphore, #tpu.memory_space<semaphore_mem>>) src(%arg7 : memref<20480xf32, #tpu.memory_space<vmem>>) dst(%dma_wait3A_24 : memref<20480xf32, #tpu.memory_space<hbm>>)
      tpu.yield
    }) : () -> ()
    return
  }
}

#map = affine_map<(d0, d1) -> (0, 0)>
#map1 = affine_map<(d0, d1) -> (0, 0, 0)>
module attributes {stable_mosaic.version = 14 : i64} {
  func.func @_agg_body(%arg0: i32, %arg1: i32, %arg2: memref<10000x128xf32, #tpu.memory_space<hbm>>, %arg3: memref<2560x128xi32, #tpu.memory_space<hbm>>, %arg4: memref<2560x128xi32, #tpu.memory_space<hbm>>, %arg5: memref<632x128xf32, #tpu.memory_space<hbm>>, %arg6: memref<2x10112x128xf32, #tpu.memory_space<hbm>>, %arg7: memref<120x128xi32, #tpu.memory_space<vmem>>, %arg8: memref<120x128xi32, #tpu.memory_space<vmem>>, %arg9: memref<128x128xf32, #tpu.memory_space<vmem>>, %arg10: memref<10112x128xf32, #tpu.memory_space<vmem_shared>>, %arg11: memref<!tpu.dma_semaphore, #tpu.memory_space<semaphore_mem>>) attributes {dimension_semantics = [#tpu.dimension_semantics<core_parallel>, #tpu.dimension_semantics<subcore_parallel>], iteration_bounds = array<i64: 2, 16>, scalar_prefetch = 0 : i64, scratch_operands = 5 : i64, tpu.core_type = #tpu.core_type<sc_vector_subcore>, window_params = [{transform_indices = #map}, {transform_indices = #map}, {transform_indices = #map}, {transform_indices = #map}, {transform_indices = #map1}]} {
    %mul3A = arith.constant 632 : i32
    %mul3A_0 = arith.muli %arg1, %mul3A : i32
    "tpu.region"() ({
      %run_scoped3A = tpu.sem_alloc : memref<!tpu.dma_semaphore, #tpu.memory_space<semaphore_mem>>
      %dma_start3A = arith.constant 0 : i32
      %dma_start3A_8 = tpu.memref_slice %arg10[%mul3A_0, %dma_start3A] : memref<10112x128xf32, #tpu.memory_space<vmem_shared>> -> memref<632x128xf32, #tpu.memory_space<vmem_shared>>
      tpu.enqueue_dma source(%arg5 : memref<632x128xf32, #tpu.memory_space<hbm>>) target(%dma_start3A_8 : memref<632x128xf32, #tpu.memory_space<vmem_shared>>) target_semaphore(%run_scoped3A : memref<!tpu.dma_semaphore, #tpu.memory_space<semaphore_mem>>)
      %dma_wait3A = arith.constant 0 : i32
      %dma_wait3A_9 = tpu.memref_slice %arg10[%mul3A_0, %dma_wait3A] : memref<10112x128xf32, #tpu.memory_space<vmem_shared>> -> memref<632x128xf32, #tpu.memory_space<vmem_shared>>
      tpu.wait_dma2 semaphore(%run_scoped3A : memref<!tpu.dma_semaphore, #tpu.memory_space<semaphore_mem>>) src(%arg5 : memref<632x128xf32, #tpu.memory_space<hbm>>) dst(%dma_wait3A_9 : memref<632x128xf32, #tpu.memory_space<vmem_shared>>)
      tpu.yield
    }) : () -> ()
    %eq3A = arith.constant 0 : i32
    %eq3A_1 = arith.cmpi eq, %arg0, %eq3A : i32
    %convert_element_type3A = arith.extui %eq3A_1 : i1 to i32
    %cond3A = arith.constant 0 : i32
    %cond3A_2 = arith.cmpi ne, %convert_element_type3A, %cond3A : i32
    scf.if %cond3A_2 {
      %mul3A_8 = arith.constant 120 : i32
      %mul3A_9 = arith.muli %arg1, %mul3A_8 : i32
      "tpu.region"() ({
        %run_scoped3A = tpu.sem_alloc : memref<!tpu.dma_semaphore, #tpu.memory_space<semaphore_mem>>
        %dma_start3A = arith.constant 0 : i32
        %dma_start3A_16 = arith.constant 0 : i32
        %dma_start3A_17 = tpu.memref_slice %arg7[%dma_start3A, %dma_start3A_16] : memref<120x128xi32, #tpu.memory_space<vmem>> -> memref<120x128xi32, #tpu.memory_space<vmem>>
        %dma_start3A_18 = arith.constant 0 : i32
        %dma_start3A_19 = tpu.memref_slice %arg3[%mul3A_9, %dma_start3A_18] : memref<2560x128xi32, #tpu.memory_space<hbm>> -> memref<120x128xi32, #tpu.memory_space<hbm>>
        %dma_start3A_20 = arith.constant 0 : i32
        %dma_start3A_21 = arith.constant 0 : i32
        %dma_start3A_22 = tpu.memref_slice %arg7[%dma_start3A_20, %dma_start3A_21] : memref<120x128xi32, #tpu.memory_space<vmem>> -> memref<120x128xi32, #tpu.memory_space<vmem>>
        %dma_start3A_23 = arith.constant 0 : i32
        %dma_start3A_24 = tpu.memref_slice %arg3[%mul3A_9, %dma_start3A_23] : memref<2560x128xi32, #tpu.memory_space<hbm>> -> memref<120x128xi32, #tpu.memory_space<hbm>>
        tpu.enqueue_dma source(%dma_start3A_24 : memref<120x128xi32, #tpu.memory_space<hbm>>) target(%dma_start3A_22 : memref<120x128xi32, #tpu.memory_space<vmem>>) target_semaphore(%run_scoped3A : memref<!tpu.dma_semaphore, #tpu.memory_space<semaphore_mem>>)
        %dma_wait3A = arith.constant 0 : i32
        %dma_wait3A_25 = arith.constant 0 : i32
        %dma_wait3A_26 = tpu.memref_slice %arg7[%dma_wait3A, %dma_wait3A_25] : memref<120x128xi32, #tpu.memory_space<vmem>> -> memref<120x128xi32, #tpu.memory_space<vmem>>
        %dma_wait3A_27 = arith.constant 0 : i32
        %dma_wait3A_28 = tpu.memref_slice %arg3[%mul3A_9, %dma_wait3A_27] : memref<2560x128xi32, #tpu.memory_space<hbm>> -> memref<120x128xi32, #tpu.memory_space<hbm>>
        %dma_wait3A_29 = arith.constant 0 : i32
        %dma_wait3A_30 = arith.constant 0 : i32
        %dma_wait3A_31 = tpu.memref_slice %arg7[%dma_wait3A_29, %dma_wait3A_30] : memref<120x128xi32, #tpu.memory_space<vmem>> -> memref<120x128xi32, #tpu.memory_space<vmem>>
        %dma_wait3A_32 = arith.constant 0 : i32
        %dma_wait3A_33 = tpu.memref_slice %arg3[%mul3A_9, %dma_wait3A_32] : memref<2560x128xi32, #tpu.memory_space<hbm>> -> memref<120x128xi32, #tpu.memory_space<hbm>>
        tpu.wait_dma2 semaphore(%run_scoped3A : memref<!tpu.dma_semaphore, #tpu.memory_space<semaphore_mem>>) src(%dma_wait3A_33 : memref<120x128xi32, #tpu.memory_space<hbm>>) dst(%dma_wait3A_31 : memref<120x128xi32, #tpu.memory_space<vmem>>)
        tpu.yield
      }) : () -> ()
      "tpu.region"() ({
        %run_scoped3A = tpu.sem_alloc : memref<!tpu.dma_semaphore, #tpu.memory_space<semaphore_mem>>
        %dma_start3A = arith.constant 0 : i32
        %dma_start3A_16 = arith.constant 0 : i32
        %dma_start3A_17 = tpu.memref_slice %arg8[%dma_start3A, %dma_start3A_16] : memref<120x128xi32, #tpu.memory_space<vmem>> -> memref<120x128xi32, #tpu.memory_space<vmem>>
        %dma_start3A_18 = arith.constant 0 : i32
        %dma_start3A_19 = tpu.memref_slice %arg4[%mul3A_9, %dma_start3A_18] : memref<2560x128xi32, #tpu.memory_space<hbm>> -> memref<120x128xi32, #tpu.memory_space<hbm>>
        %dma_start3A_20 = arith.constant 0 : i32
        %dma_start3A_21 = arith.constant 0 : i32
        %dma_start3A_22 = tpu.memref_slice %arg8[%dma_start3A_20, %dma_start3A_21] : memref<120x128xi32, #tpu.memory_space<vmem>> -> memref<120x128xi32, #tpu.memory_space<vmem>>
        %dma_start3A_23 = arith.constant 0 : i32
        %dma_start3A_24 = tpu.memref_slice %arg4[%mul3A_9, %dma_start3A_23] : memref<2560x128xi32, #tpu.memory_space<hbm>> -> memref<120x128xi32, #tpu.memory_space<hbm>>
        tpu.enqueue_dma source(%dma_start3A_24 : memref<120x128xi32, #tpu.memory_space<hbm>>) target(%dma_start3A_22 : memref<120x128xi32, #tpu.memory_space<vmem>>) target_semaphore(%run_scoped3A : memref<!tpu.dma_semaphore, #tpu.memory_space<semaphore_mem>>)
        %dma_wait3A = arith.constant 0 : i32
        %dma_wait3A_25 = arith.constant 0 : i32
        %dma_wait3A_26 = tpu.memref_slice %arg8[%dma_wait3A, %dma_wait3A_25] : memref<120x128xi32, #tpu.memory_space<vmem>> -> memref<120x128xi32, #tpu.memory_space<vmem>>
        %dma_wait3A_27 = arith.constant 0 : i32
        %dma_wait3A_28 = tpu.memref_slice %arg4[%mul3A_9, %dma_wait3A_27] : memref<2560x128xi32, #tpu.memory_space<hbm>> -> memref<120x128xi32, #tpu.memory_space<hbm>>
        %dma_wait3A_29 = arith.constant 0 : i32
        %dma_wait3A_30 = arith.constant 0 : i32
        %dma_wait3A_31 = tpu.memref_slice %arg8[%dma_wait3A_29, %dma_wait3A_30] : memref<120x128xi32, #tpu.memory_space<vmem>> -> memref<120x128xi32, #tpu.memory_space<vmem>>
        %dma_wait3A_32 = arith.constant 0 : i32
        %dma_wait3A_33 = tpu.memref_slice %arg4[%mul3A_9, %dma_wait3A_32] : memref<2560x128xi32, #tpu.memory_space<hbm>> -> memref<120x128xi32, #tpu.memory_space<hbm>>
        tpu.wait_dma2 semaphore(%run_scoped3A : memref<!tpu.dma_semaphore, #tpu.memory_space<semaphore_mem>>) src(%dma_wait3A_33 : memref<120x128xi32, #tpu.memory_space<hbm>>) dst(%dma_wait3A_31 : memref<120x128xi32, #tpu.memory_space<vmem>>)
        tpu.yield
      }) : () -> ()
      %barrier3A_10 = arith.constant 0 : index
      tpu.barrier barrier_id(%barrier3A_10)
      %scan3A = arith.constant 0 : i32
      %scan3A_11 = arith.constant 0 : i32
      %scan3A_12 = arith.constant 120 : i32
      %scan3A_13 = arith.addi %scan3A_11, %scan3A_12 : i32
      %scan3A_14 = arith.constant 1 : i32
      scf.for %scan3A_16 = %scan3A_11 to %scan3A_13 step %scan3A_14  : i32 {
        %dma_start3A = arith.constant 0 : i32
        %dma_start3A_17 = tpu.memref_slice %arg7[%scan3A_16, %dma_start3A] : memref<120x128xi32, #tpu.memory_space<vmem>> -> memref<1x128xi32, #tpu.memory_space<vmem>>
        %dma_start3A_18 = tpu.memref_squeeze %dma_start3A_17 : memref<1x128xi32, #tpu.memory_space<vmem>> -> memref<128xi32, #tpu.memory_space<vmem>>
        %dma_start3A_19 = arith.constant 0 : i32
        %dma_start3A_20 = arith.constant 0 : i32
        %dma_start3A_21 = tpu.memref_slice %arg2[%dma_start3A_19, %dma_start3A_20] : memref<10000x128xf32, #tpu.memory_space<hbm>> -> memref<10000x128xf32, #tpu.memory_space<hbm>>
        tpu.enqueue_indirect_dma source(%dma_start3A_21 : memref<10000x128xf32, #tpu.memory_space<hbm>>) target(%arg9 : memref<128x128xf32, #tpu.memory_space<vmem>>) offsets(%dma_start3A_18 : memref<128xi32, #tpu.memory_space<vmem>>) semaphore(%arg11 : memref<!tpu.dma_semaphore, #tpu.memory_space<semaphore_mem>>)
        %dma_wait3A = arith.constant 0 : i32
        %dma_wait3A_22 = tpu.memref_slice %arg7[%scan3A_16, %dma_wait3A] : memref<120x128xi32, #tpu.memory_space<vmem>> -> memref<1x128xi32, #tpu.memory_space<vmem>>
        %dma_wait3A_23 = tpu.memref_squeeze %dma_wait3A_22 : memref<1x128xi32, #tpu.memory_space<vmem>> -> memref<128xi32, #tpu.memory_space<vmem>>
        %dma_wait3A_24 = arith.constant 0 : i32
        %dma_wait3A_25 = arith.constant 0 : i32
        %dma_wait3A_26 = tpu.memref_slice %arg2[%dma_wait3A_24, %dma_wait3A_25] : memref<10000x128xf32, #tpu.memory_space<hbm>> -> memref<10000x128xf32, #tpu.memory_space<hbm>>
        tpu.wait_indirect_dma semaphore(%arg11 : memref<!tpu.dma_semaphore, #tpu.memory_space<semaphore_mem>>) src(%dma_wait3A_26 : memref<10000x128xf32, #tpu.memory_space<hbm>>) dst(%arg9 : memref<128x128xf32, #tpu.memory_space<vmem>>)
        "tpu.region"() ({
          %run_scoped3A = tpu.sem_alloc : memref<!tpu.dma_semaphore, #tpu.memory_space<semaphore_mem>>
          %dma_start3A_27 = arith.constant 0 : i32
          %dma_start3A_28 = tpu.memref_slice %arg8[%scan3A_16, %dma_start3A_27] : memref<120x128xi32, #tpu.memory_space<vmem>> -> memref<1x128xi32, #tpu.memory_space<vmem>>
          %dma_start3A_29 = tpu.memref_squeeze %dma_start3A_28 : memref<1x128xi32, #tpu.memory_space<vmem>> -> memref<128xi32, #tpu.memory_space<vmem>>
          %dma_start3A_30 = arith.constant 0 : i32
          %dma_start3A_31 = arith.constant 0 : i32
          %dma_start3A_32 = tpu.memref_slice %arg10[%dma_start3A_30, %dma_start3A_31] : memref<10112x128xf32, #tpu.memory_space<vmem_shared>> -> memref<10112x128xf32, #tpu.memory_space<vmem_shared>>
          tpu.enqueue_indirect_dma source(%arg9 : memref<128x128xf32, #tpu.memory_space<vmem>>) target(%dma_start3A_32 : memref<10112x128xf32, #tpu.memory_space<vmem_shared>>) offsets(%dma_start3A_29 : memref<128xi32, #tpu.memory_space<vmem>>) semaphore(%run_scoped3A : memref<!tpu.dma_semaphore, #tpu.memory_space<semaphore_mem>>) {add = true}
          %dma_wait3A_33 = arith.constant 0 : i32
          %dma_wait3A_34 = tpu.memref_slice %arg8[%scan3A_16, %dma_wait3A_33] : memref<120x128xi32, #tpu.memory_space<vmem>> -> memref<1x128xi32, #tpu.memory_space<vmem>>
          %dma_wait3A_35 = tpu.memref_squeeze %dma_wait3A_34 : memref<1x128xi32, #tpu.memory_space<vmem>> -> memref<128xi32, #tpu.memory_space<vmem>>
          %dma_wait3A_36 = arith.constant 0 : i32
          %dma_wait3A_37 = arith.constant 0 : i32
          %dma_wait3A_38 = tpu.memref_slice %arg10[%dma_wait3A_36, %dma_wait3A_37] : memref<10112x128xf32, #tpu.memory_space<vmem_shared>> -> memref<10112x128xf32, #tpu.memory_space<vmem_shared>>
          tpu.wait_indirect_dma semaphore(%run_scoped3A : memref<!tpu.dma_semaphore, #tpu.memory_space<semaphore_mem>>) src(%arg9 : memref<128x128xf32, #tpu.memory_space<vmem>>) dst(%dma_wait3A_38 : memref<10112x128xf32, #tpu.memory_space<vmem_shared>>)
          tpu.yield
        }) : () -> ()
      }
      %scan3A_15 = arith.constant 120 : i32
    } else {
    }
    %eq3A_3 = arith.constant 1 : i32
    %eq3A_4 = arith.cmpi eq, %arg0, %eq3A_3 : i32
    %convert_element_type3A_5 = arith.extui %eq3A_4 : i1 to i32
    %cond3A_6 = arith.constant 0 : i32
    %cond3A_7 = arith.cmpi ne, %convert_element_type3A_5, %cond3A_6 : i32
    scf.if %cond3A_7 {
      %mul3A_8 = arith.constant 40 : i32
      %mul3A_9 = arith.muli %arg1, %mul3A_8 : i32
      %add3A = arith.constant 1920 : i32
      %add3A_10 = arith.addi %add3A, %mul3A_9 : i32
      "tpu.region"() ({
        %run_scoped3A = tpu.sem_alloc : memref<!tpu.dma_semaphore, #tpu.memory_space<semaphore_mem>>
        %dma_start3A = arith.constant 0 : i32
        %dma_start3A_17 = arith.constant 0 : i32
        %dma_start3A_18 = tpu.memref_slice %arg7[%dma_start3A, %dma_start3A_17] : memref<120x128xi32, #tpu.memory_space<vmem>> -> memref<40x128xi32, #tpu.memory_space<vmem>>
        %dma_start3A_19 = arith.constant 0 : i32
        %dma_start3A_20 = tpu.memref_slice %arg3[%add3A_10, %dma_start3A_19] : memref<2560x128xi32, #tpu.memory_space<hbm>> -> memref<40x128xi32, #tpu.memory_space<hbm>>
        %dma_start3A_21 = arith.constant 0 : i32
        %dma_start3A_22 = arith.constant 0 : i32
        %dma_start3A_23 = tpu.memref_slice %arg7[%dma_start3A_21, %dma_start3A_22] : memref<120x128xi32, #tpu.memory_space<vmem>> -> memref<40x128xi32, #tpu.memory_space<vmem>>
        %dma_start3A_24 = arith.constant 0 : i32
        %dma_start3A_25 = tpu.memref_slice %arg3[%add3A_10, %dma_start3A_24] : memref<2560x128xi32, #tpu.memory_space<hbm>> -> memref<40x128xi32, #tpu.memory_space<hbm>>
        tpu.enqueue_dma source(%dma_start3A_25 : memref<40x128xi32, #tpu.memory_space<hbm>>) target(%dma_start3A_23 : memref<40x128xi32, #tpu.memory_space<vmem>>) target_semaphore(%run_scoped3A : memref<!tpu.dma_semaphore, #tpu.memory_space<semaphore_mem>>)
        %dma_wait3A = arith.constant 0 : i32
        %dma_wait3A_26 = arith.constant 0 : i32
        %dma_wait3A_27 = tpu.memref_slice %arg7[%dma_wait3A, %dma_wait3A_26] : memref<120x128xi32, #tpu.memory_space<vmem>> -> memref<40x128xi32, #tpu.memory_space<vmem>>
        %dma_wait3A_28 = arith.constant 0 : i32
        %dma_wait3A_29 = tpu.memref_slice %arg3[%add3A_10, %dma_wait3A_28] : memref<2560x128xi32, #tpu.memory_space<hbm>> -> memref<40x128xi32, #tpu.memory_space<hbm>>
        %dma_wait3A_30 = arith.constant 0 : i32
        %dma_wait3A_31 = arith.constant 0 : i32
        %dma_wait3A_32 = tpu.memref_slice %arg7[%dma_wait3A_30, %dma_wait3A_31] : memref<120x128xi32, #tpu.memory_space<vmem>> -> memref<40x128xi32, #tpu.memory_space<vmem>>
        %dma_wait3A_33 = arith.constant 0 : i32
        %dma_wait3A_34 = tpu.memref_slice %arg3[%add3A_10, %dma_wait3A_33] : memref<2560x128xi32, #tpu.memory_space<hbm>> -> memref<40x128xi32, #tpu.memory_space<hbm>>
        tpu.wait_dma2 semaphore(%run_scoped3A : memref<!tpu.dma_semaphore, #tpu.memory_space<semaphore_mem>>) src(%dma_wait3A_34 : memref<40x128xi32, #tpu.memory_space<hbm>>) dst(%dma_wait3A_32 : memref<40x128xi32, #tpu.memory_space<vmem>>)
        tpu.yield
      }) : () -> ()
      "tpu.region"() ({
        %run_scoped3A = tpu.sem_alloc : memref<!tpu.dma_semaphore, #tpu.memory_space<semaphore_mem>>
        %dma_start3A = arith.constant 0 : i32
        %dma_start3A_17 = arith.constant 0 : i32
        %dma_start3A_18 = tpu.memref_slice %arg8[%dma_start3A, %dma_start3A_17] : memref<120x128xi32, #tpu.memory_space<vmem>> -> memref<40x128xi32, #tpu.memory_space<vmem>>
        %dma_start3A_19 = arith.constant 0 : i32
        %dma_start3A_20 = tpu.memref_slice %arg4[%add3A_10, %dma_start3A_19] : memref<2560x128xi32, #tpu.memory_space<hbm>> -> memref<40x128xi32, #tpu.memory_space<hbm>>
        %dma_start3A_21 = arith.constant 0 : i32
        %dma_start3A_22 = arith.constant 0 : i32
        %dma_start3A_23 = tpu.memref_slice %arg8[%dma_start3A_21, %dma_start3A_22] : memref<120x128xi32, #tpu.memory_space<vmem>> -> memref<40x128xi32, #tpu.memory_space<vmem>>
        %dma_start3A_24 = arith.constant 0 : i32
        %dma_start3A_25 = tpu.memref_slice %arg4[%add3A_10, %dma_start3A_24] : memref<2560x128xi32, #tpu.memory_space<hbm>> -> memref<40x128xi32, #tpu.memory_space<hbm>>
        tpu.enqueue_dma source(%dma_start3A_25 : memref<40x128xi32, #tpu.memory_space<hbm>>) target(%dma_start3A_23 : memref<40x128xi32, #tpu.memory_space<vmem>>) target_semaphore(%run_scoped3A : memref<!tpu.dma_semaphore, #tpu.memory_space<semaphore_mem>>)
        %dma_wait3A = arith.constant 0 : i32
        %dma_wait3A_26 = arith.constant 0 : i32
        %dma_wait3A_27 = tpu.memref_slice %arg8[%dma_wait3A, %dma_wait3A_26] : memref<120x128xi32, #tpu.memory_space<vmem>> -> memref<40x128xi32, #tpu.memory_space<vmem>>
        %dma_wait3A_28 = arith.constant 0 : i32
        %dma_wait3A_29 = tpu.memref_slice %arg4[%add3A_10, %dma_wait3A_28] : memref<2560x128xi32, #tpu.memory_space<hbm>> -> memref<40x128xi32, #tpu.memory_space<hbm>>
        %dma_wait3A_30 = arith.constant 0 : i32
        %dma_wait3A_31 = arith.constant 0 : i32
        %dma_wait3A_32 = tpu.memref_slice %arg8[%dma_wait3A_30, %dma_wait3A_31] : memref<120x128xi32, #tpu.memory_space<vmem>> -> memref<40x128xi32, #tpu.memory_space<vmem>>
        %dma_wait3A_33 = arith.constant 0 : i32
        %dma_wait3A_34 = tpu.memref_slice %arg4[%add3A_10, %dma_wait3A_33] : memref<2560x128xi32, #tpu.memory_space<hbm>> -> memref<40x128xi32, #tpu.memory_space<hbm>>
        tpu.wait_dma2 semaphore(%run_scoped3A : memref<!tpu.dma_semaphore, #tpu.memory_space<semaphore_mem>>) src(%dma_wait3A_34 : memref<40x128xi32, #tpu.memory_space<hbm>>) dst(%dma_wait3A_32 : memref<40x128xi32, #tpu.memory_space<vmem>>)
        tpu.yield
      }) : () -> ()
      %barrier3A_11 = arith.constant 0 : index
      tpu.barrier barrier_id(%barrier3A_11)
      %scan3A = arith.constant 0 : i32
      %scan3A_12 = arith.constant 0 : i32
      %scan3A_13 = arith.constant 40 : i32
      %scan3A_14 = arith.addi %scan3A_12, %scan3A_13 : i32
      %scan3A_15 = arith.constant 1 : i32
      scf.for %scan3A_17 = %scan3A_12 to %scan3A_14 step %scan3A_15  : i32 {
        %dma_start3A = arith.constant 0 : i32
        %dma_start3A_18 = tpu.memref_slice %arg7[%scan3A_17, %dma_start3A] : memref<120x128xi32, #tpu.memory_space<vmem>> -> memref<1x128xi32, #tpu.memory_space<vmem>>
        %dma_start3A_19 = tpu.memref_squeeze %dma_start3A_18 : memref<1x128xi32, #tpu.memory_space<vmem>> -> memref<128xi32, #tpu.memory_space<vmem>>
        %dma_start3A_20 = arith.constant 0 : i32
        %dma_start3A_21 = arith.constant 0 : i32
        %dma_start3A_22 = tpu.memref_slice %arg2[%dma_start3A_20, %dma_start3A_21] : memref<10000x128xf32, #tpu.memory_space<hbm>> -> memref<10000x128xf32, #tpu.memory_space<hbm>>
        tpu.enqueue_indirect_dma source(%dma_start3A_22 : memref<10000x128xf32, #tpu.memory_space<hbm>>) target(%arg9 : memref<128x128xf32, #tpu.memory_space<vmem>>) offsets(%dma_start3A_19 : memref<128xi32, #tpu.memory_space<vmem>>) semaphore(%arg11 : memref<!tpu.dma_semaphore, #tpu.memory_space<semaphore_mem>>)
        %dma_wait3A = arith.constant 0 : i32
        %dma_wait3A_23 = tpu.memref_slice %arg7[%scan3A_17, %dma_wait3A] : memref<120x128xi32, #tpu.memory_space<vmem>> -> memref<1x128xi32, #tpu.memory_space<vmem>>
        %dma_wait3A_24 = tpu.memref_squeeze %dma_wait3A_23 : memref<1x128xi32, #tpu.memory_space<vmem>> -> memref<128xi32, #tpu.memory_space<vmem>>
        %dma_wait3A_25 = arith.constant 0 : i32
        %dma_wait3A_26 = arith.constant 0 : i32
        %dma_wait3A_27 = tpu.memref_slice %arg2[%dma_wait3A_25, %dma_wait3A_26] : memref<10000x128xf32, #tpu.memory_space<hbm>> -> memref<10000x128xf32, #tpu.memory_space<hbm>>
        tpu.wait_indirect_dma semaphore(%arg11 : memref<!tpu.dma_semaphore, #tpu.memory_space<semaphore_mem>>) src(%dma_wait3A_27 : memref<10000x128xf32, #tpu.memory_space<hbm>>) dst(%arg9 : memref<128x128xf32, #tpu.memory_space<vmem>>)
        "tpu.region"() ({
          %run_scoped3A = tpu.sem_alloc : memref<!tpu.dma_semaphore, #tpu.memory_space<semaphore_mem>>
          %dma_start3A_28 = arith.constant 0 : i32
          %dma_start3A_29 = tpu.memref_slice %arg8[%scan3A_17, %dma_start3A_28] : memref<120x128xi32, #tpu.memory_space<vmem>> -> memref<1x128xi32, #tpu.memory_space<vmem>>
          %dma_start3A_30 = tpu.memref_squeeze %dma_start3A_29 : memref<1x128xi32, #tpu.memory_space<vmem>> -> memref<128xi32, #tpu.memory_space<vmem>>
          %dma_start3A_31 = arith.constant 0 : i32
          %dma_start3A_32 = arith.constant 0 : i32
          %dma_start3A_33 = tpu.memref_slice %arg10[%dma_start3A_31, %dma_start3A_32] : memref<10112x128xf32, #tpu.memory_space<vmem_shared>> -> memref<10112x128xf32, #tpu.memory_space<vmem_shared>>
          tpu.enqueue_indirect_dma source(%arg9 : memref<128x128xf32, #tpu.memory_space<vmem>>) target(%dma_start3A_33 : memref<10112x128xf32, #tpu.memory_space<vmem_shared>>) offsets(%dma_start3A_30 : memref<128xi32, #tpu.memory_space<vmem>>) semaphore(%run_scoped3A : memref<!tpu.dma_semaphore, #tpu.memory_space<semaphore_mem>>) {add = true}
          %dma_wait3A_34 = arith.constant 0 : i32
          %dma_wait3A_35 = tpu.memref_slice %arg8[%scan3A_17, %dma_wait3A_34] : memref<120x128xi32, #tpu.memory_space<vmem>> -> memref<1x128xi32, #tpu.memory_space<vmem>>
          %dma_wait3A_36 = tpu.memref_squeeze %dma_wait3A_35 : memref<1x128xi32, #tpu.memory_space<vmem>> -> memref<128xi32, #tpu.memory_space<vmem>>
          %dma_wait3A_37 = arith.constant 0 : i32
          %dma_wait3A_38 = arith.constant 0 : i32
          %dma_wait3A_39 = tpu.memref_slice %arg10[%dma_wait3A_37, %dma_wait3A_38] : memref<10112x128xf32, #tpu.memory_space<vmem_shared>> -> memref<10112x128xf32, #tpu.memory_space<vmem_shared>>
          tpu.wait_indirect_dma semaphore(%run_scoped3A : memref<!tpu.dma_semaphore, #tpu.memory_space<semaphore_mem>>) src(%arg9 : memref<128x128xf32, #tpu.memory_space<vmem>>) dst(%dma_wait3A_39 : memref<10112x128xf32, #tpu.memory_space<vmem_shared>>)
          tpu.yield
        }) : () -> ()
      }
      %scan3A_16 = arith.constant 40 : i32
    } else {
    }
    %barrier3A = arith.constant 0 : index
    tpu.barrier barrier_id(%barrier3A)
    "tpu.region"() ({
      %run_scoped3A = tpu.sem_alloc : memref<!tpu.dma_semaphore, #tpu.memory_space<semaphore_mem>>
      %dma_start3A = arith.constant 0 : i32
      %dma_start3A_8 = tpu.memref_slice %arg6[%arg0, %mul3A_0, %dma_start3A] : memref<2x10112x128xf32, #tpu.memory_space<hbm>> -> memref<1x632x128xf32, #tpu.memory_space<hbm>>
      %dma_start3A_9 = tpu.memref_squeeze %dma_start3A_8 : memref<1x632x128xf32, #tpu.memory_space<hbm>> -> memref<632x128xf32, #tpu.memory_space<hbm>>
      %dma_start3A_10 = arith.constant 0 : i32
      %dma_start3A_11 = tpu.memref_slice %arg10[%mul3A_0, %dma_start3A_10] : memref<10112x128xf32, #tpu.memory_space<vmem_shared>> -> memref<632x128xf32, #tpu.memory_space<vmem_shared>>
      tpu.enqueue_dma source(%dma_start3A_11 : memref<632x128xf32, #tpu.memory_space<vmem_shared>>) target(%dma_start3A_9 : memref<632x128xf32, #tpu.memory_space<hbm>>) target_semaphore(%run_scoped3A : memref<!tpu.dma_semaphore, #tpu.memory_space<semaphore_mem>>)
      %dma_wait3A = arith.constant 0 : i32
      %dma_wait3A_12 = tpu.memref_slice %arg6[%arg0, %mul3A_0, %dma_wait3A] : memref<2x10112x128xf32, #tpu.memory_space<hbm>> -> memref<1x632x128xf32, #tpu.memory_space<hbm>>
      %dma_wait3A_13 = tpu.memref_squeeze %dma_wait3A_12 : memref<1x632x128xf32, #tpu.memory_space<hbm>> -> memref<632x128xf32, #tpu.memory_space<hbm>>
      %dma_wait3A_14 = arith.constant 0 : i32
      %dma_wait3A_15 = tpu.memref_slice %arg10[%mul3A_0, %dma_wait3A_14] : memref<10112x128xf32, #tpu.memory_space<vmem_shared>> -> memref<632x128xf32, #tpu.memory_space<vmem_shared>>
      tpu.wait_dma2 semaphore(%run_scoped3A : memref<!tpu.dma_semaphore, #tpu.memory_space<semaphore_mem>>) src(%dma_wait3A_15 : memref<632x128xf32, #tpu.memory_space<vmem_shared>>) dst(%dma_wait3A_13 : memref<632x128xf32, #tpu.memory_space<hbm>>)
      tpu.yield
    }) : () -> ()
    return
  }
}

module attributes {stable_mosaic.version = 14 : i64} {
  func.func @_h0_body(%arg0: i32, %arg1: memref<1000x128xf32, #tpu.memory_space<vmem>>, %arg2: memref<128x128xf32, #tpu.memory_space<vmem>>, %arg3: memref<1x128xf32, #tpu.memory_space<vmem>>, %arg4: memref<1000x128xf32, #tpu.memory_space<vmem>>) attributes {dimension_semantics = [#tpu.dimension_semantics<arbitrary>], iteration_bounds = array<i64: 10>, scalar_prefetch = 0 : i64, scratch_operands = 0 : i64, tpu.core_type = #tpu.core_type<tc>, window_params = [{transform_indices = @transform_0, window_bounds = array<i64: 1000, 128>}, {pipeline_mode = #tpu.pipeline_mode<synchronous>, transform_indices = @transform_1, window_bounds = array<i64: 128, 128>}, {pipeline_mode = #tpu.pipeline_mode<synchronous>, transform_indices = @transform_2, window_bounds = array<i64: 1, 128>}, {transform_indices = @transform_3, window_bounds = array<i64: 1000, 128>}]} {
    %get3A = arith.constant 0 : index
    %get3A_0 = arith.constant 0 : index
    %get3A_1 = vector.load %arg1[%get3A, %get3A_0] : memref<1000x128xf32, #tpu.memory_space<vmem>>, vector<1000x128xf32>
    %get3A_2 = arith.constant 0 : index
    %get3A_3 = arith.constant 0 : index
    %get3A_4 = vector.load %arg2[%get3A_2, %get3A_3] : memref<128x128xf32, #tpu.memory_space<vmem>>, vector<128x128xf32>
    %dot_general3A = arith.constant dense<0.000000e+00> : vector<1000x128xf32>
    %dot_general3A_5 = tpu.matmul %get3A_1, %get3A_4, %dot_general3A {dimension_numbers = #tpu.dot_dimension_numbers<[1], [0], [0], [1], [0, 0, 1, 1], [], []>, transpose_lhs_hint = false} : vector<1000x128xf32>, vector<128x128xf32>, vector<1000x128xf32> -> vector<1000x128xf32>
    %get3A_6 = arith.constant 0 : index
    %get3A_7 = arith.constant 0 : index
    %get3A_8 = vector.load %arg3[%get3A_6, %get3A_7] : memref<1x128xf32, #tpu.memory_space<vmem>>, vector<1x128xf32>
    %add3A = vector.broadcast %get3A_8 : vector<1x128xf32> to vector<1000x128xf32>
    %add3A_9 = arith.addf %dot_general3A_5, %add3A : vector<1000x128xf32>
    %max3A = arith.constant 0.000000e+00 : f32
    %max3A_10 = vector.broadcast %max3A : f32 to vector<1000x128xf32>
    %max3A_11 = arith.maximumf %add3A_9, %max3A_10 : vector<1000x128xf32>
    %swap3A = arith.constant 0 : index
    %swap3A_12 = arith.constant 0 : index
    %swap3A_13 = vector.load %arg4[%swap3A, %swap3A_12] : memref<1000x128xf32, #tpu.memory_space<vmem>>, vector<1000x128xf32>
    tpu.vector_store %arg4[%swap3A, %swap3A_12], %max3A_11 {strides = array<i32>} : memref<1000x128xf32, #tpu.memory_space<vmem>>, vector<1000x128xf32>,
    return
  }
  func.func @transform_0(%arg0: i32) -> (i32, i32) {
    %c0_i32 = arith.constant 0 : i32
    %c0_i32_0 = arith.constant 0 : i32
    return %arg0, %c0_i32 : i32, i32
  }
  func.func @transform_1(%arg0: i32) -> (i32, i32) {
    %c0_i32 = arith.constant 0 : i32
    %c0_i32_0 = arith.constant 0 : i32
    %c0_i32_1 = arith.constant 0 : i32
    return %c0_i32, %c0_i32_0 : i32, i32
  }
  func.func @transform_2(%arg0: i32) -> (i32, i32) {
    %c0_i32 = arith.constant 0 : i32
    %c0_i32_0 = arith.constant 0 : i32
    %c0_i32_1 = arith.constant 0 : i32
    return %c0_i32, %c0_i32_0 : i32, i32
  }
  func.func @transform_3(%arg0: i32) -> (i32, i32) {
    %c0_i32 = arith.constant 0 : i32
    %c0_i32_0 = arith.constant 0 : i32
    return %arg0, %c0_i32 : i32, i32
  }
}

module attributes {stable_mosaic.version = 14 : i64} {
  func.func @_msg_body(%arg0: i32, %arg1: memref<1000x128xf32, #tpu.memory_space<vmem>>, %arg2: memref<16x128xf32, #tpu.memory_space<vmem>>, %arg3: memref<16x128xf32, #tpu.memory_space<vmem>>, %arg4: memref<2048x128xf32, #tpu.memory_space<vmem>>, %arg5: memref<16x128xf32, #tpu.memory_space<vmem>>, %arg6: memref<1000x1xf32, #tpu.memory_space<vmem>>, %arg7: memref<1000x128xf32, #tpu.memory_space<vmem>>, %arg8: memref<1000x128xf32, #tpu.memory_space<vmem>>) attributes {dimension_semantics = [#tpu.dimension_semantics<arbitrary>], iteration_bounds = array<i64: 10>, scalar_prefetch = 0 : i64, scratch_operands = 0 : i64, tpu.core_type = #tpu.core_type<tc>, window_params = [{transform_indices = @transform_0, window_bounds = array<i64: 1000, 128>}, {pipeline_mode = #tpu.pipeline_mode<synchronous>, transform_indices = @transform_1, window_bounds = array<i64: 16, 128>}, {pipeline_mode = #tpu.pipeline_mode<synchronous>, transform_indices = @transform_2, window_bounds = array<i64: 16, 128>}, {pipeline_mode = #tpu.pipeline_mode<synchronous>, transform_indices = @transform_3, window_bounds = array<i64: 2048, 128>}, {pipeline_mode = #tpu.pipeline_mode<synchronous>, transform_indices = @transform_4, window_bounds = array<i64: 16, 128>}, {transform_indices = @transform_5, window_bounds = array<i64: 1000, 1>}, {transform_indices = @transform_6, window_bounds = array<i64: 1000, 128>}, {transform_indices = @transform_7, window_bounds = array<i64: 1000, 128>}]} {
    %get3A = arith.constant 0 : index
    %get3A_0 = arith.constant 0 : index
    %get3A_1 = vector.load %arg1[%get3A, %get3A_0] : memref<1000x128xf32, #tpu.memory_space<vmem>>, vector<1000x128xf32>
    %swap3A = arith.constant 0 : index
    %swap3A_2 = arith.constant 0 : index
    %swap3A_3 = vector.load %arg7[%swap3A, %swap3A_2] : memref<1000x128xf32, #tpu.memory_space<vmem>>, vector<1000x128xf32>
    tpu.vector_store %arg7[%swap3A, %swap3A_2], %get3A_1 {strides = array<i32>} : memref<1000x128xf32, #tpu.memory_space<vmem>>, vector<1000x128xf32>,
    %get3A_4 = arith.constant 0 : index
    %get3A_5 = arith.constant 0 : index
    %get3A_6 = vector.load %arg2[%get3A_4, %get3A_5] : memref<16x128xf32, #tpu.memory_space<vmem>>, vector<16x128xf32>
    %get3A_7 = arith.constant 0 : index
    %get3A_8 = arith.constant 0 : index
    %get3A_9 = vector.load %arg3[%get3A_7, %get3A_8] : memref<16x128xf32, #tpu.memory_space<vmem>>, vector<16x128xf32>
    %slice3A = vector.extract_strided_slice %get3A_6 {offsets = [0, 0], sizes = [1, 128], strides = [1, 1]} : vector<16x128xf32> to vector<1x128xf32>
    %sub3A = vector.broadcast %slice3A : vector<1x128xf32> to vector<1000x128xf32>
    %sub3A_10 = arith.subf %get3A_1, %sub3A : vector<1000x128xf32>
    %slice3A_11 = vector.extract_strided_slice %get3A_9 {offsets = [0, 0], sizes = [1, 128], strides = [1, 1]} : vector<16x128xf32> to vector<1x128xf32>
    %div3A = vector.broadcast %slice3A_11 : vector<1x128xf32> to vector<1000x128xf32>
    %div3A_12 = arith.divf %sub3A_10, %div3A : vector<1000x128xf32>
    %mul3A = arith.constant -5.000000e-01 : f32
    %mul3A_13 = vector.broadcast %mul3A : f32 to vector<1000x128xf32>
    %mul3A_14 = arith.mulf %mul3A_13, %div3A_12 : vector<1000x128xf32>
    %mul3A_15 = arith.mulf %mul3A_14, %div3A_12 : vector<1000x128xf32>
    %exp3A = math.exp %mul3A_15 : vector<1000x128xf32>
    %reduce_sum3A = arith.constant dense<0.000000e+00> : vector<1000xf32>
    %reduce_sum3A_16 = vector.multi_reduction <add>, %exp3A, %reduce_sum3A [1] : vector<1000x128xf32> to vector<1000xf32>
    %broadcast_in_dim3A = vector.shape_cast %reduce_sum3A_16 : vector<1000xf32> to vector<1000x1xf32>
    %div3A_17 = arith.constant 1.280000e+02 : f32
    %div3A_18 = vector.broadcast %div3A_17 : f32 to vector<1000x1xf32>
    %div3A_19 = arith.divf %broadcast_in_dim3A, %div3A_18 : vector<1000x1xf32>
    %slice3A_20 = vector.extract_strided_slice %get3A_6 {offsets = [1, 0], sizes = [1, 128], strides = [1, 1]} : vector<16x128xf32> to vector<1x128xf32>
    %sub3A_21 = vector.broadcast %slice3A_20 : vector<1x128xf32> to vector<1000x128xf32>
    %sub3A_22 = arith.subf %get3A_1, %sub3A_21 : vector<1000x128xf32>
    %slice3A_23 = vector.extract_strided_slice %get3A_9 {offsets = [1, 0], sizes = [1, 128], strides = [1, 1]} : vector<16x128xf32> to vector<1x128xf32>
    %div3A_24 = vector.broadcast %slice3A_23 : vector<1x128xf32> to vector<1000x128xf32>
    %div3A_25 = arith.divf %sub3A_22, %div3A_24 : vector<1000x128xf32>
    %mul3A_26 = arith.constant -5.000000e-01 : f32
    %mul3A_27 = vector.broadcast %mul3A_26 : f32 to vector<1000x128xf32>
    %mul3A_28 = arith.mulf %mul3A_27, %div3A_25 : vector<1000x128xf32>
    %mul3A_29 = arith.mulf %mul3A_28, %div3A_25 : vector<1000x128xf32>
    %exp3A_30 = math.exp %mul3A_29 : vector<1000x128xf32>
    %reduce_sum3A_31 = arith.constant dense<0.000000e+00> : vector<1000xf32>
    %reduce_sum3A_32 = vector.multi_reduction <add>, %exp3A_30, %reduce_sum3A_31 [1] : vector<1000x128xf32> to vector<1000xf32>
    %broadcast_in_dim3A_33 = vector.shape_cast %reduce_sum3A_32 : vector<1000xf32> to vector<1000x1xf32>
    %div3A_34 = arith.constant 1.280000e+02 : f32
    %div3A_35 = vector.broadcast %div3A_34 : f32 to vector<1000x1xf32>
    %div3A_36 = arith.divf %broadcast_in_dim3A_33, %div3A_35 : vector<1000x1xf32>
    %slice3A_37 = vector.extract_strided_slice %get3A_6 {offsets = [2, 0], sizes = [1, 128], strides = [1, 1]} : vector<16x128xf32> to vector<1x128xf32>
    %sub3A_38 = vector.broadcast %slice3A_37 : vector<1x128xf32> to vector<1000x128xf32>
    %sub3A_39 = arith.subf %get3A_1, %sub3A_38 : vector<1000x128xf32>
    %slice3A_40 = vector.extract_strided_slice %get3A_9 {offsets = [2, 0], sizes = [1, 128], strides = [1, 1]} : vector<16x128xf32> to vector<1x128xf32>
    %div3A_41 = vector.broadcast %slice3A_40 : vector<1x128xf32> to vector<1000x128xf32>
    %div3A_42 = arith.divf %sub3A_39, %div3A_41 : vector<1000x128xf32>
    %mul3A_43 = arith.constant -5.000000e-01 : f32
    %mul3A_44 = vector.broadcast %mul3A_43 : f32 to vector<1000x128xf32>
    %mul3A_45 = arith.mulf %mul3A_44, %div3A_42 : vector<1000x128xf32>
    %mul3A_46 = arith.mulf %mul3A_45, %div3A_42 : vector<1000x128xf32>
    %exp3A_47 = math.exp %mul3A_46 : vector<1000x128xf32>
    %reduce_sum3A_48 = arith.constant dense<0.000000e+00> : vector<1000xf32>
    %reduce_sum3A_49 = vector.multi_reduction <add>, %exp3A_47, %reduce_sum3A_48 [1] : vector<1000x128xf32> to vector<1000xf32>
    %broadcast_in_dim3A_50 = vector.shape_cast %reduce_sum3A_49 : vector<1000xf32> to vector<1000x1xf32>
    %div3A_51 = arith.constant 1.280000e+02 : f32
    %div3A_52 = vector.broadcast %div3A_51 : f32 to vector<1000x1xf32>
    %div3A_53 = arith.divf %broadcast_in_dim3A_50, %div3A_52 : vector<1000x1xf32>
    %slice3A_54 = vector.extract_strided_slice %get3A_6 {offsets = [3, 0], sizes = [1, 128], strides = [1, 1]} : vector<16x128xf32> to vector<1x128xf32>
    %sub3A_55 = vector.broadcast %slice3A_54 : vector<1x128xf32> to vector<1000x128xf32>
    %sub3A_56 = arith.subf %get3A_1, %sub3A_55 : vector<1000x128xf32>
    %slice3A_57 = vector.extract_strided_slice %get3A_9 {offsets = [3, 0], sizes = [1, 128], strides = [1, 1]} : vector<16x128xf32> to vector<1x128xf32>
    %div3A_58 = vector.broadcast %slice3A_57 : vector<1x128xf32> to vector<1000x128xf32>
    %div3A_59 = arith.divf %sub3A_56, %div3A_58 : vector<1000x128xf32>
    %mul3A_60 = arith.constant -5.000000e-01 : f32
    %mul3A_61 = vector.broadcast %mul3A_60 : f32 to vector<1000x128xf32>
    %mul3A_62 = arith.mulf %mul3A_61, %div3A_59 : vector<1000x128xf32>
    %mul3A_63 = arith.mulf %mul3A_62, %div3A_59 : vector<1000x128xf32>
    %exp3A_64 = math.exp %mul3A_63 : vector<1000x128xf32>
    %reduce_sum3A_65 = arith.constant dense<0.000000e+00> : vector<1000xf32>
    %reduce_sum3A_66 = vector.multi_reduction <add>, %exp3A_64, %reduce_sum3A_65 [1] : vector<1000x128xf32> to vector<1000xf32>
    %broadcast_in_dim3A_67 = vector.shape_cast %reduce_sum3A_66 : vector<1000xf32> to vector<1000x1xf32>
    %div3A_68 = arith.constant 1.280000e+02 : f32
    %div3A_69 = vector.broadcast %div3A_68 : f32 to vector<1000x1xf32>
    %div3A_70 = arith.divf %broadcast_in_dim3A_67, %div3A_69 : vector<1000x1xf32>
    %slice3A_71 = vector.extract_strided_slice %get3A_6 {offsets = [4, 0], sizes = [1, 128], strides = [1, 1]} : vector<16x128xf32> to vector<1x128xf32>
    %sub3A_72 = vector.broadcast %slice3A_71 : vector<1x128xf32> to vector<1000x128xf32>
    %sub3A_73 = arith.subf %get3A_1, %sub3A_72 : vector<1000x128xf32>
    %slice3A_74 = vector.extract_strided_slice %get3A_9 {offsets = [4, 0], sizes = [1, 128], strides = [1, 1]} : vector<16x128xf32> to vector<1x128xf32>
    %div3A_75 = vector.broadcast %slice3A_74 : vector<1x128xf32> to vector<1000x128xf32>
    %div3A_76 = arith.divf %sub3A_73, %div3A_75 : vector<1000x128xf32>
    %mul3A_77 = arith.constant -5.000000e-01 : f32
    %mul3A_78 = vector.broadcast %mul3A_77 : f32 to vector<1000x128xf32>
    %mul3A_79 = arith.mulf %mul3A_78, %div3A_76 : vector<1000x128xf32>
    %mul3A_80 = arith.mulf %mul3A_79, %div3A_76 : vector<1000x128xf32>
    %exp3A_81 = math.exp %mul3A_80 : vector<1000x128xf32>
    %reduce_sum3A_82 = arith.constant dense<0.000000e+00> : vector<1000xf32>
    %reduce_sum3A_83 = vector.multi_reduction <add>, %exp3A_81, %reduce_sum3A_82 [1] : vector<1000x128xf32> to vector<1000xf32>
    %broadcast_in_dim3A_84 = vector.shape_cast %reduce_sum3A_83 : vector<1000xf32> to vector<1000x1xf32>
    %div3A_85 = arith.constant 1.280000e+02 : f32
    %div3A_86 = vector.broadcast %div3A_85 : f32 to vector<1000x1xf32>
    %div3A_87 = arith.divf %broadcast_in_dim3A_84, %div3A_86 : vector<1000x1xf32>
    %slice3A_88 = vector.extract_strided_slice %get3A_6 {offsets = [5, 0], sizes = [1, 128], strides = [1, 1]} : vector<16x128xf32> to vector<1x128xf32>
    %sub3A_89 = vector.broadcast %slice3A_88 : vector<1x128xf32> to vector<1000x128xf32>
    %sub3A_90 = arith.subf %get3A_1, %sub3A_89 : vector<1000x128xf32>
    %slice3A_91 = vector.extract_strided_slice %get3A_9 {offsets = [5, 0], sizes = [1, 128], strides = [1, 1]} : vector<16x128xf32> to vector<1x128xf32>
    %div3A_92 = vector.broadcast %slice3A_91 : vector<1x128xf32> to vector<1000x128xf32>
    %div3A_93 = arith.divf %sub3A_90, %div3A_92 : vector<1000x128xf32>
    %mul3A_94 = arith.constant -5.000000e-01 : f32
    %mul3A_95 = vector.broadcast %mul3A_94 : f32 to vector<1000x128xf32>
    %mul3A_96 = arith.mulf %mul3A_95, %div3A_93 : vector<1000x128xf32>
    %mul3A_97 = arith.mulf %mul3A_96, %div3A_93 : vector<1000x128xf32>
    %exp3A_98 = math.exp %mul3A_97 : vector<1000x128xf32>
    %reduce_sum3A_99 = arith.constant dense<0.000000e+00> : vector<1000xf32>
    %reduce_sum3A_100 = vector.multi_reduction <add>, %exp3A_98, %reduce_sum3A_99 [1] : vector<1000x128xf32> to vector<1000xf32>
    %broadcast_in_dim3A_101 = vector.shape_cast %reduce_sum3A_100 : vector<1000xf32> to vector<1000x1xf32>
    %div3A_102 = arith.constant 1.280000e+02 : f32
    %div3A_103 = vector.broadcast %div3A_102 : f32 to vector<1000x1xf32>
    %div3A_104 = arith.divf %broadcast_in_dim3A_101, %div3A_103 : vector<1000x1xf32>
    %slice3A_105 = vector.extract_strided_slice %get3A_6 {offsets = [6, 0], sizes = [1, 128], strides = [1, 1]} : vector<16x128xf32> to vector<1x128xf32>
    %sub3A_106 = vector.broadcast %slice3A_105 : vector<1x128xf32> to vector<1000x128xf32>
    %sub3A_107 = arith.subf %get3A_1, %sub3A_106 : vector<1000x128xf32>
    %slice3A_108 = vector.extract_strided_slice %get3A_9 {offsets = [6, 0], sizes = [1, 128], strides = [1, 1]} : vector<16x128xf32> to vector<1x128xf32>
    %div3A_109 = vector.broadcast %slice3A_108 : vector<1x128xf32> to vector<1000x128xf32>
    %div3A_110 = arith.divf %sub3A_107, %div3A_109 : vector<1000x128xf32>
    %mul3A_111 = arith.constant -5.000000e-01 : f32
    %mul3A_112 = vector.broadcast %mul3A_111 : f32 to vector<1000x128xf32>
    %mul3A_113 = arith.mulf %mul3A_112, %div3A_110 : vector<1000x128xf32>
    %mul3A_114 = arith.mulf %mul3A_113, %div3A_110 : vector<1000x128xf32>
    %exp3A_115 = math.exp %mul3A_114 : vector<1000x128xf32>
    %reduce_sum3A_116 = arith.constant dense<0.000000e+00> : vector<1000xf32>
    %reduce_sum3A_117 = vector.multi_reduction <add>, %exp3A_115, %reduce_sum3A_116 [1] : vector<1000x128xf32> to vector<1000xf32>
    %broadcast_in_dim3A_118 = vector.shape_cast %reduce_sum3A_117 : vector<1000xf32> to vector<1000x1xf32>
    %div3A_119 = arith.constant 1.280000e+02 : f32
    %div3A_120 = vector.broadcast %div3A_119 : f32 to vector<1000x1xf32>
    %div3A_121 = arith.divf %broadcast_in_dim3A_118, %div3A_120 : vector<1000x1xf32>
    %slice3A_122 = vector.extract_strided_slice %get3A_6 {offsets = [7, 0], sizes = [1, 128], strides = [1, 1]} : vector<16x128xf32> to vector<1x128xf32>
    %sub3A_123 = vector.broadcast %slice3A_122 : vector<1x128xf32> to vector<1000x128xf32>
    %sub3A_124 = arith.subf %get3A_1, %sub3A_123 : vector<1000x128xf32>
    %slice3A_125 = vector.extract_strided_slice %get3A_9 {offsets = [7, 0], sizes = [1, 128], strides = [1, 1]} : vector<16x128xf32> to vector<1x128xf32>
    %div3A_126 = vector.broadcast %slice3A_125 : vector<1x128xf32> to vector<1000x128xf32>
    %div3A_127 = arith.divf %sub3A_124, %div3A_126 : vector<1000x128xf32>
    %mul3A_128 = arith.constant -5.000000e-01 : f32
    %mul3A_129 = vector.broadcast %mul3A_128 : f32 to vector<1000x128xf32>
    %mul3A_130 = arith.mulf %mul3A_129, %div3A_127 : vector<1000x128xf32>
    %mul3A_131 = arith.mulf %mul3A_130, %div3A_127 : vector<1000x128xf32>
    %exp3A_132 = math.exp %mul3A_131 : vector<1000x128xf32>
    %reduce_sum3A_133 = arith.constant dense<0.000000e+00> : vector<1000xf32>
    %reduce_sum3A_134 = vector.multi_reduction <add>, %exp3A_132, %reduce_sum3A_133 [1] : vector<1000x128xf32> to vector<1000xf32>
    %broadcast_in_dim3A_135 = vector.shape_cast %reduce_sum3A_134 : vector<1000xf32> to vector<1000x1xf32>
    %div3A_136 = arith.constant 1.280000e+02 : f32
    %div3A_137 = vector.broadcast %div3A_136 : f32 to vector<1000x1xf32>
    %div3A_138 = arith.divf %broadcast_in_dim3A_135, %div3A_137 : vector<1000x1xf32>
    %slice3A_139 = vector.extract_strided_slice %get3A_6 {offsets = [8, 0], sizes = [1, 128], strides = [1, 1]} : vector<16x128xf32> to vector<1x128xf32>
    %sub3A_140 = vector.broadcast %slice3A_139 : vector<1x128xf32> to vector<1000x128xf32>
    %sub3A_141 = arith.subf %get3A_1, %sub3A_140 : vector<1000x128xf32>
    %slice3A_142 = vector.extract_strided_slice %get3A_9 {offsets = [8, 0], sizes = [1, 128], strides = [1, 1]} : vector<16x128xf32> to vector<1x128xf32>
    %div3A_143 = vector.broadcast %slice3A_142 : vector<1x128xf32> to vector<1000x128xf32>
    %div3A_144 = arith.divf %sub3A_141, %div3A_143 : vector<1000x128xf32>
    %mul3A_145 = arith.constant -5.000000e-01 : f32
    %mul3A_146 = vector.broadcast %mul3A_145 : f32 to vector<1000x128xf32>
    %mul3A_147 = arith.mulf %mul3A_146, %div3A_144 : vector<1000x128xf32>
    %mul3A_148 = arith.mulf %mul3A_147, %div3A_144 : vector<1000x128xf32>
    %exp3A_149 = math.exp %mul3A_148 : vector<1000x128xf32>
    %reduce_sum3A_150 = arith.constant dense<0.000000e+00> : vector<1000xf32>
    %reduce_sum3A_151 = vector.multi_reduction <add>, %exp3A_149, %reduce_sum3A_150 [1] : vector<1000x128xf32> to vector<1000xf32>
    %broadcast_in_dim3A_152 = vector.shape_cast %reduce_sum3A_151 : vector<1000xf32> to vector<1000x1xf32>
    %div3A_153 = arith.constant 1.280000e+02 : f32
    %div3A_154 = vector.broadcast %div3A_153 : f32 to vector<1000x1xf32>
    %div3A_155 = arith.divf %broadcast_in_dim3A_152, %div3A_154 : vector<1000x1xf32>
    %slice3A_156 = vector.extract_strided_slice %get3A_6 {offsets = [9, 0], sizes = [1, 128], strides = [1, 1]} : vector<16x128xf32> to vector<1x128xf32>
    %sub3A_157 = vector.broadcast %slice3A_156 : vector<1x128xf32> to vector<1000x128xf32>
    %sub3A_158 = arith.subf %get3A_1, %sub3A_157 : vector<1000x128xf32>
    %slice3A_159 = vector.extract_strided_slice %get3A_9 {offsets = [9, 0], sizes = [1, 128], strides = [1, 1]} : vector<16x128xf32> to vector<1x128xf32>
    %div3A_160 = vector.broadcast %slice3A_159 : vector<1x128xf32> to vector<1000x128xf32>
    %div3A_161 = arith.divf %sub3A_158, %div3A_160 : vector<1000x128xf32>
    %mul3A_162 = arith.constant -5.000000e-01 : f32
    %mul3A_163 = vector.broadcast %mul3A_162 : f32 to vector<1000x128xf32>
    %mul3A_164 = arith.mulf %mul3A_163, %div3A_161 : vector<1000x128xf32>
    %mul3A_165 = arith.mulf %mul3A_164, %div3A_161 : vector<1000x128xf32>
    %exp3A_166 = math.exp %mul3A_165 : vector<1000x128xf32>
    %reduce_sum3A_167 = arith.constant dense<0.000000e+00> : vector<1000xf32>
    %reduce_sum3A_168 = vector.multi_reduction <add>, %exp3A_166, %reduce_sum3A_167 [1] : vector<1000x128xf32> to vector<1000xf32>
    %broadcast_in_dim3A_169 = vector.shape_cast %reduce_sum3A_168 : vector<1000xf32> to vector<1000x1xf32>
    %div3A_170 = arith.constant 1.280000e+02 : f32
    %div3A_171 = vector.broadcast %div3A_170 : f32 to vector<1000x1xf32>
    %div3A_172 = arith.divf %broadcast_in_dim3A_169, %div3A_171 : vector<1000x1xf32>
    %slice3A_173 = vector.extract_strided_slice %get3A_6 {offsets = [10, 0], sizes = [1, 128], strides = [1, 1]} : vector<16x128xf32> to vector<1x128xf32>
    %sub3A_174 = vector.broadcast %slice3A_173 : vector<1x128xf32> to vector<1000x128xf32>
    %sub3A_175 = arith.subf %get3A_1, %sub3A_174 : vector<1000x128xf32>
    %slice3A_176 = vector.extract_strided_slice %get3A_9 {offsets = [10, 0], sizes = [1, 128], strides = [1, 1]} : vector<16x128xf32> to vector<1x128xf32>
    %div3A_177 = vector.broadcast %slice3A_176 : vector<1x128xf32> to vector<1000x128xf32>
    %div3A_178 = arith.divf %sub3A_175, %div3A_177 : vector<1000x128xf32>
    %mul3A_179 = arith.constant -5.000000e-01 : f32
    %mul3A_180 = vector.broadcast %mul3A_179 : f32 to vector<1000x128xf32>
    %mul3A_181 = arith.mulf %mul3A_180, %div3A_178 : vector<1000x128xf32>
    %mul3A_182 = arith.mulf %mul3A_181, %div3A_178 : vector<1000x128xf32>
    %exp3A_183 = math.exp %mul3A_182 : vector<1000x128xf32>
    %reduce_sum3A_184 = arith.constant dense<0.000000e+00> : vector<1000xf32>
    %reduce_sum3A_185 = vector.multi_reduction <add>, %exp3A_183, %reduce_sum3A_184 [1] : vector<1000x128xf32> to vector<1000xf32>
    %broadcast_in_dim3A_186 = vector.shape_cast %reduce_sum3A_185 : vector<1000xf32> to vector<1000x1xf32>
    %div3A_187 = arith.constant 1.280000e+02 : f32
    %div3A_188 = vector.broadcast %div3A_187 : f32 to vector<1000x1xf32>
    %div3A_189 = arith.divf %broadcast_in_dim3A_186, %div3A_188 : vector<1000x1xf32>
    %slice3A_190 = vector.extract_strided_slice %get3A_6 {offsets = [11, 0], sizes = [1, 128], strides = [1, 1]} : vector<16x128xf32> to vector<1x128xf32>
    %sub3A_191 = vector.broadcast %slice3A_190 : vector<1x128xf32> to vector<1000x128xf32>
    %sub3A_192 = arith.subf %get3A_1, %sub3A_191 : vector<1000x128xf32>
    %slice3A_193 = vector.extract_strided_slice %get3A_9 {offsets = [11, 0], sizes = [1, 128], strides = [1, 1]} : vector<16x128xf32> to vector<1x128xf32>
    %div3A_194 = vector.broadcast %slice3A_193 : vector<1x128xf32> to vector<1000x128xf32>
    %div3A_195 = arith.divf %sub3A_192, %div3A_194 : vector<1000x128xf32>
    %mul3A_196 = arith.constant -5.000000e-01 : f32
    %mul3A_197 = vector.broadcast %mul3A_196 : f32 to vector<1000x128xf32>
    %mul3A_198 = arith.mulf %mul3A_197, %div3A_195 : vector<1000x128xf32>
    %mul3A_199 = arith.mulf %mul3A_198, %div3A_195 : vector<1000x128xf32>
    %exp3A_200 = math.exp %mul3A_199 : vector<1000x128xf32>
    %reduce_sum3A_201 = arith.constant dense<0.000000e+00> : vector<1000xf32>
    %reduce_sum3A_202 = vector.multi_reduction <add>, %exp3A_200, %reduce_sum3A_201 [1] : vector<1000x128xf32> to vector<1000xf32>
    %broadcast_in_dim3A_203 = vector.shape_cast %reduce_sum3A_202 : vector<1000xf32> to vector<1000x1xf32>
    %div3A_204 = arith.constant 1.280000e+02 : f32
    %div3A_205 = vector.broadcast %div3A_204 : f32 to vector<1000x1xf32>
    %div3A_206 = arith.divf %broadcast_in_dim3A_203, %div3A_205 : vector<1000x1xf32>
    %slice3A_207 = vector.extract_strided_slice %get3A_6 {offsets = [12, 0], sizes = [1, 128], strides = [1, 1]} : vector<16x128xf32> to vector<1x128xf32>
    %sub3A_208 = vector.broadcast %slice3A_207 : vector<1x128xf32> to vector<1000x128xf32>
    %sub3A_209 = arith.subf %get3A_1, %sub3A_208 : vector<1000x128xf32>
    %slice3A_210 = vector.extract_strided_slice %get3A_9 {offsets = [12, 0], sizes = [1, 128], strides = [1, 1]} : vector<16x128xf32> to vector<1x128xf32>
    %div3A_211 = vector.broadcast %slice3A_210 : vector<1x128xf32> to vector<1000x128xf32>
    %div3A_212 = arith.divf %sub3A_209, %div3A_211 : vector<1000x128xf32>
    %mul3A_213 = arith.constant -5.000000e-01 : f32
    %mul3A_214 = vector.broadcast %mul3A_213 : f32 to vector<1000x128xf32>
    %mul3A_215 = arith.mulf %mul3A_214, %div3A_212 : vector<1000x128xf32>
    %mul3A_216 = arith.mulf %mul3A_215, %div3A_212 : vector<1000x128xf32>
    %exp3A_217 = math.exp %mul3A_216 : vector<1000x128xf32>
    %reduce_sum3A_218 = arith.constant dense<0.000000e+00> : vector<1000xf32>
    %reduce_sum3A_219 = vector.multi_reduction <add>, %exp3A_217, %reduce_sum3A_218 [1] : vector<1000x128xf32> to vector<1000xf32>
    %broadcast_in_dim3A_220 = vector.shape_cast %reduce_sum3A_219 : vector<1000xf32> to vector<1000x1xf32>
    %div3A_221 = arith.constant 1.280000e+02 : f32
    %div3A_222 = vector.broadcast %div3A_221 : f32 to vector<1000x1xf32>
    %div3A_223 = arith.divf %broadcast_in_dim3A_220, %div3A_222 : vector<1000x1xf32>
    %slice3A_224 = vector.extract_strided_slice %get3A_6 {offsets = [13, 0], sizes = [1, 128], strides = [1, 1]} : vector<16x128xf32> to vector<1x128xf32>
    %sub3A_225 = vector.broadcast %slice3A_224 : vector<1x128xf32> to vector<1000x128xf32>
    %sub3A_226 = arith.subf %get3A_1, %sub3A_225 : vector<1000x128xf32>
    %slice3A_227 = vector.extract_strided_slice %get3A_9 {offsets = [13, 0], sizes = [1, 128], strides = [1, 1]} : vector<16x128xf32> to vector<1x128xf32>
    %div3A_228 = vector.broadcast %slice3A_227 : vector<1x128xf32> to vector<1000x128xf32>
    %div3A_229 = arith.divf %sub3A_226, %div3A_228 : vector<1000x128xf32>
    %mul3A_230 = arith.constant -5.000000e-01 : f32
    %mul3A_231 = vector.broadcast %mul3A_230 : f32 to vector<1000x128xf32>
    %mul3A_232 = arith.mulf %mul3A_231, %div3A_229 : vector<1000x128xf32>
    %mul3A_233 = arith.mulf %mul3A_232, %div3A_229 : vector<1000x128xf32>
    %exp3A_234 = math.exp %mul3A_233 : vector<1000x128xf32>
    %reduce_sum3A_235 = arith.constant dense<0.000000e+00> : vector<1000xf32>
    %reduce_sum3A_236 = vector.multi_reduction <add>, %exp3A_234, %reduce_sum3A_235 [1] : vector<1000x128xf32> to vector<1000xf32>
    %broadcast_in_dim3A_237 = vector.shape_cast %reduce_sum3A_236 : vector<1000xf32> to vector<1000x1xf32>
    %div3A_238 = arith.constant 1.280000e+02 : f32
    %div3A_239 = vector.broadcast %div3A_238 : f32 to vector<1000x1xf32>
    %div3A_240 = arith.divf %broadcast_in_dim3A_237, %div3A_239 : vector<1000x1xf32>
    %slice3A_241 = vector.extract_strided_slice %get3A_6 {offsets = [14, 0], sizes = [1, 128], strides = [1, 1]} : vector<16x128xf32> to vector<1x128xf32>
    %sub3A_242 = vector.broadcast %slice3A_241 : vector<1x128xf32> to vector<1000x128xf32>
    %sub3A_243 = arith.subf %get3A_1, %sub3A_242 : vector<1000x128xf32>
    %slice3A_244 = vector.extract_strided_slice %get3A_9 {offsets = [14, 0], sizes = [1, 128], strides = [1, 1]} : vector<16x128xf32> to vector<1x128xf32>
    %div3A_245 = vector.broadcast %slice3A_244 : vector<1x128xf32> to vector<1000x128xf32>
    %div3A_246 = arith.divf %sub3A_243, %div3A_245 : vector<1000x128xf32>
    %mul3A_247 = arith.constant -5.000000e-01 : f32
    %mul3A_248 = vector.broadcast %mul3A_247 : f32 to vector<1000x128xf32>
    %mul3A_249 = arith.mulf %mul3A_248, %div3A_246 : vector<1000x128xf32>
    %mul3A_250 = arith.mulf %mul3A_249, %div3A_246 : vector<1000x128xf32>
    %exp3A_251 = math.exp %mul3A_250 : vector<1000x128xf32>
    %reduce_sum3A_252 = arith.constant dense<0.000000e+00> : vector<1000xf32>
    %reduce_sum3A_253 = vector.multi_reduction <add>, %exp3A_251, %reduce_sum3A_252 [1] : vector<1000x128xf32> to vector<1000xf32>
    %broadcast_in_dim3A_254 = vector.shape_cast %reduce_sum3A_253 : vector<1000xf32> to vector<1000x1xf32>
    %div3A_255 = arith.constant 1.280000e+02 : f32
    %div3A_256 = vector.broadcast %div3A_255 : f32 to vector<1000x1xf32>
    %div3A_257 = arith.divf %broadcast_in_dim3A_254, %div3A_256 : vector<1000x1xf32>
    %slice3A_258 = vector.extract_strided_slice %get3A_6 {offsets = [15, 0], sizes = [1, 128], strides = [1, 1]} : vector<16x128xf32> to vector<1x128xf32>
    %sub3A_259 = vector.broadcast %slice3A_258 : vector<1x128xf32> to vector<1000x128xf32>
    %sub3A_260 = arith.subf %get3A_1, %sub3A_259 : vector<1000x128xf32>
    %slice3A_261 = vector.extract_strided_slice %get3A_9 {offsets = [15, 0], sizes = [1, 128], strides = [1, 1]} : vector<16x128xf32> to vector<1x128xf32>
    %div3A_262 = vector.broadcast %slice3A_261 : vector<1x128xf32> to vector<1000x128xf32>
    %div3A_263 = arith.divf %sub3A_260, %div3A_262 : vector<1000x128xf32>
    %mul3A_264 = arith.constant -5.000000e-01 : f32
    %mul3A_265 = vector.broadcast %mul3A_264 : f32 to vector<1000x128xf32>
    %mul3A_266 = arith.mulf %mul3A_265, %div3A_263 : vector<1000x128xf32>
    %mul3A_267 = arith.mulf %mul3A_266, %div3A_263 : vector<1000x128xf32>
    %exp3A_268 = math.exp %mul3A_267 : vector<1000x128xf32>
    %reduce_sum3A_269 = arith.constant dense<0.000000e+00> : vector<1000xf32>
    %reduce_sum3A_270 = vector.multi_reduction <add>, %exp3A_268, %reduce_sum3A_269 [1] : vector<1000x128xf32> to vector<1000xf32>
    %broadcast_in_dim3A_271 = vector.shape_cast %reduce_sum3A_270 : vector<1000xf32> to vector<1000x1xf32>
    %div3A_272 = arith.constant 1.280000e+02 : f32
    %div3A_273 = vector.broadcast %div3A_272 : f32 to vector<1000x1xf32>
    %div3A_274 = arith.divf %broadcast_in_dim3A_271, %div3A_273 : vector<1000x1xf32>
    %concatenate3A = tpu.concatenate %div3A_19, %div3A_36, %div3A_53, %div3A_70, %div3A_87, %div3A_104, %div3A_121, %div3A_138, %div3A_155, %div3A_172, %div3A_189, %div3A_206, %div3A_223, %div3A_240, %div3A_257, %div3A_274 in 1 : vector<1000x1xf32>, vector<1000x1xf32>, vector<1000x1xf32>, vector<1000x1xf32>, vector<1000x1xf32>, vector<1000x1xf32>, vector<1000x1xf32>, vector<1000x1xf32>, vector<1000x1xf32>, vector<1000x1xf32>, vector<1000x1xf32>, vector<1000x1xf32>, vector<1000x1xf32>, vector<1000x1xf32>, vector<1000x1xf32>, vector<1000x1xf32> -> vector<1000x16xf32>
    %reduce_sum3A_275 = arith.constant dense<0.000000e+00> : vector<1000xf32>
    %reduce_sum3A_276 = vector.multi_reduction <add>, %concatenate3A, %reduce_sum3A_275 [1] : vector<1000x16xf32> to vector<1000xf32>
    %broadcast_in_dim3A_277 = vector.shape_cast %reduce_sum3A_276 : vector<1000xf32> to vector<1000x1xf32>
    %add3A = arith.constant 9.99999996E-13 : f32
    %add3A_278 = vector.broadcast %add3A : f32 to vector<1000x1xf32>
    %add3A_279 = arith.addf %broadcast_in_dim3A_277, %add3A_278 : vector<1000x1xf32>
    %div3A_280 = vector.broadcast %add3A_279 : vector<1000x1xf32> to vector<1000x16xf32>
    %div3A_281 = arith.divf %concatenate3A, %div3A_280 : vector<1000x16xf32>
    %slice3A_282 = vector.extract_strided_slice %div3A_281 {offsets = [0, 0], sizes = [1000, 1], strides = [1, 1]} : vector<1000x16xf32> to vector<1000x1xf32>
    %mul3A_283 = vector.broadcast %slice3A_282 : vector<1000x1xf32> to vector<1000x128xf32>
    %mul3A_284 = arith.mulf %mul3A_283, %get3A_1 : vector<1000x128xf32>
    %slice3A_285 = vector.extract_strided_slice %div3A_281 {offsets = [0, 1], sizes = [1000, 1], strides = [1, 1]} : vector<1000x16xf32> to vector<1000x1xf32>
    %mul3A_286 = vector.broadcast %slice3A_285 : vector<1000x1xf32> to vector<1000x128xf32>
    %mul3A_287 = arith.mulf %mul3A_286, %get3A_1 : vector<1000x128xf32>
    %slice3A_288 = vector.extract_strided_slice %div3A_281 {offsets = [0, 2], sizes = [1000, 1], strides = [1, 1]} : vector<1000x16xf32> to vector<1000x1xf32>
    %mul3A_289 = vector.broadcast %slice3A_288 : vector<1000x1xf32> to vector<1000x128xf32>
    %mul3A_290 = arith.mulf %mul3A_289, %get3A_1 : vector<1000x128xf32>
    %slice3A_291 = vector.extract_strided_slice %div3A_281 {offsets = [0, 3], sizes = [1000, 1], strides = [1, 1]} : vector<1000x16xf32> to vector<1000x1xf32>
    %mul3A_292 = vector.broadcast %slice3A_291 : vector<1000x1xf32> to vector<1000x128xf32>
    %mul3A_293 = arith.mulf %mul3A_292, %get3A_1 : vector<1000x128xf32>
    %slice3A_294 = vector.extract_strided_slice %div3A_281 {offsets = [0, 4], sizes = [1000, 1], strides = [1, 1]} : vector<1000x16xf32> to vector<1000x1xf32>
    %mul3A_295 = vector.broadcast %slice3A_294 : vector<1000x1xf32> to vector<1000x128xf32>
    %mul3A_296 = arith.mulf %mul3A_295, %get3A_1 : vector<1000x128xf32>
    %slice3A_297 = vector.extract_strided_slice %div3A_281 {offsets = [0, 5], sizes = [1000, 1], strides = [1, 1]} : vector<1000x16xf32> to vector<1000x1xf32>
    %mul3A_298 = vector.broadcast %slice3A_297 : vector<1000x1xf32> to vector<1000x128xf32>
    %mul3A_299 = arith.mulf %mul3A_298, %get3A_1 : vector<1000x128xf32>
    %slice3A_300 = vector.extract_strided_slice %div3A_281 {offsets = [0, 6], sizes = [1000, 1], strides = [1, 1]} : vector<1000x16xf32> to vector<1000x1xf32>
    %mul3A_301 = vector.broadcast %slice3A_300 : vector<1000x1xf32> to vector<1000x128xf32>
    %mul3A_302 = arith.mulf %mul3A_301, %get3A_1 : vector<1000x128xf32>
    %slice3A_303 = vector.extract_strided_slice %div3A_281 {offsets = [0, 7], sizes = [1000, 1], strides = [1, 1]} : vector<1000x16xf32> to vector<1000x1xf32>
    %mul3A_304 = vector.broadcast %slice3A_303 : vector<1000x1xf32> to vector<1000x128xf32>
    %mul3A_305 = arith.mulf %mul3A_304, %get3A_1 : vector<1000x128xf32>
    %slice3A_306 = vector.extract_strided_slice %div3A_281 {offsets = [0, 8], sizes = [1000, 1], strides = [1, 1]} : vector<1000x16xf32> to vector<1000x1xf32>
    %mul3A_307 = vector.broadcast %slice3A_306 : vector<1000x1xf32> to vector<1000x128xf32>
    %mul3A_308 = arith.mulf %mul3A_307, %get3A_1 : vector<1000x128xf32>
    %slice3A_309 = vector.extract_strided_slice %div3A_281 {offsets = [0, 9], sizes = [1000, 1], strides = [1, 1]} : vector<1000x16xf32> to vector<1000x1xf32>
    %mul3A_310 = vector.broadcast %slice3A_309 : vector<1000x1xf32> to vector<1000x128xf32>
    %mul3A_311 = arith.mulf %mul3A_310, %get3A_1 : vector<1000x128xf32>
    %slice3A_312 = vector.extract_strided_slice %div3A_281 {offsets = [0, 10], sizes = [1000, 1], strides = [1, 1]} : vector<1000x16xf32> to vector<1000x1xf32>
    %mul3A_313 = vector.broadcast %slice3A_312 : vector<1000x1xf32> to vector<1000x128xf32>
    %mul3A_314 = arith.mulf %mul3A_313, %get3A_1 : vector<1000x128xf32>
    %slice3A_315 = vector.extract_strided_slice %div3A_281 {offsets = [0, 11], sizes = [1000, 1], strides = [1, 1]} : vector<1000x16xf32> to vector<1000x1xf32>
    %mul3A_316 = vector.broadcast %slice3A_315 : vector<1000x1xf32> to vector<1000x128xf32>
    %mul3A_317 = arith.mulf %mul3A_316, %get3A_1 : vector<1000x128xf32>
    %slice3A_318 = vector.extract_strided_slice %div3A_281 {offsets = [0, 12], sizes = [1000, 1], strides = [1, 1]} : vector<1000x16xf32> to vector<1000x1xf32>
    %mul3A_319 = vector.broadcast %slice3A_318 : vector<1000x1xf32> to vector<1000x128xf32>
    %mul3A_320 = arith.mulf %mul3A_319, %get3A_1 : vector<1000x128xf32>
    %slice3A_321 = vector.extract_strided_slice %div3A_281 {offsets = [0, 13], sizes = [1000, 1], strides = [1, 1]} : vector<1000x16xf32> to vector<1000x1xf32>
    %mul3A_322 = vector.broadcast %slice3A_321 : vector<1000x1xf32> to vector<1000x128xf32>
    %mul3A_323 = arith.mulf %mul3A_322, %get3A_1 : vector<1000x128xf32>
    %slice3A_324 = vector.extract_strided_slice %div3A_281 {offsets = [0, 14], sizes = [1000, 1], strides = [1, 1]} : vector<1000x16xf32> to vector<1000x1xf32>
    %mul3A_325 = vector.broadcast %slice3A_324 : vector<1000x1xf32> to vector<1000x128xf32>
    %mul3A_326 = arith.mulf %mul3A_325, %get3A_1 : vector<1000x128xf32>
    %slice3A_327 = vector.extract_strided_slice %div3A_281 {offsets = [0, 15], sizes = [1000, 1], strides = [1, 1]} : vector<1000x16xf32> to vector<1000x1xf32>
    %mul3A_328 = vector.broadcast %slice3A_327 : vector<1000x1xf32> to vector<1000x128xf32>
    %mul3A_329 = arith.mulf %mul3A_328, %get3A_1 : vector<1000x128xf32>
    %concatenate3A_330 = tpu.concatenate %mul3A_284, %mul3A_287, %mul3A_290, %mul3A_293, %mul3A_296, %mul3A_299, %mul3A_302, %mul3A_305, %mul3A_308, %mul3A_311, %mul3A_314, %mul3A_317, %mul3A_320, %mul3A_323, %mul3A_326, %mul3A_329 in 1 : vector<1000x128xf32>, vector<1000x128xf32>, vector<1000x128xf32>, vector<1000x128xf32>, vector<1000x128xf32>, vector<1000x128xf32>, vector<1000x128xf32>, vector<1000x128xf32>, vector<1000x128xf32>, vector<1000x128xf32>, vector<1000x128xf32>, vector<1000x128xf32>, vector<1000x128xf32>, vector<1000x128xf32>, vector<1000x128xf32>, vector<1000x128xf32> -> vector<1000x2048xf32>
    %get3A_331 = arith.constant 0 : index
    %get3A_332 = arith.constant 0 : index
    %get3A_333 = vector.load %arg4[%get3A_331, %get3A_332] : memref<2048x128xf32, #tpu.memory_space<vmem>>, vector<2048x128xf32>
    %dot_general3A = arith.constant dense<0.000000e+00> : vector<1000x128xf32>
    %dot_general3A_334 = tpu.matmul %concatenate3A_330, %get3A_333, %dot_general3A {dimension_numbers = #tpu.dot_dimension_numbers<[1], [0], [0], [1], [0, 0, 1, 1], [], []>, transpose_lhs_hint = false} : vector<1000x2048xf32>, vector<2048x128xf32>, vector<1000x128xf32> -> vector<1000x128xf32>
    %get3A_335 = arith.constant 0 : index
    %get3A_336 = arith.constant 0 : index
    %get3A_337 = vector.load %arg5[%get3A_335, %get3A_336] : memref<16x128xf32, #tpu.memory_space<vmem>>, vector<16x128xf32>
    %dot_general3A_338 = arith.constant dense<0.000000e+00> : vector<1000x128xf32>
    %dot_general3A_339 = tpu.matmul %div3A_281, %get3A_337, %dot_general3A_338 {dimension_numbers = #tpu.dot_dimension_numbers<[1], [0], [0], [1], [0, 0, 1, 1], [], []>, transpose_lhs_hint = false} : vector<1000x16xf32>, vector<16x128xf32>, vector<1000x128xf32> -> vector<1000x128xf32>
    %add3A_340 = arith.addf %dot_general3A_334, %dot_general3A_339 : vector<1000x128xf32>
    %get3A_341 = arith.constant 0 : index
    %get3A_342 = arith.constant 0 : index
    %get3A_343 = vector.load %arg6[%get3A_341, %get3A_342] : memref<1000x1xf32, #tpu.memory_space<vmem>>, vector<1000x1xf32>
    %add3A_344 = arith.constant 1.000000e+00 : f32
    %add3A_345 = vector.broadcast %add3A_344 : f32 to vector<1000x1xf32>
    %add3A_346 = arith.addf %get3A_343, %add3A_345 : vector<1000x1xf32>
    %rsqrt3A = math.rsqrt %add3A_346 : vector<1000x1xf32>
    %mul3A_347 = vector.broadcast %rsqrt3A : vector<1000x1xf32> to vector<1000x128xf32>
    %mul3A_348 = arith.mulf %add3A_340, %mul3A_347 : vector<1000x128xf32>
    %swap3A_349 = arith.constant 0 : index
    %swap3A_350 = arith.constant 0 : index
    %swap3A_351 = vector.load %arg8[%swap3A_349, %swap3A_350] : memref<1000x128xf32, #tpu.memory_space<vmem>>, vector<1000x128xf32>
    tpu.vector_store %arg8[%swap3A_349, %swap3A_350], %mul3A_348 {strides = array<i32>} : memref<1000x128xf32, #tpu.memory_space<vmem>>, vector<1000x128xf32>,
    return
  }
  func.func @transform_0(%arg0: i32) -> (i32, i32) {
    %c0_i32 = arith.constant 0 : i32
    %c0_i32_0 = arith.constant 0 : i32
    return %arg0, %c0_i32 : i32, i32
  }
  func.func @transform_1(%arg0: i32) -> (i32, i32) {
    %c0_i32 = arith.constant 0 : i32
    %c0_i32_0 = arith.constant 0 : i32
    %c0_i32_1 = arith.constant 0 : i32
    return %c0_i32, %c0_i32_0 : i32, i32
  }
  func.func @transform_2(%arg0: i32) -> (i32, i32) {
    %c0_i32 = arith.constant 0 : i32
    %c0_i32_0 = arith.constant 0 : i32
    %c0_i32_1 = arith.constant 0 : i32
    return %c0_i32, %c0_i32_0 : i32, i32
  }
  func.func @transform_3(%arg0: i32) -> (i32, i32) {
    %c0_i32 = arith.constant 0 : i32
    %c0_i32_0 = arith.constant 0 : i32
    %c0_i32_1 = arith.constant 0 : i32
    return %c0_i32, %c0_i32_0 : i32, i32
  }
  func.func @transform_4(%arg0: i32) -> (i32, i32) {
    %c0_i32 = arith.constant 0 : i32
    %c0_i32_0 = arith.constant 0 : i32
    %c0_i32_1 = arith.constant 0 : i32
    return %c0_i32, %c0_i32_0 : i32, i32
  }
  func.func @transform_5(%arg0: i32) -> (i32, i32) {
    %c0_i32 = arith.constant 0 : i32
    %c0_i32_0 = arith.constant 0 : i32
    return %arg0, %c0_i32 : i32, i32
  }
  func.func @transform_6(%arg0: i32) -> (i32, i32) {
    %c0_i32 = arith.constant 0 : i32
    %c0_i32_0 = arith.constant 0 : i32
    return %arg0, %c0_i32 : i32, i32
  }
  func.func @transform_7(%arg0: i32) -> (i32, i32) {
    %c0_i32 = arith.constant 0 : i32
    %c0_i32_0 = arith.constant 0 : i32
    return %arg0, %c0_i32 : i32, i32
  }
}

module attributes {stable_mosaic.version = 14 : i64} {
  func.func @_stats_body(%arg0: i32, %arg1: memref<1000x128xf32, #tpu.memory_space<vmem>>, %arg2: memref<1000x128xf32, #tpu.memory_space<vmem>>, %arg3: memref<1000x1xf32, #tpu.memory_space<vmem>>, %arg4: memref<1000x128xf32, #tpu.memory_space<vmem>>, %arg5: memref<8x128xf32, #tpu.memory_space<vmem>>) attributes {dimension_semantics = [#tpu.dimension_semantics<arbitrary>], iteration_bounds = array<i64: 10>, scalar_prefetch = 0 : i64, scratch_operands = 0 : i64, tpu.core_type = #tpu.core_type<tc>, window_params = [{transform_indices = @transform_0, window_bounds = array<i64: 1000, 128>}, {transform_indices = @transform_1, window_bounds = array<i64: 1000, 128>}, {transform_indices = @transform_2, window_bounds = array<i64: 1000, 1>}, {transform_indices = @transform_3, window_bounds = array<i64: 1000, 128>}, {pipeline_mode = #tpu.pipeline_mode<synchronous>, transform_indices = @transform_4, window_bounds = array<i64: 8, 128>}]} {
    %get3A = arith.constant 0 : index
    %get3A_0 = arith.constant 0 : index
    %get3A_1 = vector.load %arg1[%get3A, %get3A_0] : memref<1000x128xf32, #tpu.memory_space<vmem>>, vector<1000x128xf32>
    %get3A_2 = arith.constant 0 : index
    %get3A_3 = arith.constant 0 : index
    %get3A_4 = vector.load %arg2[%get3A_2, %get3A_3] : memref<1000x128xf32, #tpu.memory_space<vmem>>, vector<1000x128xf32>
    %add3A = arith.addf %get3A_1, %get3A_4 : vector<1000x128xf32>
    %get3A_5 = arith.constant 0 : index
    %get3A_6 = arith.constant 0 : index
    %get3A_7 = vector.load %arg3[%get3A_5, %get3A_6] : memref<1000x1xf32, #tpu.memory_space<vmem>>, vector<1000x1xf32>
    %add3A_8 = arith.constant 1.000000e+00 : f32
    %add3A_9 = vector.broadcast %add3A_8 : f32 to vector<1000x1xf32>
    %add3A_10 = arith.addf %get3A_7, %add3A_9 : vector<1000x1xf32>
    %rsqrt3A = math.rsqrt %add3A_10 : vector<1000x1xf32>
    %mul3A = vector.broadcast %rsqrt3A : vector<1000x1xf32> to vector<1000x128xf32>
    %mul3A_11 = arith.mulf %add3A, %mul3A : vector<1000x128xf32>
    %max3A = arith.constant 0.000000e+00 : f32
    %max3A_12 = vector.broadcast %max3A : f32 to vector<1000x128xf32>
    %max3A_13 = arith.maximumf %mul3A_11, %max3A_12 : vector<1000x128xf32>
    %swap3A = arith.constant 0 : index
    %swap3A_14 = arith.constant 0 : index
    %swap3A_15 = vector.load %arg4[%swap3A, %swap3A_14] : memref<1000x128xf32, #tpu.memory_space<vmem>>, vector<1000x128xf32>
    tpu.vector_store %arg4[%swap3A, %swap3A_14], %max3A_13 {strides = array<i32>} : memref<1000x128xf32, #tpu.memory_space<vmem>>, vector<1000x128xf32>,
    %reduce_sum3A = arith.constant dense<0.000000e+00> : vector<128xf32>
    %reduce_sum3A_16 = vector.multi_reduction <add>, %max3A_13, %reduce_sum3A [0] : vector<1000x128xf32> to vector<128xf32>
    %broadcast_in_dim3A = vector.shape_cast %reduce_sum3A_16 : vector<128xf32> to vector<1x128xf32>
    %mul3A_17 = arith.mulf %max3A_13, %max3A_13 : vector<1000x128xf32>
    %reduce_sum3A_18 = arith.constant dense<0.000000e+00> : vector<128xf32>
    %reduce_sum3A_19 = vector.multi_reduction <add>, %mul3A_17, %reduce_sum3A_18 [0] : vector<1000x128xf32> to vector<128xf32>
    %broadcast_in_dim3A_20 = vector.shape_cast %reduce_sum3A_19 : vector<128xf32> to vector<1x128xf32>
    %broadcast_in_dim3A_21 = arith.constant 0.000000e+00 : f32
    %broadcast_in_dim3A_22 = vector.broadcast %broadcast_in_dim3A_21 : f32 to vector<6x128xf32>
    %concatenate3A = tpu.concatenate %broadcast_in_dim3A, %broadcast_in_dim3A_20, %broadcast_in_dim3A_22 in 0 : vector<1x128xf32>, vector<1x128xf32>, vector<6x128xf32> -> vector<8x128xf32>
    %eq3A = arith.constant 0 : i32
    %eq3A_23 = arith.cmpi eq, %arg0, %eq3A : i32
    %convert_element_type3A = arith.extui %eq3A_23 : i1 to i32
    %cond3A = arith.constant 0 : i32
    %cond3A_24 = arith.cmpi ne, %convert_element_type3A, %cond3A : i32
    scf.if %cond3A_24 {
      %broadcast_in_dim3A_32 = arith.constant 0.000000e+00 : f32
      %broadcast_in_dim3A_33 = vector.broadcast %broadcast_in_dim3A_32 : f32 to vector<8x128xf32>
      %swap3A_34 = arith.constant 0 : index
      %swap3A_35 = arith.constant 0 : index
      %swap3A_36 = vector.load %arg5[%swap3A_34, %swap3A_35] : memref<8x128xf32, #tpu.memory_space<vmem>>, vector<8x128xf32>
      tpu.vector_store %arg5[%swap3A_34, %swap3A_35], %broadcast_in_dim3A_33 {strides = array<i32>} : memref<8x128xf32, #tpu.memory_space<vmem>>, vector<8x128xf32>,
    } else {
    }
    %get3A_25 = arith.constant 0 : index
    %get3A_26 = arith.constant 0 : index
    %get3A_27 = vector.load %arg5[%get3A_25, %get3A_26] : memref<8x128xf32, #tpu.memory_space<vmem>>, vector<8x128xf32>
    %add3A_28 = arith.addf %get3A_27, %concatenate3A : vector<8x128xf32>
    %swap3A_29 = arith.constant 0 : index
    %swap3A_30 = arith.constant 0 : index
    %swap3A_31 = vector.load %arg5[%swap3A_29, %swap3A_30] : memref<8x128xf32, #tpu.memory_space<vmem>>, vector<8x128xf32>
    tpu.vector_store %arg5[%swap3A_29, %swap3A_30], %add3A_28 {strides = array<i32>} : memref<8x128xf32, #tpu.memory_space<vmem>>, vector<8x128xf32>,
    return
  }
  func.func @transform_0(%arg0: i32) -> (i32, i32) {
    %c0_i32 = arith.constant 0 : i32
    %c0_i32_0 = arith.constant 0 : i32
    return %arg0, %c0_i32 : i32, i32
  }
  func.func @transform_1(%arg0: i32) -> (i32, i32) {
    %c0_i32 = arith.constant 0 : i32
    %c0_i32_0 = arith.constant 0 : i32
    return %arg0, %c0_i32 : i32, i32
  }
  func.func @transform_2(%arg0: i32) -> (i32, i32) {
    %c0_i32 = arith.constant 0 : i32
    %c0_i32_0 = arith.constant 0 : i32
    return %arg0, %c0_i32 : i32, i32
  }
  func.func @transform_3(%arg0: i32) -> (i32, i32) {
    %c0_i32 = arith.constant 0 : i32
    %c0_i32_0 = arith.constant 0 : i32
    return %arg0, %c0_i32 : i32, i32
  }
  func.func @transform_4(%arg0: i32) -> (i32, i32) {
    %c0_i32 = arith.constant 0 : i32
    %c0_i32_0 = arith.constant 0 : i32
    %c0_i32_1 = arith.constant 0 : i32
    return %c0_i32, %c0_i32_0 : i32, i32
  }
}

module attributes {stable_mosaic.version = 14 : i64} {
  func.func @_msg_body(%arg0: i32, %arg1: memref<1000x128xf32, #tpu.memory_space<vmem>>, %arg2: memref<1000x128xf32, #tpu.memory_space<vmem>>, %arg3: memref<8x128xf32, #tpu.memory_space<vmem>>, %arg4: memref<1x128xf32, #tpu.memory_space<vmem>>, %arg5: memref<1x128xf32, #tpu.memory_space<vmem>>, %arg6: memref<16x128xf32, #tpu.memory_space<vmem>>, %arg7: memref<16x128xf32, #tpu.memory_space<vmem>>, %arg8: memref<2048x128xf32, #tpu.memory_space<vmem>>, %arg9: memref<16x128xf32, #tpu.memory_space<vmem>>, %arg10: memref<1000x1xf32, #tpu.memory_space<vmem>>, %arg11: memref<1000x128xf32, #tpu.memory_space<vmem>>, %arg12: memref<1000x128xf32, #tpu.memory_space<vmem>>) attributes {dimension_semantics = [#tpu.dimension_semantics<arbitrary>], iteration_bounds = array<i64: 10>, scalar_prefetch = 0 : i64, scratch_operands = 0 : i64, tpu.core_type = #tpu.core_type<tc>, window_params = [{transform_indices = @transform_0, window_bounds = array<i64: 1000, 128>}, {transform_indices = @transform_1, window_bounds = array<i64: 1000, 128>}, {pipeline_mode = #tpu.pipeline_mode<synchronous>, transform_indices = @transform_2, window_bounds = array<i64: 8, 128>}, {pipeline_mode = #tpu.pipeline_mode<synchronous>, transform_indices = @transform_3, window_bounds = array<i64: 1, 128>}, {pipeline_mode = #tpu.pipeline_mode<synchronous>, transform_indices = @transform_4, window_bounds = array<i64: 1, 128>}, {pipeline_mode = #tpu.pipeline_mode<synchronous>, transform_indices = @transform_5, window_bounds = array<i64: 16, 128>}, {pipeline_mode = #tpu.pipeline_mode<synchronous>, transform_indices = @transform_6, window_bounds = array<i64: 16, 128>}, {pipeline_mode = #tpu.pipeline_mode<synchronous>, transform_indices = @transform_7, window_bounds = array<i64: 2048, 128>}, {pipeline_mode = #tpu.pipeline_mode<synchronous>, transform_indices = @transform_8, window_bounds = array<i64: 16, 128>}, {transform_indices = @transform_9, window_bounds = array<i64: 1000, 1>}, {transform_indices = @transform_10, window_bounds = array<i64: 1000, 128>}, {transform_indices = @transform_11, window_bounds = array<i64: 1000, 128>}]} {
    %get3A = arith.constant 0 : index
    %get3A_0 = arith.constant 0 : index
    %get3A_1 = vector.load %arg1[%get3A, %get3A_0] : memref<1000x128xf32, #tpu.memory_space<vmem>>, vector<1000x128xf32>
    %get3A_2 = arith.constant 0 : index
    %get3A_3 = arith.constant 0 : index
    %get3A_4 = vector.load %arg3[%get3A_2, %get3A_3] : memref<8x128xf32, #tpu.memory_space<vmem>>, vector<1x128xf32>
    %mul3A = arith.constant 9.99999974E-5 : f32
    %mul3A_5 = vector.broadcast %mul3A : f32 to vector<1x128xf32>
    %mul3A_6 = arith.mulf %get3A_4, %mul3A_5 : vector<1x128xf32>
    %get3A_7 = arith.constant 1 : index
    %get3A_8 = arith.constant 0 : index
    %get3A_9 = vector.load %arg3[%get3A_7, %get3A_8] : memref<8x128xf32, #tpu.memory_space<vmem>>, vector<1x128xf32>
    %mul3A_10 = arith.constant 9.99999974E-5 : f32
    %mul3A_11 = vector.broadcast %mul3A_10 : f32 to vector<1x128xf32>
    %mul3A_12 = arith.mulf %get3A_9, %mul3A_11 : vector<1x128xf32>
    %mul3A_13 = arith.mulf %mul3A_6, %mul3A_6 : vector<1x128xf32>
    %sub3A = arith.subf %mul3A_12, %mul3A_13 : vector<1x128xf32>
    %get3A_14 = arith.constant 0 : index
    %get3A_15 = arith.constant 0 : index
    %get3A_16 = vector.load %arg4[%get3A_14, %get3A_15] : memref<1x128xf32, #tpu.memory_space<vmem>>, vector<1x128xf32>
    %add3A = arith.constant 9.99999974E-6 : f32
    %add3A_17 = vector.broadcast %add3A : f32 to vector<1x128xf32>
    %add3A_18 = arith.addf %sub3A, %add3A_17 : vector<1x128xf32>
    %rsqrt3A = math.rsqrt %add3A_18 : vector<1x128xf32>
    %mul3A_19 = arith.mulf %get3A_16, %rsqrt3A : vector<1x128xf32>
    %get3A_20 = arith.constant 0 : index
    %get3A_21 = arith.constant 0 : index
    %get3A_22 = vector.load %arg5[%get3A_20, %get3A_21] : memref<1x128xf32, #tpu.memory_space<vmem>>, vector<1x128xf32>
    %mul3A_23 = arith.mulf %mul3A_6, %mul3A_19 : vector<1x128xf32>
    %sub3A_24 = arith.subf %get3A_22, %mul3A_23 : vector<1x128xf32>
    %get3A_25 = arith.constant 0 : index
    %get3A_26 = arith.constant 0 : index
    %get3A_27 = vector.load %arg2[%get3A_25, %get3A_26] : memref<1000x128xf32, #tpu.memory_space<vmem>>, vector<1000x128xf32>
    %mul3A_28 = vector.broadcast %mul3A_19 : vector<1x128xf32> to vector<1000x128xf32>
    %mul3A_29 = arith.mulf %get3A_27, %mul3A_28 : vector<1000x128xf32>
    %add3A_30 = arith.addf %get3A_1, %mul3A_29 : vector<1000x128xf32>
    %add3A_31 = vector.broadcast %sub3A_24 : vector<1x128xf32> to vector<1000x128xf32>
    %add3A_32 = arith.addf %add3A_30, %add3A_31 : vector<1000x128xf32>
    %swap3A = arith.constant 0 : index
    %swap3A_33 = arith.constant 0 : index
    %swap3A_34 = vector.load %arg11[%swap3A, %swap3A_33] : memref<1000x128xf32, #tpu.memory_space<vmem>>, vector<1000x128xf32>
    tpu.vector_store %arg11[%swap3A, %swap3A_33], %add3A_32 {strides = array<i32>} : memref<1000x128xf32, #tpu.memory_space<vmem>>, vector<1000x128xf32>,
    %get3A_35 = arith.constant 0 : index
    %get3A_36 = arith.constant 0 : index
    %get3A_37 = vector.load %arg6[%get3A_35, %get3A_36] : memref<16x128xf32, #tpu.memory_space<vmem>>, vector<16x128xf32>
    %get3A_38 = arith.constant 0 : index
    %get3A_39 = arith.constant 0 : index
    %get3A_40 = vector.load %arg7[%get3A_38, %get3A_39] : memref<16x128xf32, #tpu.memory_space<vmem>>, vector<16x128xf32>
    %slice3A = vector.extract_strided_slice %get3A_37 {offsets = [0, 0], sizes = [1, 128], strides = [1, 1]} : vector<16x128xf32> to vector<1x128xf32>
    %sub3A_41 = vector.broadcast %slice3A : vector<1x128xf32> to vector<1000x128xf32>
    %sub3A_42 = arith.subf %add3A_32, %sub3A_41 : vector<1000x128xf32>
    %slice3A_43 = vector.extract_strided_slice %get3A_40 {offsets = [0, 0], sizes = [1, 128], strides = [1, 1]} : vector<16x128xf32> to vector<1x128xf32>
    %div3A = vector.broadcast %slice3A_43 : vector<1x128xf32> to vector<1000x128xf32>
    %div3A_44 = arith.divf %sub3A_42, %div3A : vector<1000x128xf32>
    %mul3A_45 = arith.constant -5.000000e-01 : f32
    %mul3A_46 = vector.broadcast %mul3A_45 : f32 to vector<1000x128xf32>
    %mul3A_47 = arith.mulf %mul3A_46, %div3A_44 : vector<1000x128xf32>
    %mul3A_48 = arith.mulf %mul3A_47, %div3A_44 : vector<1000x128xf32>
    %exp3A = math.exp %mul3A_48 : vector<1000x128xf32>
    %reduce_sum3A = arith.constant dense<0.000000e+00> : vector<1000xf32>
    %reduce_sum3A_49 = vector.multi_reduction <add>, %exp3A, %reduce_sum3A [1] : vector<1000x128xf32> to vector<1000xf32>
    %broadcast_in_dim3A = vector.shape_cast %reduce_sum3A_49 : vector<1000xf32> to vector<1000x1xf32>
    %div3A_50 = arith.constant 1.280000e+02 : f32
    %div3A_51 = vector.broadcast %div3A_50 : f32 to vector<1000x1xf32>
    %div3A_52 = arith.divf %broadcast_in_dim3A, %div3A_51 : vector<1000x1xf32>
    %slice3A_53 = vector.extract_strided_slice %get3A_37 {offsets = [1, 0], sizes = [1, 128], strides = [1, 1]} : vector<16x128xf32> to vector<1x128xf32>
    %sub3A_54 = vector.broadcast %slice3A_53 : vector<1x128xf32> to vector<1000x128xf32>
    %sub3A_55 = arith.subf %add3A_32, %sub3A_54 : vector<1000x128xf32>
    %slice3A_56 = vector.extract_strided_slice %get3A_40 {offsets = [1, 0], sizes = [1, 128], strides = [1, 1]} : vector<16x128xf32> to vector<1x128xf32>
    %div3A_57 = vector.broadcast %slice3A_56 : vector<1x128xf32> to vector<1000x128xf32>
    %div3A_58 = arith.divf %sub3A_55, %div3A_57 : vector<1000x128xf32>
    %mul3A_59 = arith.constant -5.000000e-01 : f32
    %mul3A_60 = vector.broadcast %mul3A_59 : f32 to vector<1000x128xf32>
    %mul3A_61 = arith.mulf %mul3A_60, %div3A_58 : vector<1000x128xf32>
    %mul3A_62 = arith.mulf %mul3A_61, %div3A_58 : vector<1000x128xf32>
    %exp3A_63 = math.exp %mul3A_62 : vector<1000x128xf32>
    %reduce_sum3A_64 = arith.constant dense<0.000000e+00> : vector<1000xf32>
    %reduce_sum3A_65 = vector.multi_reduction <add>, %exp3A_63, %reduce_sum3A_64 [1] : vector<1000x128xf32> to vector<1000xf32>
    %broadcast_in_dim3A_66 = vector.shape_cast %reduce_sum3A_65 : vector<1000xf32> to vector<1000x1xf32>
    %div3A_67 = arith.constant 1.280000e+02 : f32
    %div3A_68 = vector.broadcast %div3A_67 : f32 to vector<1000x1xf32>
    %div3A_69 = arith.divf %broadcast_in_dim3A_66, %div3A_68 : vector<1000x1xf32>
    %slice3A_70 = vector.extract_strided_slice %get3A_37 {offsets = [2, 0], sizes = [1, 128], strides = [1, 1]} : vector<16x128xf32> to vector<1x128xf32>
    %sub3A_71 = vector.broadcast %slice3A_70 : vector<1x128xf32> to vector<1000x128xf32>
    %sub3A_72 = arith.subf %add3A_32, %sub3A_71 : vector<1000x128xf32>
    %slice3A_73 = vector.extract_strided_slice %get3A_40 {offsets = [2, 0], sizes = [1, 128], strides = [1, 1]} : vector<16x128xf32> to vector<1x128xf32>
    %div3A_74 = vector.broadcast %slice3A_73 : vector<1x128xf32> to vector<1000x128xf32>
    %div3A_75 = arith.divf %sub3A_72, %div3A_74 : vector<1000x128xf32>
    %mul3A_76 = arith.constant -5.000000e-01 : f32
    %mul3A_77 = vector.broadcast %mul3A_76 : f32 to vector<1000x128xf32>
    %mul3A_78 = arith.mulf %mul3A_77, %div3A_75 : vector<1000x128xf32>
    %mul3A_79 = arith.mulf %mul3A_78, %div3A_75 : vector<1000x128xf32>
    %exp3A_80 = math.exp %mul3A_79 : vector<1000x128xf32>
    %reduce_sum3A_81 = arith.constant dense<0.000000e+00> : vector<1000xf32>
    %reduce_sum3A_82 = vector.multi_reduction <add>, %exp3A_80, %reduce_sum3A_81 [1] : vector<1000x128xf32> to vector<1000xf32>
    %broadcast_in_dim3A_83 = vector.shape_cast %reduce_sum3A_82 : vector<1000xf32> to vector<1000x1xf32>
    %div3A_84 = arith.constant 1.280000e+02 : f32
    %div3A_85 = vector.broadcast %div3A_84 : f32 to vector<1000x1xf32>
    %div3A_86 = arith.divf %broadcast_in_dim3A_83, %div3A_85 : vector<1000x1xf32>
    %slice3A_87 = vector.extract_strided_slice %get3A_37 {offsets = [3, 0], sizes = [1, 128], strides = [1, 1]} : vector<16x128xf32> to vector<1x128xf32>
    %sub3A_88 = vector.broadcast %slice3A_87 : vector<1x128xf32> to vector<1000x128xf32>
    %sub3A_89 = arith.subf %add3A_32, %sub3A_88 : vector<1000x128xf32>
    %slice3A_90 = vector.extract_strided_slice %get3A_40 {offsets = [3, 0], sizes = [1, 128], strides = [1, 1]} : vector<16x128xf32> to vector<1x128xf32>
    %div3A_91 = vector.broadcast %slice3A_90 : vector<1x128xf32> to vector<1000x128xf32>
    %div3A_92 = arith.divf %sub3A_89, %div3A_91 : vector<1000x128xf32>
    %mul3A_93 = arith.constant -5.000000e-01 : f32
    %mul3A_94 = vector.broadcast %mul3A_93 : f32 to vector<1000x128xf32>
    %mul3A_95 = arith.mulf %mul3A_94, %div3A_92 : vector<1000x128xf32>
    %mul3A_96 = arith.mulf %mul3A_95, %div3A_92 : vector<1000x128xf32>
    %exp3A_97 = math.exp %mul3A_96 : vector<1000x128xf32>
    %reduce_sum3A_98 = arith.constant dense<0.000000e+00> : vector<1000xf32>
    %reduce_sum3A_99 = vector.multi_reduction <add>, %exp3A_97, %reduce_sum3A_98 [1] : vector<1000x128xf32> to vector<1000xf32>
    %broadcast_in_dim3A_100 = vector.shape_cast %reduce_sum3A_99 : vector<1000xf32> to vector<1000x1xf32>
    %div3A_101 = arith.constant 1.280000e+02 : f32
    %div3A_102 = vector.broadcast %div3A_101 : f32 to vector<1000x1xf32>
    %div3A_103 = arith.divf %broadcast_in_dim3A_100, %div3A_102 : vector<1000x1xf32>
    %slice3A_104 = vector.extract_strided_slice %get3A_37 {offsets = [4, 0], sizes = [1, 128], strides = [1, 1]} : vector<16x128xf32> to vector<1x128xf32>
    %sub3A_105 = vector.broadcast %slice3A_104 : vector<1x128xf32> to vector<1000x128xf32>
    %sub3A_106 = arith.subf %add3A_32, %sub3A_105 : vector<1000x128xf32>
    %slice3A_107 = vector.extract_strided_slice %get3A_40 {offsets = [4, 0], sizes = [1, 128], strides = [1, 1]} : vector<16x128xf32> to vector<1x128xf32>
    %div3A_108 = vector.broadcast %slice3A_107 : vector<1x128xf32> to vector<1000x128xf32>
    %div3A_109 = arith.divf %sub3A_106, %div3A_108 : vector<1000x128xf32>
    %mul3A_110 = arith.constant -5.000000e-01 : f32
    %mul3A_111 = vector.broadcast %mul3A_110 : f32 to vector<1000x128xf32>
    %mul3A_112 = arith.mulf %mul3A_111, %div3A_109 : vector<1000x128xf32>
    %mul3A_113 = arith.mulf %mul3A_112, %div3A_109 : vector<1000x128xf32>
    %exp3A_114 = math.exp %mul3A_113 : vector<1000x128xf32>
    %reduce_sum3A_115 = arith.constant dense<0.000000e+00> : vector<1000xf32>
    %reduce_sum3A_116 = vector.multi_reduction <add>, %exp3A_114, %reduce_sum3A_115 [1] : vector<1000x128xf32> to vector<1000xf32>
    %broadcast_in_dim3A_117 = vector.shape_cast %reduce_sum3A_116 : vector<1000xf32> to vector<1000x1xf32>
    %div3A_118 = arith.constant 1.280000e+02 : f32
    %div3A_119 = vector.broadcast %div3A_118 : f32 to vector<1000x1xf32>
    %div3A_120 = arith.divf %broadcast_in_dim3A_117, %div3A_119 : vector<1000x1xf32>
    %slice3A_121 = vector.extract_strided_slice %get3A_37 {offsets = [5, 0], sizes = [1, 128], strides = [1, 1]} : vector<16x128xf32> to vector<1x128xf32>
    %sub3A_122 = vector.broadcast %slice3A_121 : vector<1x128xf32> to vector<1000x128xf32>
    %sub3A_123 = arith.subf %add3A_32, %sub3A_122 : vector<1000x128xf32>
    %slice3A_124 = vector.extract_strided_slice %get3A_40 {offsets = [5, 0], sizes = [1, 128], strides = [1, 1]} : vector<16x128xf32> to vector<1x128xf32>
    %div3A_125 = vector.broadcast %slice3A_124 : vector<1x128xf32> to vector<1000x128xf32>
    %div3A_126 = arith.divf %sub3A_123, %div3A_125 : vector<1000x128xf32>
    %mul3A_127 = arith.constant -5.000000e-01 : f32
    %mul3A_128 = vector.broadcast %mul3A_127 : f32 to vector<1000x128xf32>
    %mul3A_129 = arith.mulf %mul3A_128, %div3A_126 : vector<1000x128xf32>
    %mul3A_130 = arith.mulf %mul3A_129, %div3A_126 : vector<1000x128xf32>
    %exp3A_131 = math.exp %mul3A_130 : vector<1000x128xf32>
    %reduce_sum3A_132 = arith.constant dense<0.000000e+00> : vector<1000xf32>
    %reduce_sum3A_133 = vector.multi_reduction <add>, %exp3A_131, %reduce_sum3A_132 [1] : vector<1000x128xf32> to vector<1000xf32>
    %broadcast_in_dim3A_134 = vector.shape_cast %reduce_sum3A_133 : vector<1000xf32> to vector<1000x1xf32>
    %div3A_135 = arith.constant 1.280000e+02 : f32
    %div3A_136 = vector.broadcast %div3A_135 : f32 to vector<1000x1xf32>
    %div3A_137 = arith.divf %broadcast_in_dim3A_134, %div3A_136 : vector<1000x1xf32>
    %slice3A_138 = vector.extract_strided_slice %get3A_37 {offsets = [6, 0], sizes = [1, 128], strides = [1, 1]} : vector<16x128xf32> to vector<1x128xf32>
    %sub3A_139 = vector.broadcast %slice3A_138 : vector<1x128xf32> to vector<1000x128xf32>
    %sub3A_140 = arith.subf %add3A_32, %sub3A_139 : vector<1000x128xf32>
    %slice3A_141 = vector.extract_strided_slice %get3A_40 {offsets = [6, 0], sizes = [1, 128], strides = [1, 1]} : vector<16x128xf32> to vector<1x128xf32>
    %div3A_142 = vector.broadcast %slice3A_141 : vector<1x128xf32> to vector<1000x128xf32>
    %div3A_143 = arith.divf %sub3A_140, %div3A_142 : vector<1000x128xf32>
    %mul3A_144 = arith.constant -5.000000e-01 : f32
    %mul3A_145 = vector.broadcast %mul3A_144 : f32 to vector<1000x128xf32>
    %mul3A_146 = arith.mulf %mul3A_145, %div3A_143 : vector<1000x128xf32>
    %mul3A_147 = arith.mulf %mul3A_146, %div3A_143 : vector<1000x128xf32>
    %exp3A_148 = math.exp %mul3A_147 : vector<1000x128xf32>
    %reduce_sum3A_149 = arith.constant dense<0.000000e+00> : vector<1000xf32>
    %reduce_sum3A_150 = vector.multi_reduction <add>, %exp3A_148, %reduce_sum3A_149 [1] : vector<1000x128xf32> to vector<1000xf32>
    %broadcast_in_dim3A_151 = vector.shape_cast %reduce_sum3A_150 : vector<1000xf32> to vector<1000x1xf32>
    %div3A_152 = arith.constant 1.280000e+02 : f32
    %div3A_153 = vector.broadcast %div3A_152 : f32 to vector<1000x1xf32>
    %div3A_154 = arith.divf %broadcast_in_dim3A_151, %div3A_153 : vector<1000x1xf32>
    %slice3A_155 = vector.extract_strided_slice %get3A_37 {offsets = [7, 0], sizes = [1, 128], strides = [1, 1]} : vector<16x128xf32> to vector<1x128xf32>
    %sub3A_156 = vector.broadcast %slice3A_155 : vector<1x128xf32> to vector<1000x128xf32>
    %sub3A_157 = arith.subf %add3A_32, %sub3A_156 : vector<1000x128xf32>
    %slice3A_158 = vector.extract_strided_slice %get3A_40 {offsets = [7, 0], sizes = [1, 128], strides = [1, 1]} : vector<16x128xf32> to vector<1x128xf32>
    %div3A_159 = vector.broadcast %slice3A_158 : vector<1x128xf32> to vector<1000x128xf32>
    %div3A_160 = arith.divf %sub3A_157, %div3A_159 : vector<1000x128xf32>
    %mul3A_161 = arith.constant -5.000000e-01 : f32
    %mul3A_162 = vector.broadcast %mul3A_161 : f32 to vector<1000x128xf32>
    %mul3A_163 = arith.mulf %mul3A_162, %div3A_160 : vector<1000x128xf32>
    %mul3A_164 = arith.mulf %mul3A_163, %div3A_160 : vector<1000x128xf32>
    %exp3A_165 = math.exp %mul3A_164 : vector<1000x128xf32>
    %reduce_sum3A_166 = arith.constant dense<0.000000e+00> : vector<1000xf32>
    %reduce_sum3A_167 = vector.multi_reduction <add>, %exp3A_165, %reduce_sum3A_166 [1] : vector<1000x128xf32> to vector<1000xf32>
    %broadcast_in_dim3A_168 = vector.shape_cast %reduce_sum3A_167 : vector<1000xf32> to vector<1000x1xf32>
    %div3A_169 = arith.constant 1.280000e+02 : f32
    %div3A_170 = vector.broadcast %div3A_169 : f32 to vector<1000x1xf32>
    %div3A_171 = arith.divf %broadcast_in_dim3A_168, %div3A_170 : vector<1000x1xf32>
    %slice3A_172 = vector.extract_strided_slice %get3A_37 {offsets = [8, 0], sizes = [1, 128], strides = [1, 1]} : vector<16x128xf32> to vector<1x128xf32>
    %sub3A_173 = vector.broadcast %slice3A_172 : vector<1x128xf32> to vector<1000x128xf32>
    %sub3A_174 = arith.subf %add3A_32, %sub3A_173 : vector<1000x128xf32>
    %slice3A_175 = vector.extract_strided_slice %get3A_40 {offsets = [8, 0], sizes = [1, 128], strides = [1, 1]} : vector<16x128xf32> to vector<1x128xf32>
    %div3A_176 = vector.broadcast %slice3A_175 : vector<1x128xf32> to vector<1000x128xf32>
    %div3A_177 = arith.divf %sub3A_174, %div3A_176 : vector<1000x128xf32>
    %mul3A_178 = arith.constant -5.000000e-01 : f32
    %mul3A_179 = vector.broadcast %mul3A_178 : f32 to vector<1000x128xf32>
    %mul3A_180 = arith.mulf %mul3A_179, %div3A_177 : vector<1000x128xf32>
    %mul3A_181 = arith.mulf %mul3A_180, %div3A_177 : vector<1000x128xf32>
    %exp3A_182 = math.exp %mul3A_181 : vector<1000x128xf32>
    %reduce_sum3A_183 = arith.constant dense<0.000000e+00> : vector<1000xf32>
    %reduce_sum3A_184 = vector.multi_reduction <add>, %exp3A_182, %reduce_sum3A_183 [1] : vector<1000x128xf32> to vector<1000xf32>
    %broadcast_in_dim3A_185 = vector.shape_cast %reduce_sum3A_184 : vector<1000xf32> to vector<1000x1xf32>
    %div3A_186 = arith.constant 1.280000e+02 : f32
    %div3A_187 = vector.broadcast %div3A_186 : f32 to vector<1000x1xf32>
    %div3A_188 = arith.divf %broadcast_in_dim3A_185, %div3A_187 : vector<1000x1xf32>
    %slice3A_189 = vector.extract_strided_slice %get3A_37 {offsets = [9, 0], sizes = [1, 128], strides = [1, 1]} : vector<16x128xf32> to vector<1x128xf32>
    %sub3A_190 = vector.broadcast %slice3A_189 : vector<1x128xf32> to vector<1000x128xf32>
    %sub3A_191 = arith.subf %add3A_32, %sub3A_190 : vector<1000x128xf32>
    %slice3A_192 = vector.extract_strided_slice %get3A_40 {offsets = [9, 0], sizes = [1, 128], strides = [1, 1]} : vector<16x128xf32> to vector<1x128xf32>
    %div3A_193 = vector.broadcast %slice3A_192 : vector<1x128xf32> to vector<1000x128xf32>
    %div3A_194 = arith.divf %sub3A_191, %div3A_193 : vector<1000x128xf32>
    %mul3A_195 = arith.constant -5.000000e-01 : f32
    %mul3A_196 = vector.broadcast %mul3A_195 : f32 to vector<1000x128xf32>
    %mul3A_197 = arith.mulf %mul3A_196, %div3A_194 : vector<1000x128xf32>
    %mul3A_198 = arith.mulf %mul3A_197, %div3A_194 : vector<1000x128xf32>
    %exp3A_199 = math.exp %mul3A_198 : vector<1000x128xf32>
    %reduce_sum3A_200 = arith.constant dense<0.000000e+00> : vector<1000xf32>
    %reduce_sum3A_201 = vector.multi_reduction <add>, %exp3A_199, %reduce_sum3A_200 [1] : vector<1000x128xf32> to vector<1000xf32>
    %broadcast_in_dim3A_202 = vector.shape_cast %reduce_sum3A_201 : vector<1000xf32> to vector<1000x1xf32>
    %div3A_203 = arith.constant 1.280000e+02 : f32
    %div3A_204 = vector.broadcast %div3A_203 : f32 to vector<1000x1xf32>
    %div3A_205 = arith.divf %broadcast_in_dim3A_202, %div3A_204 : vector<1000x1xf32>
    %slice3A_206 = vector.extract_strided_slice %get3A_37 {offsets = [10, 0], sizes = [1, 128], strides = [1, 1]} : vector<16x128xf32> to vector<1x128xf32>
    %sub3A_207 = vector.broadcast %slice3A_206 : vector<1x128xf32> to vector<1000x128xf32>
    %sub3A_208 = arith.subf %add3A_32, %sub3A_207 : vector<1000x128xf32>
    %slice3A_209 = vector.extract_strided_slice %get3A_40 {offsets = [10, 0], sizes = [1, 128], strides = [1, 1]} : vector<16x128xf32> to vector<1x128xf32>
    %div3A_210 = vector.broadcast %slice3A_209 : vector<1x128xf32> to vector<1000x128xf32>
    %div3A_211 = arith.divf %sub3A_208, %div3A_210 : vector<1000x128xf32>
    %mul3A_212 = arith.constant -5.000000e-01 : f32
    %mul3A_213 = vector.broadcast %mul3A_212 : f32 to vector<1000x128xf32>
    %mul3A_214 = arith.mulf %mul3A_213, %div3A_211 : vector<1000x128xf32>
    %mul3A_215 = arith.mulf %mul3A_214, %div3A_211 : vector<1000x128xf32>
    %exp3A_216 = math.exp %mul3A_215 : vector<1000x128xf32>
    %reduce_sum3A_217 = arith.constant dense<0.000000e+00> : vector<1000xf32>
    %reduce_sum3A_218 = vector.multi_reduction <add>, %exp3A_216, %reduce_sum3A_217 [1] : vector<1000x128xf32> to vector<1000xf32>
    %broadcast_in_dim3A_219 = vector.shape_cast %reduce_sum3A_218 : vector<1000xf32> to vector<1000x1xf32>
    %div3A_220 = arith.constant 1.280000e+02 : f32
    %div3A_221 = vector.broadcast %div3A_220 : f32 to vector<1000x1xf32>
    %div3A_222 = arith.divf %broadcast_in_dim3A_219, %div3A_221 : vector<1000x1xf32>
    %slice3A_223 = vector.extract_strided_slice %get3A_37 {offsets = [11, 0], sizes = [1, 128], strides = [1, 1]} : vector<16x128xf32> to vector<1x128xf32>
    %sub3A_224 = vector.broadcast %slice3A_223 : vector<1x128xf32> to vector<1000x128xf32>
    %sub3A_225 = arith.subf %add3A_32, %sub3A_224 : vector<1000x128xf32>
    %slice3A_226 = vector.extract_strided_slice %get3A_40 {offsets = [11, 0], sizes = [1, 128], strides = [1, 1]} : vector<16x128xf32> to vector<1x128xf32>
    %div3A_227 = vector.broadcast %slice3A_226 : vector<1x128xf32> to vector<1000x128xf32>
    %div3A_228 = arith.divf %sub3A_225, %div3A_227 : vector<1000x128xf32>
    %mul3A_229 = arith.constant -5.000000e-01 : f32
    %mul3A_230 = vector.broadcast %mul3A_229 : f32 to vector<1000x128xf32>
    %mul3A_231 = arith.mulf %mul3A_230, %div3A_228 : vector<1000x128xf32>
    %mul3A_232 = arith.mulf %mul3A_231, %div3A_228 : vector<1000x128xf32>
    %exp3A_233 = math.exp %mul3A_232 : vector<1000x128xf32>
    %reduce_sum3A_234 = arith.constant dense<0.000000e+00> : vector<1000xf32>
    %reduce_sum3A_235 = vector.multi_reduction <add>, %exp3A_233, %reduce_sum3A_234 [1] : vector<1000x128xf32> to vector<1000xf32>
    %broadcast_in_dim3A_236 = vector.shape_cast %reduce_sum3A_235 : vector<1000xf32> to vector<1000x1xf32>
    %div3A_237 = arith.constant 1.280000e+02 : f32
    %div3A_238 = vector.broadcast %div3A_237 : f32 to vector<1000x1xf32>
    %div3A_239 = arith.divf %broadcast_in_dim3A_236, %div3A_238 : vector<1000x1xf32>
    %slice3A_240 = vector.extract_strided_slice %get3A_37 {offsets = [12, 0], sizes = [1, 128], strides = [1, 1]} : vector<16x128xf32> to vector<1x128xf32>
    %sub3A_241 = vector.broadcast %slice3A_240 : vector<1x128xf32> to vector<1000x128xf32>
    %sub3A_242 = arith.subf %add3A_32, %sub3A_241 : vector<1000x128xf32>
    %slice3A_243 = vector.extract_strided_slice %get3A_40 {offsets = [12, 0], sizes = [1, 128], strides = [1, 1]} : vector<16x128xf32> to vector<1x128xf32>
    %div3A_244 = vector.broadcast %slice3A_243 : vector<1x128xf32> to vector<1000x128xf32>
    %div3A_245 = arith.divf %sub3A_242, %div3A_244 : vector<1000x128xf32>
    %mul3A_246 = arith.constant -5.000000e-01 : f32
    %mul3A_247 = vector.broadcast %mul3A_246 : f32 to vector<1000x128xf32>
    %mul3A_248 = arith.mulf %mul3A_247, %div3A_245 : vector<1000x128xf32>
    %mul3A_249 = arith.mulf %mul3A_248, %div3A_245 : vector<1000x128xf32>
    %exp3A_250 = math.exp %mul3A_249 : vector<1000x128xf32>
    %reduce_sum3A_251 = arith.constant dense<0.000000e+00> : vector<1000xf32>
    %reduce_sum3A_252 = vector.multi_reduction <add>, %exp3A_250, %reduce_sum3A_251 [1] : vector<1000x128xf32> to vector<1000xf32>
    %broadcast_in_dim3A_253 = vector.shape_cast %reduce_sum3A_252 : vector<1000xf32> to vector<1000x1xf32>
    %div3A_254 = arith.constant 1.280000e+02 : f32
    %div3A_255 = vector.broadcast %div3A_254 : f32 to vector<1000x1xf32>
    %div3A_256 = arith.divf %broadcast_in_dim3A_253, %div3A_255 : vector<1000x1xf32>
    %slice3A_257 = vector.extract_strided_slice %get3A_37 {offsets = [13, 0], sizes = [1, 128], strides = [1, 1]} : vector<16x128xf32> to vector<1x128xf32>
    %sub3A_258 = vector.broadcast %slice3A_257 : vector<1x128xf32> to vector<1000x128xf32>
    %sub3A_259 = arith.subf %add3A_32, %sub3A_258 : vector<1000x128xf32>
    %slice3A_260 = vector.extract_strided_slice %get3A_40 {offsets = [13, 0], sizes = [1, 128], strides = [1, 1]} : vector<16x128xf32> to vector<1x128xf32>
    %div3A_261 = vector.broadcast %slice3A_260 : vector<1x128xf32> to vector<1000x128xf32>
    %div3A_262 = arith.divf %sub3A_259, %div3A_261 : vector<1000x128xf32>
    %mul3A_263 = arith.constant -5.000000e-01 : f32
    %mul3A_264 = vector.broadcast %mul3A_263 : f32 to vector<1000x128xf32>
    %mul3A_265 = arith.mulf %mul3A_264, %div3A_262 : vector<1000x128xf32>
    %mul3A_266 = arith.mulf %mul3A_265, %div3A_262 : vector<1000x128xf32>
    %exp3A_267 = math.exp %mul3A_266 : vector<1000x128xf32>
    %reduce_sum3A_268 = arith.constant dense<0.000000e+00> : vector<1000xf32>
    %reduce_sum3A_269 = vector.multi_reduction <add>, %exp3A_267, %reduce_sum3A_268 [1] : vector<1000x128xf32> to vector<1000xf32>
    %broadcast_in_dim3A_270 = vector.shape_cast %reduce_sum3A_269 : vector<1000xf32> to vector<1000x1xf32>
    %div3A_271 = arith.constant 1.280000e+02 : f32
    %div3A_272 = vector.broadcast %div3A_271 : f32 to vector<1000x1xf32>
    %div3A_273 = arith.divf %broadcast_in_dim3A_270, %div3A_272 : vector<1000x1xf32>
    %slice3A_274 = vector.extract_strided_slice %get3A_37 {offsets = [14, 0], sizes = [1, 128], strides = [1, 1]} : vector<16x128xf32> to vector<1x128xf32>
    %sub3A_275 = vector.broadcast %slice3A_274 : vector<1x128xf32> to vector<1000x128xf32>
    %sub3A_276 = arith.subf %add3A_32, %sub3A_275 : vector<1000x128xf32>
    %slice3A_277 = vector.extract_strided_slice %get3A_40 {offsets = [14, 0], sizes = [1, 128], strides = [1, 1]} : vector<16x128xf32> to vector<1x128xf32>
    %div3A_278 = vector.broadcast %slice3A_277 : vector<1x128xf32> to vector<1000x128xf32>
    %div3A_279 = arith.divf %sub3A_276, %div3A_278 : vector<1000x128xf32>
    %mul3A_280 = arith.constant -5.000000e-01 : f32
    %mul3A_281 = vector.broadcast %mul3A_280 : f32 to vector<1000x128xf32>
    %mul3A_282 = arith.mulf %mul3A_281, %div3A_279 : vector<1000x128xf32>
    %mul3A_283 = arith.mulf %mul3A_282, %div3A_279 : vector<1000x128xf32>
    %exp3A_284 = math.exp %mul3A_283 : vector<1000x128xf32>
    %reduce_sum3A_285 = arith.constant dense<0.000000e+00> : vector<1000xf32>
    %reduce_sum3A_286 = vector.multi_reduction <add>, %exp3A_284, %reduce_sum3A_285 [1] : vector<1000x128xf32> to vector<1000xf32>
    %broadcast_in_dim3A_287 = vector.shape_cast %reduce_sum3A_286 : vector<1000xf32> to vector<1000x1xf32>
    %div3A_288 = arith.constant 1.280000e+02 : f32
    %div3A_289 = vector.broadcast %div3A_288 : f32 to vector<1000x1xf32>
    %div3A_290 = arith.divf %broadcast_in_dim3A_287, %div3A_289 : vector<1000x1xf32>
    %slice3A_291 = vector.extract_strided_slice %get3A_37 {offsets = [15, 0], sizes = [1, 128], strides = [1, 1]} : vector<16x128xf32> to vector<1x128xf32>
    %sub3A_292 = vector.broadcast %slice3A_291 : vector<1x128xf32> to vector<1000x128xf32>
    %sub3A_293 = arith.subf %add3A_32, %sub3A_292 : vector<1000x128xf32>
    %slice3A_294 = vector.extract_strided_slice %get3A_40 {offsets = [15, 0], sizes = [1, 128], strides = [1, 1]} : vector<16x128xf32> to vector<1x128xf32>
    %div3A_295 = vector.broadcast %slice3A_294 : vector<1x128xf32> to vector<1000x128xf32>
    %div3A_296 = arith.divf %sub3A_293, %div3A_295 : vector<1000x128xf32>
    %mul3A_297 = arith.constant -5.000000e-01 : f32
    %mul3A_298 = vector.broadcast %mul3A_297 : f32 to vector<1000x128xf32>
    %mul3A_299 = arith.mulf %mul3A_298, %div3A_296 : vector<1000x128xf32>
    %mul3A_300 = arith.mulf %mul3A_299, %div3A_296 : vector<1000x128xf32>
    %exp3A_301 = math.exp %mul3A_300 : vector<1000x128xf32>
    %reduce_sum3A_302 = arith.constant dense<0.000000e+00> : vector<1000xf32>
    %reduce_sum3A_303 = vector.multi_reduction <add>, %exp3A_301, %reduce_sum3A_302 [1] : vector<1000x128xf32> to vector<1000xf32>
    %broadcast_in_dim3A_304 = vector.shape_cast %reduce_sum3A_303 : vector<1000xf32> to vector<1000x1xf32>
    %div3A_305 = arith.constant 1.280000e+02 : f32
    %div3A_306 = vector.broadcast %div3A_305 : f32 to vector<1000x1xf32>
    %div3A_307 = arith.divf %broadcast_in_dim3A_304, %div3A_306 : vector<1000x1xf32>
    %concatenate3A = tpu.concatenate %div3A_52, %div3A_69, %div3A_86, %div3A_103, %div3A_120, %div3A_137, %div3A_154, %div3A_171, %div3A_188, %div3A_205, %div3A_222, %div3A_239, %div3A_256, %div3A_273, %div3A_290, %div3A_307 in 1 : vector<1000x1xf32>, vector<1000x1xf32>, vector<1000x1xf32>, vector<1000x1xf32>, vector<1000x1xf32>, vector<1000x1xf32>, vector<1000x1xf32>, vector<1000x1xf32>, vector<1000x1xf32>, vector<1000x1xf32>, vector<1000x1xf32>, vector<1000x1xf32>, vector<1000x1xf32>, vector<1000x1xf32>, vector<1000x1xf32>, vector<1000x1xf32> -> vector<1000x16xf32>
    %reduce_sum3A_308 = arith.constant dense<0.000000e+00> : vector<1000xf32>
    %reduce_sum3A_309 = vector.multi_reduction <add>, %concatenate3A, %reduce_sum3A_308 [1] : vector<1000x16xf32> to vector<1000xf32>
    %broadcast_in_dim3A_310 = vector.shape_cast %reduce_sum3A_309 : vector<1000xf32> to vector<1000x1xf32>
    %add3A_311 = arith.constant 9.99999996E-13 : f32
    %add3A_312 = vector.broadcast %add3A_311 : f32 to vector<1000x1xf32>
    %add3A_313 = arith.addf %broadcast_in_dim3A_310, %add3A_312 : vector<1000x1xf32>
    %div3A_314 = vector.broadcast %add3A_313 : vector<1000x1xf32> to vector<1000x16xf32>
    %div3A_315 = arith.divf %concatenate3A, %div3A_314 : vector<1000x16xf32>
    %slice3A_316 = vector.extract_strided_slice %div3A_315 {offsets = [0, 0], sizes = [1000, 1], strides = [1, 1]} : vector<1000x16xf32> to vector<1000x1xf32>
    %mul3A_317 = vector.broadcast %slice3A_316 : vector<1000x1xf32> to vector<1000x128xf32>
    %mul3A_318 = arith.mulf %mul3A_317, %add3A_32 : vector<1000x128xf32>
    %slice3A_319 = vector.extract_strided_slice %div3A_315 {offsets = [0, 1], sizes = [1000, 1], strides = [1, 1]} : vector<1000x16xf32> to vector<1000x1xf32>
    %mul3A_320 = vector.broadcast %slice3A_319 : vector<1000x1xf32> to vector<1000x128xf32>
    %mul3A_321 = arith.mulf %mul3A_320, %add3A_32 : vector<1000x128xf32>
    %slice3A_322 = vector.extract_strided_slice %div3A_315 {offsets = [0, 2], sizes = [1000, 1], strides = [1, 1]} : vector<1000x16xf32> to vector<1000x1xf32>
    %mul3A_323 = vector.broadcast %slice3A_322 : vector<1000x1xf32> to vector<1000x128xf32>
    %mul3A_324 = arith.mulf %mul3A_323, %add3A_32 : vector<1000x128xf32>
    %slice3A_325 = vector.extract_strided_slice %div3A_315 {offsets = [0, 3], sizes = [1000, 1], strides = [1, 1]} : vector<1000x16xf32> to vector<1000x1xf32>
    %mul3A_326 = vector.broadcast %slice3A_325 : vector<1000x1xf32> to vector<1000x128xf32>
    %mul3A_327 = arith.mulf %mul3A_326, %add3A_32 : vector<1000x128xf32>
    %slice3A_328 = vector.extract_strided_slice %div3A_315 {offsets = [0, 4], sizes = [1000, 1], strides = [1, 1]} : vector<1000x16xf32> to vector<1000x1xf32>
    %mul3A_329 = vector.broadcast %slice3A_328 : vector<1000x1xf32> to vector<1000x128xf32>
    %mul3A_330 = arith.mulf %mul3A_329, %add3A_32 : vector<1000x128xf32>
    %slice3A_331 = vector.extract_strided_slice %div3A_315 {offsets = [0, 5], sizes = [1000, 1], strides = [1, 1]} : vector<1000x16xf32> to vector<1000x1xf32>
    %mul3A_332 = vector.broadcast %slice3A_331 : vector<1000x1xf32> to vector<1000x128xf32>
    %mul3A_333 = arith.mulf %mul3A_332, %add3A_32 : vector<1000x128xf32>
    %slice3A_334 = vector.extract_strided_slice %div3A_315 {offsets = [0, 6], sizes = [1000, 1], strides = [1, 1]} : vector<1000x16xf32> to vector<1000x1xf32>
    %mul3A_335 = vector.broadcast %slice3A_334 : vector<1000x1xf32> to vector<1000x128xf32>
    %mul3A_336 = arith.mulf %mul3A_335, %add3A_32 : vector<1000x128xf32>
    %slice3A_337 = vector.extract_strided_slice %div3A_315 {offsets = [0, 7], sizes = [1000, 1], strides = [1, 1]} : vector<1000x16xf32> to vector<1000x1xf32>
    %mul3A_338 = vector.broadcast %slice3A_337 : vector<1000x1xf32> to vector<1000x128xf32>
    %mul3A_339 = arith.mulf %mul3A_338, %add3A_32 : vector<1000x128xf32>
    %slice3A_340 = vector.extract_strided_slice %div3A_315 {offsets = [0, 8], sizes = [1000, 1], strides = [1, 1]} : vector<1000x16xf32> to vector<1000x1xf32>
    %mul3A_341 = vector.broadcast %slice3A_340 : vector<1000x1xf32> to vector<1000x128xf32>
    %mul3A_342 = arith.mulf %mul3A_341, %add3A_32 : vector<1000x128xf32>
    %slice3A_343 = vector.extract_strided_slice %div3A_315 {offsets = [0, 9], sizes = [1000, 1], strides = [1, 1]} : vector<1000x16xf32> to vector<1000x1xf32>
    %mul3A_344 = vector.broadcast %slice3A_343 : vector<1000x1xf32> to vector<1000x128xf32>
    %mul3A_345 = arith.mulf %mul3A_344, %add3A_32 : vector<1000x128xf32>
    %slice3A_346 = vector.extract_strided_slice %div3A_315 {offsets = [0, 10], sizes = [1000, 1], strides = [1, 1]} : vector<1000x16xf32> to vector<1000x1xf32>
    %mul3A_347 = vector.broadcast %slice3A_346 : vector<1000x1xf32> to vector<1000x128xf32>
    %mul3A_348 = arith.mulf %mul3A_347, %add3A_32 : vector<1000x128xf32>
    %slice3A_349 = vector.extract_strided_slice %div3A_315 {offsets = [0, 11], sizes = [1000, 1], strides = [1, 1]} : vector<1000x16xf32> to vector<1000x1xf32>
    %mul3A_350 = vector.broadcast %slice3A_349 : vector<1000x1xf32> to vector<1000x128xf32>
    %mul3A_351 = arith.mulf %mul3A_350, %add3A_32 : vector<1000x128xf32>
    %slice3A_352 = vector.extract_strided_slice %div3A_315 {offsets = [0, 12], sizes = [1000, 1], strides = [1, 1]} : vector<1000x16xf32> to vector<1000x1xf32>
    %mul3A_353 = vector.broadcast %slice3A_352 : vector<1000x1xf32> to vector<1000x128xf32>
    %mul3A_354 = arith.mulf %mul3A_353, %add3A_32 : vector<1000x128xf32>
    %slice3A_355 = vector.extract_strided_slice %div3A_315 {offsets = [0, 13], sizes = [1000, 1], strides = [1, 1]} : vector<1000x16xf32> to vector<1000x1xf32>
    %mul3A_356 = vector.broadcast %slice3A_355 : vector<1000x1xf32> to vector<1000x128xf32>
    %mul3A_357 = arith.mulf %mul3A_356, %add3A_32 : vector<1000x128xf32>
    %slice3A_358 = vector.extract_strided_slice %div3A_315 {offsets = [0, 14], sizes = [1000, 1], strides = [1, 1]} : vector<1000x16xf32> to vector<1000x1xf32>
    %mul3A_359 = vector.broadcast %slice3A_358 : vector<1000x1xf32> to vector<1000x128xf32>
    %mul3A_360 = arith.mulf %mul3A_359, %add3A_32 : vector<1000x128xf32>
    %slice3A_361 = vector.extract_strided_slice %div3A_315 {offsets = [0, 15], sizes = [1000, 1], strides = [1, 1]} : vector<1000x16xf32> to vector<1000x1xf32>
    %mul3A_362 = vector.broadcast %slice3A_361 : vector<1000x1xf32> to vector<1000x128xf32>
    %mul3A_363 = arith.mulf %mul3A_362, %add3A_32 : vector<1000x128xf32>
    %concatenate3A_364 = tpu.concatenate %mul3A_318, %mul3A_321, %mul3A_324, %mul3A_327, %mul3A_330, %mul3A_333, %mul3A_336, %mul3A_339, %mul3A_342, %mul3A_345, %mul3A_348, %mul3A_351, %mul3A_354, %mul3A_357, %mul3A_360, %mul3A_363 in 1 : vector<1000x128xf32>, vector<1000x128xf32>, vector<1000x128xf32>, vector<1000x128xf32>, vector<1000x128xf32>, vector<1000x128xf32>, vector<1000x128xf32>, vector<1000x128xf32>, vector<1000x128xf32>, vector<1000x128xf32>, vector<1000x128xf32>, vector<1000x128xf32>, vector<1000x128xf32>, vector<1000x128xf32>, vector<1000x128xf32>, vector<1000x128xf32> -> vector<1000x2048xf32>
    %get3A_365 = arith.constant 0 : index
    %get3A_366 = arith.constant 0 : index
    %get3A_367 = vector.load %arg8[%get3A_365, %get3A_366] : memref<2048x128xf32, #tpu.memory_space<vmem>>, vector<2048x128xf32>
    %dot_general3A = arith.constant dense<0.000000e+00> : vector<1000x128xf32>
    %dot_general3A_368 = tpu.matmul %concatenate3A_364, %get3A_367, %dot_general3A {dimension_numbers = #tpu.dot_dimension_numbers<[1], [0], [0], [1], [0, 0, 1, 1], [], []>, transpose_lhs_hint = false} : vector<1000x2048xf32>, vector<2048x128xf32>, vector<1000x128xf32> -> vector<1000x128xf32>
    %get3A_369 = arith.constant 0 : index
    %get3A_370 = arith.constant 0 : index
    %get3A_371 = vector.load %arg9[%get3A_369, %get3A_370] : memref<16x128xf32, #tpu.memory_space<vmem>>, vector<16x128xf32>
    %dot_general3A_372 = arith.constant dense<0.000000e+00> : vector<1000x128xf32>
    %dot_general3A_373 = tpu.matmul %div3A_315, %get3A_371, %dot_general3A_372 {dimension_numbers = #tpu.dot_dimension_numbers<[1], [0], [0], [1], [0, 0, 1, 1], [], []>, transpose_lhs_hint = false} : vector<1000x16xf32>, vector<16x128xf32>, vector<1000x128xf32> -> vector<1000x128xf32>
    %add3A_374 = arith.addf %dot_general3A_368, %dot_general3A_373 : vector<1000x128xf32>
    %get3A_375 = arith.constant 0 : index
    %get3A_376 = arith.constant 0 : index
    %get3A_377 = vector.load %arg10[%get3A_375, %get3A_376] : memref<1000x1xf32, #tpu.memory_space<vmem>>, vector<1000x1xf32>
    %add3A_378 = arith.constant 1.000000e+00 : f32
    %add3A_379 = vector.broadcast %add3A_378 : f32 to vector<1000x1xf32>
    %add3A_380 = arith.addf %get3A_377, %add3A_379 : vector<1000x1xf32>
    %rsqrt3A_381 = math.rsqrt %add3A_380 : vector<1000x1xf32>
    %mul3A_382 = vector.broadcast %rsqrt3A_381 : vector<1000x1xf32> to vector<1000x128xf32>
    %mul3A_383 = arith.mulf %add3A_374, %mul3A_382 : vector<1000x128xf32>
    %swap3A_384 = arith.constant 0 : index
    %swap3A_385 = arith.constant 0 : index
    %swap3A_386 = vector.load %arg12[%swap3A_384, %swap3A_385] : memref<1000x128xf32, #tpu.memory_space<vmem>>, vector<1000x128xf32>
    tpu.vector_store %arg12[%swap3A_384, %swap3A_385], %mul3A_383 {strides = array<i32>} : memref<1000x128xf32, #tpu.memory_space<vmem>>, vector<1000x128xf32>,
    return
  }
  func.func @transform_0(%arg0: i32) -> (i32, i32) {
    %c0_i32 = arith.constant 0 : i32
    %c0_i32_0 = arith.constant 0 : i32
    return %arg0, %c0_i32 : i32, i32
  }
  func.func @transform_1(%arg0: i32) -> (i32, i32) {
    %c0_i32 = arith.constant 0 : i32
    %c0_i32_0 = arith.constant 0 : i32
    return %arg0, %c0_i32 : i32, i32
  }
  func.func @transform_2(%arg0: i32) -> (i32, i32) {
    %c0_i32 = arith.constant 0 : i32
    %c0_i32_0 = arith.constant 0 : i32
    %c0_i32_1 = arith.constant 0 : i32
    return %c0_i32, %c0_i32_0 : i32, i32
  }
  func.func @transform_3(%arg0: i32) -> (i32, i32) {
    %c0_i32 = arith.constant 0 : i32
    %c0_i32_0 = arith.constant 0 : i32
    %c0_i32_1 = arith.constant 0 : i32
    return %c0_i32, %c0_i32_0 : i32, i32
  }
  func.func @transform_4(%arg0: i32) -> (i32, i32) {
    %c0_i32 = arith.constant 0 : i32
    %c0_i32_0 = arith.constant 0 : i32
    %c0_i32_1 = arith.constant 0 : i32
    return %c0_i32, %c0_i32_0 : i32, i32
  }
  func.func @transform_5(%arg0: i32) -> (i32, i32) {
    %c0_i32 = arith.constant 0 : i32
    %c0_i32_0 = arith.constant 0 : i32
    %c0_i32_1 = arith.constant 0 : i32
    return %c0_i32, %c0_i32_0 : i32, i32
  }
  func.func @transform_6(%arg0: i32) -> (i32, i32) {
    %c0_i32 = arith.constant 0 : i32
    %c0_i32_0 = arith.constant 0 : i32
    %c0_i32_1 = arith.constant 0 : i32
    return %c0_i32, %c0_i32_0 : i32, i32
  }
  func.func @transform_7(%arg0: i32) -> (i32, i32) {
    %c0_i32 = arith.constant 0 : i32
    %c0_i32_0 = arith.constant 0 : i32
    %c0_i32_1 = arith.constant 0 : i32
    return %c0_i32, %c0_i32_0 : i32, i32
  }
  func.func @transform_8(%arg0: i32) -> (i32, i32) {
    %c0_i32 = arith.constant 0 : i32
    %c0_i32_0 = arith.constant 0 : i32
    %c0_i32_1 = arith.constant 0 : i32
    return %c0_i32, %c0_i32_0 : i32, i32
  }
  func.func @transform_9(%arg0: i32) -> (i32, i32) {
    %c0_i32 = arith.constant 0 : i32
    %c0_i32_0 = arith.constant 0 : i32
    return %arg0, %c0_i32 : i32, i32
  }
  func.func @transform_10(%arg0: i32) -> (i32, i32) {
    %c0_i32 = arith.constant 0 : i32
    %c0_i32_0 = arith.constant 0 : i32
    return %arg0, %c0_i32 : i32, i32
  }
  func.func @transform_11(%arg0: i32) -> (i32, i32) {
    %c0_i32 = arith.constant 0 : i32
    %c0_i32_0 = arith.constant 0 : i32
    return %arg0, %c0_i32 : i32, i32
  }
}

module attributes {stable_mosaic.version = 14 : i64} {
  func.func @_final_body(%arg0: i32, %arg1: memref<1000x128xf32, #tpu.memory_space<vmem>>, %arg2: memref<1000x128xf32, #tpu.memory_space<vmem>>, %arg3: memref<8x128xf32, #tpu.memory_space<vmem>>, %arg4: memref<1x128xf32, #tpu.memory_space<vmem>>, %arg5: memref<1x128xf32, #tpu.memory_space<vmem>>, %arg6: memref<128x64xf32, #tpu.memory_space<vmem>>, %arg7: memref<1x64xf32, #tpu.memory_space<vmem>>, %arg8: memref<1000x64xf32, #tpu.memory_space<vmem>>) attributes {dimension_semantics = [#tpu.dimension_semantics<arbitrary>], iteration_bounds = array<i64: 10>, scalar_prefetch = 0 : i64, scratch_operands = 0 : i64, tpu.core_type = #tpu.core_type<tc>, window_params = [{transform_indices = @transform_0, window_bounds = array<i64: 1000, 128>}, {transform_indices = @transform_1, window_bounds = array<i64: 1000, 128>}, {pipeline_mode = #tpu.pipeline_mode<synchronous>, transform_indices = @transform_2, window_bounds = array<i64: 8, 128>}, {pipeline_mode = #tpu.pipeline_mode<synchronous>, transform_indices = @transform_3, window_bounds = array<i64: 1, 128>}, {pipeline_mode = #tpu.pipeline_mode<synchronous>, transform_indices = @transform_4, window_bounds = array<i64: 1, 128>}, {pipeline_mode = #tpu.pipeline_mode<synchronous>, transform_indices = @transform_5, window_bounds = array<i64: 128, 64>}, {pipeline_mode = #tpu.pipeline_mode<synchronous>, transform_indices = @transform_6, window_bounds = array<i64: 1, 64>}, {transform_indices = @transform_7, window_bounds = array<i64: 1000, 64>}]} {
    %get3A = arith.constant 0 : index
    %get3A_0 = arith.constant 0 : index
    %get3A_1 = vector.load %arg1[%get3A, %get3A_0] : memref<1000x128xf32, #tpu.memory_space<vmem>>, vector<1000x128xf32>
    %get3A_2 = arith.constant 0 : index
    %get3A_3 = arith.constant 0 : index
    %get3A_4 = vector.load %arg3[%get3A_2, %get3A_3] : memref<8x128xf32, #tpu.memory_space<vmem>>, vector<1x128xf32>
    %mul3A = arith.constant 9.99999974E-5 : f32
    %mul3A_5 = vector.broadcast %mul3A : f32 to vector<1x128xf32>
    %mul3A_6 = arith.mulf %get3A_4, %mul3A_5 : vector<1x128xf32>
    %get3A_7 = arith.constant 1 : index
    %get3A_8 = arith.constant 0 : index
    %get3A_9 = vector.load %arg3[%get3A_7, %get3A_8] : memref<8x128xf32, #tpu.memory_space<vmem>>, vector<1x128xf32>
    %mul3A_10 = arith.constant 9.99999974E-5 : f32
    %mul3A_11 = vector.broadcast %mul3A_10 : f32 to vector<1x128xf32>
    %mul3A_12 = arith.mulf %get3A_9, %mul3A_11 : vector<1x128xf32>
    %mul3A_13 = arith.mulf %mul3A_6, %mul3A_6 : vector<1x128xf32>
    %sub3A = arith.subf %mul3A_12, %mul3A_13 : vector<1x128xf32>
    %get3A_14 = arith.constant 0 : index
    %get3A_15 = arith.constant 0 : index
    %get3A_16 = vector.load %arg4[%get3A_14, %get3A_15] : memref<1x128xf32, #tpu.memory_space<vmem>>, vector<1x128xf32>
    %add3A = arith.constant 9.99999974E-6 : f32
    %add3A_17 = vector.broadcast %add3A : f32 to vector<1x128xf32>
    %add3A_18 = arith.addf %sub3A, %add3A_17 : vector<1x128xf32>
    %rsqrt3A = math.rsqrt %add3A_18 : vector<1x128xf32>
    %mul3A_19 = arith.mulf %get3A_16, %rsqrt3A : vector<1x128xf32>
    %get3A_20 = arith.constant 0 : index
    %get3A_21 = arith.constant 0 : index
    %get3A_22 = vector.load %arg5[%get3A_20, %get3A_21] : memref<1x128xf32, #tpu.memory_space<vmem>>, vector<1x128xf32>
    %mul3A_23 = arith.mulf %mul3A_6, %mul3A_19 : vector<1x128xf32>
    %sub3A_24 = arith.subf %get3A_22, %mul3A_23 : vector<1x128xf32>
    %get3A_25 = arith.constant 0 : index
    %get3A_26 = arith.constant 0 : index
    %get3A_27 = vector.load %arg2[%get3A_25, %get3A_26] : memref<1000x128xf32, #tpu.memory_space<vmem>>, vector<1000x128xf32>
    %mul3A_28 = vector.broadcast %mul3A_19 : vector<1x128xf32> to vector<1000x128xf32>
    %mul3A_29 = arith.mulf %get3A_27, %mul3A_28 : vector<1000x128xf32>
    %add3A_30 = arith.addf %get3A_1, %mul3A_29 : vector<1000x128xf32>
    %add3A_31 = vector.broadcast %sub3A_24 : vector<1x128xf32> to vector<1000x128xf32>
    %add3A_32 = arith.addf %add3A_30, %add3A_31 : vector<1000x128xf32>
    %get3A_33 = arith.constant 0 : index
    %get3A_34 = arith.constant 0 : index
    %get3A_35 = vector.load %arg6[%get3A_33, %get3A_34] : memref<128x64xf32, #tpu.memory_space<vmem>>, vector<128x64xf32>
    %dot_general3A = arith.constant dense<0.000000e+00> : vector<1000x64xf32>
    %dot_general3A_36 = tpu.matmul %add3A_32, %get3A_35, %dot_general3A {dimension_numbers = #tpu.dot_dimension_numbers<[1], [0], [0], [1], [0, 0, 1, 1], [], []>, transpose_lhs_hint = false} : vector<1000x128xf32>, vector<128x64xf32>, vector<1000x64xf32> -> vector<1000x64xf32>
    %get3A_37 = arith.constant 0 : index
    %get3A_38 = arith.constant 0 : index
    %get3A_39 = vector.load %arg7[%get3A_37, %get3A_38] : memref<1x64xf32, #tpu.memory_space<vmem>>, vector<1x64xf32>
    %add3A_40 = vector.broadcast %get3A_39 : vector<1x64xf32> to vector<1000x64xf32>
    %add3A_41 = arith.addf %dot_general3A_36, %add3A_40 : vector<1000x64xf32>
    %reduce_max3A = arith.constant dense<0xFF800000> : vector<1000xf32>
    %reduce_max3A_42 = vector.multi_reduction <maximumf>, %add3A_41, %reduce_max3A [1] : vector<1000x64xf32> to vector<1000xf32>
    %broadcast_in_dim3A = vector.shape_cast %reduce_max3A_42 : vector<1000xf32> to vector<1000x1xf32>
    %sub3A_43 = vector.broadcast %broadcast_in_dim3A : vector<1000x1xf32> to vector<1000x64xf32>
    %sub3A_44 = arith.subf %add3A_41, %sub3A_43 : vector<1000x64xf32>
    %exp3A = math.exp %sub3A_44 : vector<1000x64xf32>
    %reduce_sum3A = arith.constant dense<0.000000e+00> : vector<1000xf32>
    %reduce_sum3A_45 = vector.multi_reduction <add>, %exp3A, %reduce_sum3A [1] : vector<1000x64xf32> to vector<1000xf32>
    %broadcast_in_dim3A_46 = vector.shape_cast %reduce_sum3A_45 : vector<1000xf32> to vector<1000x1xf32>
    %div3A = vector.broadcast %broadcast_in_dim3A_46 : vector<1000x1xf32> to vector<1000x64xf32>
    %div3A_47 = arith.divf %exp3A, %div3A : vector<1000x64xf32>
    %swap3A = arith.constant 0 : index
    %swap3A_48 = arith.constant 0 : index
    %swap3A_49 = vector.load %arg8[%swap3A, %swap3A_48] : memref<1000x64xf32, #tpu.memory_space<vmem>>, vector<1000x64xf32>
    tpu.vector_store %arg8[%swap3A, %swap3A_48], %div3A_47 {strides = array<i32>} : memref<1000x64xf32, #tpu.memory_space<vmem>>, vector<1000x64xf32>,
    return
  }
  func.func @transform_0(%arg0: i32) -> (i32, i32) {
    %c0_i32 = arith.constant 0 : i32
    %c0_i32_0 = arith.constant 0 : i32
    return %arg0, %c0_i32 : i32, i32
  }
  func.func @transform_1(%arg0: i32) -> (i32, i32) {
    %c0_i32 = arith.constant 0 : i32
    %c0_i32_0 = arith.constant 0 : i32
    return %arg0, %c0_i32 : i32, i32
  }
  func.func @transform_2(%arg0: i32) -> (i32, i32) {
    %c0_i32 = arith.constant 0 : i32
    %c0_i32_0 = arith.constant 0 : i32
    %c0_i32_1 = arith.constant 0 : i32
    return %c0_i32, %c0_i32_0 : i32, i32
  }
  func.func @transform_3(%arg0: i32) -> (i32, i32) {
    %c0_i32 = arith.constant 0 : i32
    %c0_i32_0 = arith.constant 0 : i32
    %c0_i32_1 = arith.constant 0 : i32
    return %c0_i32, %c0_i32_0 : i32, i32
  }
  func.func @transform_4(%arg0: i32) -> (i32, i32) {
    %c0_i32 = arith.constant 0 : i32
    %c0_i32_0 = arith.constant 0 : i32
    %c0_i32_1 = arith.constant 0 : i32
    return %c0_i32, %c0_i32_0 : i32, i32
  }
  func.func @transform_5(%arg0: i32) -> (i32, i32) {
    %c0_i32 = arith.constant 0 : i32
    %c0_i32_0 = arith.constant 0 : i32
    %c0_i32_1 = arith.constant 0 : i32
    return %c0_i32, %c0_i32_0 : i32, i32
  }
  func.func @transform_6(%arg0: i32) -> (i32, i32) {
    %c0_i32 = arith.constant 0 : i32
    %c0_i32_0 = arith.constant 0 : i32
    %c0_i32_1 = arith.constant 0 : i32
    return %c0_i32, %c0_i32_0 : i32, i32
  }
  func.func @transform_7(%arg0: i32) -> (i32, i32) {
    %c0_i32 = arith.constant 0 : i32
    %c0_i32_0 = arith.constant 0 : i32
    return %arg0, %c0_i32 : i32, i32
  }
}

</mosaic_0001>

<sc_bundles>
// kernel: kernel.14.cloned.1.call-start
scs
__scs_entry_jumppad:
0x0: {  	(pc) =	sbr.rel $0x88, $3  }
0x1: {  	(tag) =	ssettag $0x0;
	lr =	simm.s32 $0x1  }
0x2: {  	[smem:$0x3F95] =	sst lr;
	_ =	strace $0xD0000000  }
0x3: {  	_ = 	snop  }
0x4: {  	_ = 	snop  }
0x5: {  	_ = 	snop  }
0x6: {  	_ = 	snop  }
0x7: {  	_ = 	snop  }
__scs_overlays_trampoline_lowered:
0x8: {  	[smem:$0x3FA4] =	sst s0  }
0x9: {  	[smem:$0x3FA5] =	sst s1  }
0xa: {  	[smem:$0x3FA6] =	sst s2  }
0xb: {  	[smem:$0x3FA7] =	sst s3  }
0xc: {  	[smem:$0x3FA8] =	sst s4  }
0xd: {  	[smem:$0x3FA9] =	sst s5  }
0xe: {  	[smem:$0x3FAA] =	sst s6  }
0xf: {  	[smem:$0x3FAB] =	sst s7  }
0x10: {  	[smem:$0x3FAC] =	sst s8  }
0x11: {  	[smem:$0x3FAD] =	sst s9;
	s0 =	simm.s32 @!p0 $0x0  }
0x12: {  	s1 =	sld [smem:$0x3F93];
	s0 =	simm.s32 @p0 $0x1  }
0x13: {  	[smem:$0x3FAE] =	sst s0;
	s0 =	simm.s32 @!p1 $0x0  }
0x14: {  	s2 =	sld [smem:$0x3F92];
	s0 =	simm.s32 @p1 $0x1  }
0x15: {  	[smem:$0x3FAF] =	sst s0;
	s0 =	simm.s32 @!p2 $0x0  }
0x16: {  	s3 =	sld [smem:$0x3FDB];
	s0 =	simm.s32 @p2 $0x1  }
0x17: {  	s4 =	simm.s32 $0x1BF5;
	[smem:$0x3FB1] =	sst s0  }
0x18: {  	s0 =	sld [smem:$0x3F94];
	_ =	swait.ge [sflag:s4], $0x0  }
0x19: {  	s7 =	sld [smem:$0x3F95]  }
0x1a: {  	s8 =	sadd.s32 $0xFFFFE003, lr  }
0x1b: {  	s9 =	sadd.s32 $0xFFFFFEF7, lr;
	s5 =	simm.s32 $0xFFFFFFFF;
	p2 =	slt.u32 s8, $0xFFFFF086  }
0x1c: {  	p1 =	slt.u32 s9, $0xF7A;
	s5 =	simm.s32 @!p2 $0x0  }
0x1d: {  	s5 =	simm.s32 @p1 $0x1;
	p0 =	seq.s32 s7, s2  }
0x1e: {  	s7 =	smul.u32 @!p0 $0xF7A, s2;
	p2 =	seq.s32 @!p0 s5, $0x0  }
0x1f: {  	s9 =	smul.u32 $0xF7A, s1;
	s8 =	simm.s32 @!p0 $0x1BF5;
	p2 =	por !p2, p0  }
0x20: {  	[sflag:s8] =	ssyncset.s32 @!p0 $0xFFFFF086;
	s6 =	sadd.s32 @!p0 s3, s7;
	s7 =	simm.s32 @!p0 $0x108  }
0x21: {  	s3 =	sadd.s32 s3, s9;
	s6 =	sadd.s32 @!p0 $0x88, s6;
	s7 =	simm.s32 @p2 $0x1082  }
0x22: {  	[simem:s7], [sflag:s8] =	dma.local @!p0 [hbm:s6], $0xF7A  }
0x23: {  	s9 =	sor.u32 $0xD0000000, s2;
	s6 =	simm.s32 $0x108;
	_ =	swait.ge @!p0 [sflag:s8], $0x0  }
0x24: {  	s3 =	sadd.s32 $0x88, s3;
	s6 =	simm.s32 @!p1 $0x1082;
	[sflag:s4] =	ssyncset.s32 $0xFFFFF086  }
0x25: {  	[simem:s6], [sflag:s4] =	dma.local [hbm:s3], $0xF7A  }
0x26: {  	[smem:$0x3F95] =	sst s1;
	(tag) =	ssettag s2;
	_ =	strace s9  }
0x27: {  	s1 =	sld [smem:$0x3FA5]  }
0x28: {  	s2 =	sld [smem:$0x3FA6]  }
0x29: {  	s4 =	sld [smem:$0x3FA8]  }
0x2a: {  	p0 =	seq.s32 s5, $0x0;
	s5 =	sld [smem:$0x3FA9]  }
0x2b: {  	s6 =	sld [smem:$0x3FAA]  }
0x2c: {  	s7 =	sld [smem:$0x3FAB]  }
0x2d: {  	s3 =	simm.s32 $0x108;
	s8 =	sld [smem:$0x3FAC]  }
0x2e: {  	s3 =	simm.s32 @!p0 $0x1082;
	s9 =	sld [smem:$0x3FAD]  }
0x2f: {  	lr =	sadd.s32 s0, s3;
	s0 =	sld [smem:$0x3FA4]  }
0x30: {  	s3 =	sld [smem:$0x3FA7]  }
0x31: {  	[smem:$0x3FB0] =	sst s10  }
0x32: {  	s10 =	sld [smem:$0x3FAE];
	_ =	sdelay $0x3  }
0x33: {  	p0 =	seq.s32 s10, $0x1;
	s10 =	sld [smem:$0x3FB0];
	_ =	sdelay $0x3  }
0x34: {  	[smem:$0x3FB0] =	sst s10  }
0x35: {  	s10 =	sld [smem:$0x3FAF];
	_ =	sdelay $0x3  }
0x36: {  	p1 =	seq.s32 s10, $0x1;
	s10 =	sld [smem:$0x3FB0];
	_ =	sdelay $0x3  }
0x37: {  	[smem:$0x3FB0] =	sst s10  }
0x38: {  	s10 =	sld [smem:$0x3FB1]  }
0x39: {  	_ = 	snop;
	(pc) =	sbr.ind lr, $3  }
0x3a: {  	_ = 	snop  }
0x3b: {  	_ = 	snop  }
0x3c: {  	p2 =	seq.s32 s10, $0x1;
	s10 =	sld [smem:$0x3FB0]  }
0x3d: {  	_ =	shalt  }
0x3e: {  	_ =	shalt  }
0x3f: {  	_ =	shalt  }
0x40: {  	_ =	shalt  }
0x41: {  	_ =	shalt  }
0x42: {  	_ =	shalt  }
0x43: {  	_ =	shalt  }
0x44: {  	_ =	shalt  }
0x45: {  	_ =	shalt  }
0x46: {  	_ =	shalt  }
0x47: {  	_ =	shalt  }
0x48: {  	_ =	shalt  }
0x49: {  	_ =	shalt  }
0x4a: {  	_ =	shalt  }
0x4b: {  	_ =	shalt  }
0x4c: {  	_ =	shalt  }
0x4d: {  	_ =	shalt  }
0x4e: {  	_ =	shalt  }
0x4f: {  	_ =	shalt  }
0x50: {  	_ =	shalt  }
0x51: {  	_ =	shalt  }
0x52: {  	_ =	shalt  }
0x53: {  	_ =	shalt  }
0x54: {  	_ =	shalt  }
0x55: {  	_ =	shalt  }
0x56: {  	_ =	shalt  }
0x57: {  	_ =	shalt  }
0x58: {  	_ =	shalt  }
0x59: {  	_ =	shalt  }
0x5a: {  	_ =	shalt  }
0x5b: {  	_ =	shalt  }
0x5c: {  	_ =	shalt  }
0x5d: {  	_ =	shalt  }
0x5e: {  	_ =	shalt  }
0x5f: {  	_ =	shalt  }
0x60: {  	_ =	shalt  }
0x61: {  	_ =	shalt  }
0x62: {  	_ =	shalt  }
0x63: {  	_ =	shalt  }
0x64: {  	_ =	shalt  }
0x65: {  	_ =	shalt  }
0x66: {  	_ =	shalt  }
0x67: {  	_ =	shalt  }
0x68: {  	_ =	shalt  }
0x69: {  	_ =	shalt  }
0x6a: {  	_ =	shalt  }
0x6b: {  	_ =	shalt  }
0x6c: {  	_ =	shalt  }
0x6d: {  	_ =	shalt  }
0x6e: {  	_ =	shalt  }
0x6f: {  	_ =	shalt  }
0x70: {  	_ =	shalt  }
0x71: {  	_ =	shalt  }
0x72: {  	_ =	shalt  }
0x73: {  	_ =	shalt  }
0x74: {  	_ =	shalt  }
0x75: {  	_ =	shalt  }
0x76: {  	_ =	shalt  }
0x77: {  	_ =	shalt  }
0x78: {  	_ =	shalt  }
0x79: {  	_ =	shalt  }
0x7a: {  	_ =	shalt  }
0x7b: {  	_ =	shalt  }
0x7c: {  	_ =	shalt  }
0x7d: {  	_ =	shalt  }
0x7e: {  	_ =	shalt  }
0x7f: {  	_ =	shalt  }
0x80: {  	_ =	shalt  }
0x81: {  	_ =	shalt  }
0x82: {  	_ =	shalt  }
0x83: {  	_ =	shalt  }
0x84: {  	_ =	shalt  }
0x85: {  	_ =	shalt  }
0x86: {  	_ =	shalt  }
0x87: {  	_ =	shalt  }
.Lfunc_end0:
.L_simem_size_0:
called_computation_lowered:
.L_overlay_start_0:
0x88: {  	s2 =	sld [smem:$0x3FD9]  }
0x89: {  	s3 =	sld [smem:$0x3FFE];
	_ =	sdelay $0x1  }
0x8a: {  	s1 =	srdreg.scid  }
0x8b: {  	s0 =	sand.u32 $0x1, s1  }
0x8c: {  	s16 =	sshll.u32 s0, $0xA;
	s2 =	sadd.s32 s3, s2  }
0x8d: {  	s2 =	sadd.s32 s2, s16  }
0x8e: {  	[smem:$0x3FBC] =	sst s2  }
0x8f: {  	_ = 	snop  }
0x90: {  	(tm) =	ssettm $0x1  }
0x91: {  	s17 =	sld [smem:$0x3FFB];
	_ =	sdelay $0x3  }
0x92: {  	_ =	strace s17  }
0x93: {  	s2 =	sld [smem:$0x3FFC];
	_ =	sdelay $0x3  }
0x94: {  	_ =	strace s2  }
0x95: {  	s2 =	sld [smem:$0x3FFD];
	_ =	sdelay $0x3  }
0x96: {  	_ =	strace s2  }
0x97: {  	_ =	strace $0x8FFFFFFF  }
0x98: {  	s18 =	sld [smem:$0x3FDB];
	_ =	sdelay $0x1  }
0x99: {  	s19 =	simm.s32 $_scs_section_size  }
0x9a: {  	s4 =	simm.s32 $_size__tile_overlayer_lowered;
	s5 =	simm.s32 $_tile_overlayer_lowered  }
0x9b: {  	s22 =	simm.s32 $0x1BFF;
	s21 =	sshll.u32 s5, $0x1;
	s2 =	sadd.s32 s19, s18  }
0x9c: {  	s6 =	simm.s32 $0x0;
	s20 =	sshll.u32 s4, $0x1;
	s4 =	sadd.s32 s21, s2  }
0x9d: {  	[timem:s6], [sflag:s22] =	dma.local [hbm:s4], s20  }
0x9e: {  	_ =	swait.ge [sflag:s22], s20  }
0x9f: {  	s3 =	ssub.s32 $0x0, s20;
	[sflag:s22] =	ssyncset.done $0x0  }
0xa0: {  	[sflag:s22] =	ssyncadd.s32 s3;
	_ =	sdelay $0x1  }
0xa1: {  	s23 =	simm.s32 $0x1B8B  }
0xa2: {  	_ =	swait.ge [sflag:s23], $0x1  }
0xa3: {  	[sflag:s23] =	ssyncset.done $0x0  }
0xa4: {  	s25 =	simm.s32 $0x1B8E;
	s24 =	sld [smem:$0x3FFE];
	[sflag:s23] =	ssyncadd.s32 $0xFFFFFFFF  }
0xa5: {  	s26 =	simm.s32 $execute0_lowered;
	[smem:$0x3FD2] =	sst s25  }
0xa6: {  	s4 =	sshll.u32 s26, $0x1;
	_ =	strace $0x80000046;
	[dreg:$0x1] =	wrdreg $0xFFFFFFFF  }
0xa7: {  	s28 =	simm.s32 $_size_execute0_lowered;
	s2 =	sadd.s32 s2, s4;
	[dreg:$0x0] =	wrdreg $0x0  }
0xa8: {  	s4 =	sshll.u32 s28, $0x1;
	[dreg:$0x2] =	wrdreg s2  }
0xa9: {  	[dreg:$0x3] =	wrdreg s4  }
0xaa: {  	[dreg:$0x4] =	wrdreg $0xC0  }
0xab: {  	_ =	task [dreg:s6], $0x5FFFF  }
0xac: {  	[dreg:$0x1] =	wrdreg $0xFFFFFFFF  }
0xad: {  	[dreg:$0x0] =	wrdreg $0x60  }
0xae: {  	[dreg:$0x2] =	wrdreg s24  }
0xaf: {  	[dreg:$0x3] =	wrdreg $0x9  }
0xb0: {  	_ =	task.clear_ibuf [dreg:s6], $0x4FFFF;
	_ =	strace $0x90000046  }
0xb1: {  	s29 =	simm.s32 $0x9;
	_ =	strace $0x80000048  }
0xb2: {  	_ =	swait.ge [sflag:s29], $0x1  }
0xb3: {  	[sflag:s29] =	ssyncadd.s32 $0xFFFFFFFF  }
0xb4: {  	_ =	strace $0x90000048  }
0xb5: {  	_ =	sfence  }
0xb6: {  	s30 =	sld [smem:$0x0];
	_ =	sdelay $0x2  }
0xb7: {  	s31 =	sshll.u32 s1, $0xD;
	s1 =	sshrl.u32 s1, $0x2  }
0xb8: {  	s3 =	sand.u32 $0x4000, s31;
	s1 =	sadd.s32 s1, s30  }
0xb9: {  	s0 =	sor.u32 s3, s0;
	s1 =	sshll.u32 s1, $0x11  }
0xba: {  	s0 =	sor.u32 s1, s0  }
0xbb: {  	s0 =	sadd.s32 $0x8F2B, s0  }
0xbc: {  	[sflag:s0] =	ssyncadd.remote.s32 $0x1  }
0xbd: {  	_ =	sfence.sel $0xFFFF  }
0xbe: {  	[dreg:$0x0] =	wrdreg $0xFFFFFFFF;
	(pc) =	sbr.abs _section_cstart, $3  }
0xbf: {  	[dreg:$0x1] =	wrdreg $0xFFFFFFFF  }
0xc0: {  	_ =	task.clear_ibuf [dreg:s6], $0x2FFFF;
	_ =	strace $0x9FFFFFFF  }
0xc1: {  	(tm) =	ssettm $0x7FFFFFFF  }
tec
execute0_lowered:
.L_overlay_start_1:
0x0: {  	(tag) =	ssettag $0x1  }
0x1: {  	s3 =	rddreg [dreg:$0x0]  }
0x2: {  	s0 =	rddreg [dreg:$0x1];
	s2 =	simm.s32 $0x0;
	s4 =	srdreg.scid  }
0x3: {  	s1 =	stileid.u32;
	s9 =	simm.s32 $0x1;
	s10 =	simm.s32 $0x2800  }
0x4: {  	s11 =	simm.s32 $0x5000;
	s4 =	sand.u32 $0x1, s4;
	s5 =	sshrl.u32 s1, $0x2  }
0x5: {  	s6 =	sshll.u32 s1, $0x8;
	[smem:$0x7FF] =	sst s2;
	s8 =	smul.u32 $0x14000, s5  }
0x6: {  	s7 =	sshll.u32 s4, $0x7;
	s6 =	sand.u32 $0x300, s6;
	s5 =	smul.u32 $0x28000, s5  }
0x7: {  	s12 =	simm.s32 $0x0;
	_ =	strace $0x80000047;
	s6 =	sor.u32 s7, s6  }
0x8: {  	s4 =	ssub.s32 $0x2, s4;
	s7 =	sor.u32 s8, s6;
	s5 =	sor.u32 s5, s6  }
0x9: {  	s31 =	sshrl.u32 s4, $0x1;
	s7 =	sshrl.u32 s7, $0x3;
	s5 =	sshrl.u32 s5, $0x3  }
0xa: {  	s8 =	simm.s32 $0x400;
	s30 =	sadd.s32 s7, s3;
	s5 =	sadd.s32 s5, s3  }
0xb: {  	s7 =	ssub.s32 s4, s31;
	s3 =	sadd.s32 $0xFA00, s30;
	s4 =	sadd.s32 $0x19A00, s30  }
0xc: {  	v0 =	vimm.f32 $0.0e+00;
	v1 =	vimm.f32 $1.000000000e+00;
	s5 =	sadd.s32 $0x23A00, s5;
	s6 =	smax.u32 s7, $0x1;
	s7 =	simm.s32 $0x80  }
.LBB2_1:
0xd: {  	[tilespmem:s2], [sflag:$0x1] =	stream.strided.gather [hbm4b:s3+s7], $0x2800, s8, s7, $0x38;
	[tilespmem:$0xA000] =	vst v63  }
0xe: {  	_ =	swait.ge [sflag:s9], $0x2800  }
0xf: {  	[sflag:s9] =	ssyncset.done $0x0  }
0x10: {  	[sflag:s9] =	ssyncadd.s32 $0xFFFFD800  }
0x11: {  	[tilespmem:s10], [sflag:$0x1] =	stream.strided.gather [hbm4b:s4+s7], $0x2800, s8, s7, $0x38;
	[tilespmem:$0xA000] =	vst v63  }
0x12: {  	_ =	swait.ge [sflag:s9], $0x2800  }
0x13: {  	[sflag:s9] =	ssyncset.done $0x0  }
0x14: {  	s13 =	simm.s32 $0x0;
	[sflag:s9] =	ssyncadd.s32 $0xFFFFD800  }
.LBB2_2:
0x15: {  	p0 =	sne.s32 s13, $0x13FC0  }
.Ltmp0:
0x16: {  	_ = 	snop;
	(pc) =	sbr.rel @p0 .LBB2_2-.Ltmp0, $3  }
0x17: {  	_ =	sdelay $0x1  }
0x18: {  	s14 =	sshra.s32 s13, $0x2  }
0x19: {  	s13 =	sadd.s32 $0x40, s13;
	[tilespmem:s14+$0x5000] =	vst v0  }
0x1a: {  	s14 =	simm.s32 $0x0;
	s13 =	simm.s32 $0x40  }
.LBB2_4:
0x1b: {  	p0 =	sne.s32 s13, $0x9FC0;
	v2 =	vld [tilespmem:s14+$0x2800]  }
0x1c: {  	v3 =	vld [tilespmem:s14+$0x0];
	_ =	sdelay $0x3  }
0x1d: {  	v2 =	vadd.s32 $0x2800, v2  }
.Ltmp1:
0x1e: {  	(pc) =	sbr.rel @p0 .LBB2_4-.Ltmp1, $3  }
0x1f: {  	_ =	sdelay $0x1  }
0x20: {  	[tilespmem:v3+s11+$0x0] =	vst.idx.add.f32.msk $0xffff, v1  }
0x21: {  	s14 =	sshra.s32 s13, $0x2;
	s13 =	sadd.s32 $0x40, s13;
	[tilespmem:v2+s11+$0x0] =	vst.idx.add.f32.msk $0xffff, v1  }
0x22: {  	v2 =	vld [tilespmem:s14+$0x2800]  }
0x23: {  	v3 =	vld [tilespmem:s14+$0x0];
	_ =	sdelay $0x3  }
0x24: {  	v2 =	vadd.s32 $0x2800, v2;
	_ =	sdelay $0x2  }
0x25: {  	s12 =	sadd.s32 $0x1, s12  }
0x26: {  	p0 =	sne.s32 s12, s6;
	[tilespmem:v3+s11+$0x0] =	vst.idx.add.f32.msk $0xffff, v1  }
.Ltmp2:
0x27: {  	[tilespmem:v2+s11+$0x0] =	vst.idx.add.f32.msk $0xffff, v1;
	(pc) =	sbr.rel @p0 .LBB2_1-.Ltmp2, $4  }
0x28: {  	[hbm4b:s5+s7] =	stream.strided.scatter [tilespmem:s11], [sflag:$0x1], $0x5000, s8, s7, $0x38;
	[tilespmem:$0xA000] =	vst v63  }
0x29: {  	_ =	swait.ge [sflag:s9], $0x5000  }
0x2a: {  	[sflag:s9] =	ssyncset.done $0x0  }
0x2b: {  	[sflag:s9] =	ssyncadd.s32 $0xFFFFB000  }
0x2c: {  	_ =	sfence.sel $0x180000  }
0x2d: {  	[bflag:$0x0] =	sbarrier.arrive $0xFFFF  }
0x2e: {  	p0 =	sne.s32 s1, $0x0;
	_ =	strace $0x90000047  }
0x2f: {  	s0 =	sadd.s32 @!p0 $0x100000, s0;
	[bflag:$0x2] =	sbarrier.arrive $0xFFFF  }
0x30: {  	[sflag:s0] =	ssyncadd.tile.s32 @!p0 $0x1;
	_ =	shalt  }
.Lfunc_end2:
_tile_overlayer_lowered:
.L_overlay_start_2:
0x31: {  	(tag) =	ssettag $0x2  }
0x32: {  	s0 =	rddreg [dreg:$0x0];
	s2 =	stileid.u32  }
0x33: {  	s1 =	rddreg [dreg:$0x1];
	p0 =	sne.s32 s2, $0x0  }
0x34: {  	s3 =	rddreg [dreg:$0x2];
	[bflag:$0x3] =	sbarrier.arrive $0xFFFF;
	s2 =	simm.s32 @!p0 $0x1C01  }
0x35: {  	[timem:s3], [sflag:s2] =	dma.local @!p0 [hbm:s0], s1  }
0x36: {  	s0 =	simm.s32 @!p0 $0x1  }
0x37: {  	_ =	swait.ge @!p0 [sflag:s0], s1  }
0x38: {  	s1 =	ssub.s32 @!p0 $0x0, s1;
	[sflag:s0] =	ssyncset.done @!p0 $0x0  }
0x39: {  	[sflag:s0] =	ssyncadd.s32 @!p0 s1  }
0x3a: {  	[bflag:$0x3] =	sbarrier.arrive $0xFFFF  }
0x3b: {  	_ =	shalt  }

// kernel: kernel.17.cloned.1.call-start
scs
__scs_entry_jumppad:
0x0: {  	(pc) =	sbr.rel $0x88, $3  }
0x1: {  	(tag) =	ssettag $0x0;
	lr =	simm.s32 $0x1  }
0x2: {  	[smem:$0x3F95] =	sst lr;
	_ =	strace $0xD0000000  }
0x3: {  	_ = 	snop  }
0x4: {  	_ = 	snop  }
0x5: {  	_ = 	snop  }
0x6: {  	_ = 	snop  }
0x7: {  	_ = 	snop  }
__scs_overlays_trampoline_lowered:
0x8: {  	[smem:$0x3FA4] =	sst s0  }
0x9: {  	[smem:$0x3FA5] =	sst s1  }
0xa: {  	[smem:$0x3FA6] =	sst s2  }
0xb: {  	[smem:$0x3FA7] =	sst s3  }
0xc: {  	[smem:$0x3FA8] =	sst s4  }
0xd: {  	[smem:$0x3FA9] =	sst s5  }
0xe: {  	[smem:$0x3FAA] =	sst s6  }
0xf: {  	[smem:$0x3FAB] =	sst s7  }
0x10: {  	[smem:$0x3FAC] =	sst s8  }
0x11: {  	[smem:$0x3FAD] =	sst s9;
	s0 =	simm.s32 @!p0 $0x0  }
0x12: {  	s1 =	sld [smem:$0x3F93];
	s0 =	simm.s32 @p0 $0x1  }
0x13: {  	[smem:$0x3FAE] =	sst s0;
	s0 =	simm.s32 @!p1 $0x0  }
0x14: {  	s2 =	sld [smem:$0x3F92];
	s0 =	simm.s32 @p1 $0x1  }
0x15: {  	[smem:$0x3FAF] =	sst s0;
	s0 =	simm.s32 @!p2 $0x0  }
0x16: {  	s3 =	sld [smem:$0x3FDB];
	s0 =	simm.s32 @p2 $0x1  }
0x17: {  	s4 =	simm.s32 $0x1BF5;
	[smem:$0x3FB1] =	sst s0  }
0x18: {  	s0 =	sld [smem:$0x3F94];
	_ =	swait.ge [sflag:s4], $0x0  }
0x19: {  	s7 =	sld [smem:$0x3F95]  }
0x1a: {  	s8 =	sadd.s32 $0xFFFFE003, lr  }
0x1b: {  	s9 =	sadd.s32 $0xFFFFFEF7, lr;
	s5 =	simm.s32 $0xFFFFFFFF;
	p2 =	slt.u32 s8, $0xFFFFF086  }
0x1c: {  	p1 =	slt.u32 s9, $0xF7A;
	s5 =	simm.s32 @!p2 $0x0  }
0x1d: {  	s5 =	simm.s32 @p1 $0x1;
	p0 =	seq.s32 s7, s2  }
0x1e: {  	s7 =	smul.u32 @!p0 $0xF7A, s2;
	p2 =	seq.s32 @!p0 s5, $0x0  }
0x1f: {  	s9 =	smul.u32 $0xF7A, s1;
	s8 =	simm.s32 @!p0 $0x1BF5;
	p2 =	por !p2, p0  }
0x20: {  	[sflag:s8] =	ssyncset.s32 @!p0 $0xFFFFF086;
	s6 =	sadd.s32 @!p0 s3, s7;
	s7 =	simm.s32 @!p0 $0x108  }
0x21: {  	s3 =	sadd.s32 s3, s9;
	s6 =	sadd.s32 @!p0 $0x88, s6;
	s7 =	simm.s32 @p2 $0x1082  }
0x22: {  	[simem:s7], [sflag:s8] =	dma.local @!p0 [hbm:s6], $0xF7A  }
0x23: {  	s9 =	sor.u32 $0xD0000000, s2;
	s6 =	simm.s32 $0x108;
	_ =	swait.ge @!p0 [sflag:s8], $0x0  }
0x24: {  	s3 =	sadd.s32 $0x88, s3;
	s6 =	simm.s32 @!p1 $0x1082;
	[sflag:s4] =	ssyncset.s32 $0xFFFFF086  }
0x25: {  	[simem:s6], [sflag:s4] =	dma.local [hbm:s3], $0xF7A  }
0x26: {  	[smem:$0x3F95] =	sst s1;
	(tag) =	ssettag s2;
	_ =	strace s9  }
0x27: {  	s1 =	sld [smem:$0x3FA5]  }
0x28: {  	s2 =	sld [smem:$0x3FA6]  }
0x29: {  	s4 =	sld [smem:$0x3FA8]  }
0x2a: {  	p0 =	seq.s32 s5, $0x0;
	s5 =	sld [smem:$0x3FA9]  }
0x2b: {  	s6 =	sld [smem:$0x3FAA]  }
0x2c: {  	s7 =	sld [smem:$0x3FAB]  }
0x2d: {  	s3 =	simm.s32 $0x108;
	s8 =	sld [smem:$0x3FAC]  }
0x2e: {  	s3 =	simm.s32 @!p0 $0x1082;
	s9 =	sld [smem:$0x3FAD]  }
0x2f: {  	lr =	sadd.s32 s0, s3;
	s0 =	sld [smem:$0x3FA4]  }
0x30: {  	s3 =	sld [smem:$0x3FA7]  }
0x31: {  	[smem:$0x3FB0] =	sst s10  }
0x32: {  	s10 =	sld [smem:$0x3FAE];
	_ =	sdelay $0x3  }
0x33: {  	p0 =	seq.s32 s10, $0x1;
	s10 =	sld [smem:$0x3FB0];
	_ =	sdelay $0x3  }
0x34: {  	[smem:$0x3FB0] =	sst s10  }
0x35: {  	s10 =	sld [smem:$0x3FAF];
	_ =	sdelay $0x3  }
0x36: {  	p1 =	seq.s32 s10, $0x1;
	s10 =	sld [smem:$0x3FB0];
	_ =	sdelay $0x3  }
0x37: {  	[smem:$0x3FB0] =	sst s10  }
0x38: {  	s10 =	sld [smem:$0x3FB1]  }
0x39: {  	_ = 	snop;
	(pc) =	sbr.ind lr, $3  }
0x3a: {  	_ = 	snop  }
0x3b: {  	_ = 	snop  }
0x3c: {  	p2 =	seq.s32 s10, $0x1;
	s10 =	sld [smem:$0x3FB0]  }
0x3d: {  	_ =	shalt  }
0x3e: {  	_ =	shalt  }
0x3f: {  	_ =	shalt  }
0x40: {  	_ =	shalt  }
0x41: {  	_ =	shalt  }
0x42: {  	_ =	shalt  }
0x43: {  	_ =	shalt  }
0x44: {  	_ =	shalt  }
0x45: {  	_ =	shalt  }
0x46: {  	_ =	shalt  }
0x47: {  	_ =	shalt  }
0x48: {  	_ =	shalt  }
0x49: {  	_ =	shalt  }
0x4a: {  	_ =	shalt  }
0x4b: {  	_ =	shalt  }
0x4c: {  	_ =	shalt  }
0x4d: {  	_ =	shalt  }
0x4e: {  	_ =	shalt  }
0x4f: {  	_ =	shalt  }
0x50: {  	_ =	shalt  }
0x51: {  	_ =	shalt  }
0x52: {  	_ =	shalt  }
0x53: {  	_ =	shalt  }
0x54: {  	_ =	shalt  }
0x55: {  	_ =	shalt  }
0x56: {  	_ =	shalt  }
0x57: {  	_ =	shalt  }
0x58: {  	_ =	shalt  }
0x59: {  	_ =	shalt  }
0x5a: {  	_ =	shalt  }
0x5b: {  	_ =	shalt  }
0x5c: {  	_ =	shalt  }
0x5d: {  	_ =	shalt  }
0x5e: {  	_ =	shalt  }
0x5f: {  	_ =	shalt  }
0x60: {  	_ =	shalt  }
0x61: {  	_ =	shalt  }
0x62: {  	_ =	shalt  }
0x63: {  	_ =	shalt  }
0x64: {  	_ =	shalt  }
0x65: {  	_ =	shalt  }
0x66: {  	_ =	shalt  }
0x67: {  	_ =	shalt  }
0x68: {  	_ =	shalt  }
0x69: {  	_ =	shalt  }
0x6a: {  	_ =	shalt  }
0x6b: {  	_ =	shalt  }
0x6c: {  	_ =	shalt  }
0x6d: {  	_ =	shalt  }
0x6e: {  	_ =	shalt  }
0x6f: {  	_ =	shalt  }
0x70: {  	_ =	shalt  }
0x71: {  	_ =	shalt  }
0x72: {  	_ =	shalt  }
0x73: {  	_ =	shalt  }
0x74: {  	_ =	shalt  }
0x75: {  	_ =	shalt  }
0x76: {  	_ =	shalt  }
0x77: {  	_ =	shalt  }
0x78: {  	_ =	shalt  }
0x79: {  	_ =	shalt  }
0x7a: {  	_ =	shalt  }
0x7b: {  	_ =	shalt  }
0x7c: {  	_ =	shalt  }
0x7d: {  	_ =	shalt  }
0x7e: {  	_ =	shalt  }
0x7f: {  	_ =	shalt  }
0x80: {  	_ =	shalt  }
0x81: {  	_ =	shalt  }
0x82: {  	_ =	shalt  }
0x83: {  	_ =	shalt  }
0x84: {  	_ =	shalt  }
0x85: {  	_ =	shalt  }
0x86: {  	_ =	shalt  }
0x87: {  	_ =	shalt  }
.Lfunc_end0:
.L_simem_size_0:
called_computation.1_lowered:
.L_overlay_start_0:
0x88: {  	s2 =	sld [smem:$0x3FD9]  }
0x89: {  	s3 =	sld [smem:$0x3FFE];
	_ =	sdelay $0x1  }
0x8a: {  	s1 =	srdreg.scid  }
0x8b: {  	s0 =	sand.u32 $0x1, s1  }
0x8c: {  	s17 =	sshll.u32 s0, $0xA;
	s2 =	sadd.s32 s3, s2  }
0x8d: {  	s2 =	sadd.s32 s2, s17  }
0x8e: {  	[smem:$0x3FBC] =	sst s2  }
0x8f: {  	_ = 	snop  }
0x90: {  	s2 =	sld [smem:$0x3FD0];
	(tm) =	ssettm $0x1  }
0x91: {  	s18 =	sld [smem:$0x3FFB];
	_ =	sdelay $0x3  }
0x92: {  	_ =	strace s18  }
0x93: {  	s3 =	sld [smem:$0x3FFC];
	_ =	sdelay $0x3  }
0x94: {  	_ =	strace s3  }
0x95: {  	s3 =	sld [smem:$0x3FFD];
	_ =	sdelay $0x3  }
0x96: {  	_ =	strace s3  }
0x97: {  	_ =	strace $0x8FFFFFFF  }
0x98: {  	s19 =	sld [smem:$0x3FDB];
	_ =	sdelay $0x1  }
0x99: {  	s4 =	simm.s32 $_scs_section_size  }
0x9a: {  	s5 =	simm.s32 $_size__tile_overlayer_lowered;
	s6 =	simm.s32 $_tile_overlayer_lowered  }
0x9b: {  	s22 =	simm.s32 $0x1BFF;
	s21 =	sshll.u32 s6, $0x1;
	s3 =	sadd.s32 s4, s19  }
0x9c: {  	s7 =	simm.s32 $0x0;
	s20 =	sshll.u32 s5, $0x1;
	s5 =	sadd.s32 s21, s3  }
0x9d: {  	[timem:s7], [sflag:s22] =	dma.local [hbm:s5], s20  }
0x9e: {  	_ =	swait.ge [sflag:s22], s20  }
0x9f: {  	s4 =	ssub.s32 $0x0, s20;
	[sflag:s22] =	ssyncset.done $0x0  }
0xa0: {  	[sflag:s22] =	ssyncadd.s32 s4;
	_ =	sdelay $0x1  }
0xa1: {  	s23 =	simm.s32 $0x1B8B  }
0xa2: {  	_ =	swait.ge [sflag:s23], $0x1  }
0xa3: {  	[sflag:s23] =	ssyncset.done $0x0  }
0xa4: {  	s25 =	simm.s32 $0x1B8E;
	s24 =	sld [smem:$0x3FFE];
	[sflag:s23] =	ssyncadd.s32 $0xFFFFFFFF  }
0xa5: {  	s26 =	simm.s32 $execute0_lowered;
	[smem:$0x3FD2] =	sst s25  }
0xa6: {  	s5 =	sshll.u32 s26, $0x1;
	_ =	strace $0x80000049;
	[dreg:$0x1] =	wrdreg $0xFFFFFFFF  }
0xa7: {  	s28 =	simm.s32 $_size_execute0_lowered;
	s3 =	sadd.s32 s3, s5;
	[dreg:$0x0] =	wrdreg $0x0  }
0xa8: {  	s5 =	sshll.u32 s28, $0x1;
	[dreg:$0x2] =	wrdreg s3  }
0xa9: {  	[dreg:$0x3] =	wrdreg s5  }
0xaa: {  	[dreg:$0x4] =	wrdreg $0xC0  }
0xab: {  	_ =	task [dreg:s7], $0x5FFFF  }
0xac: {  	[dreg:$0x1] =	wrdreg $0xFFFFFFFF  }
0xad: {  	[dreg:$0x0] =	wrdreg $0x60  }
0xae: {  	[dreg:$0x2] =	wrdreg s24  }
0xaf: {  	[dreg:$0x3] =	wrdreg s2  }
0xb0: {  	[dreg:$0x4] =	wrdreg $0xB8000  }
0xb1: {  	[dreg:$0x5] =	wrdreg $0x9  }
0xb2: {  	_ =	task.clear_ibuf [dreg:s7], $0x6FFFF;
	_ =	strace $0x90000049  }
0xb3: {  	s29 =	simm.s32 $0x9;
	_ =	strace $0x8000004B  }
0xb4: {  	_ =	swait.ge [sflag:s29], $0x1  }
0xb5: {  	[sflag:s29] =	ssyncadd.s32 $0xFFFFFFFF  }
0xb6: {  	_ =	strace $0x9000004B  }
0xb7: {  	_ =	sfence  }
0xb8: {  	s30 =	sld [smem:$0x0];
	_ =	sdelay $0x2  }
0xb9: {  	s31 =	sshll.u32 s1, $0xD;
	s1 =	sshrl.u32 s1, $0x2  }
0xba: {  	s3 =	sand.u32 $0x4000, s31;
	s1 =	sadd.s32 s1, s30  }
0xbb: {  	s0 =	sor.u32 s3, s0;
	s1 =	sshll.u32 s1, $0x11  }
0xbc: {  	s0 =	sor.u32 s1, s0  }
0xbd: {  	s0 =	sadd.s32 $0x8F2B, s0  }
0xbe: {  	[sflag:s0] =	ssyncadd.remote.s32 $0x1  }
0xbf: {  	_ =	sfence.sel $0xFFFF  }
0xc0: {  	[dreg:$0x0] =	wrdreg $0xFFFFFFFF;
	(pc) =	sbr.abs _section_cstart, $3  }
0xc1: {  	[dreg:$0x1] =	wrdreg $0xFFFFFFFF  }
0xc2: {  	_ =	task.clear_ibuf [dreg:s7], $0x2FFFF;
	_ =	strace $0x9FFFFFFF  }
0xc3: {  	(tm) =	ssettm $0x7FFFFFFF  }
tec
execute0_lowered:
.L_overlay_start_1:
0x0: {  	(tag) =	ssettag $0x1  }
0x1: {  	s6 =	rddreg [dreg:$0x0]  }
0x2: {  	s9 =	rddreg [dreg:$0x1]  }
0x3: {  	s1 =	rddreg [dreg:$0x2]  }
0x4: {  	s2 =	srdreg.scid;
	s0 =	rddreg [dreg:$0x3]  }
0x5: {  	s3 =	simm.s32 $0x0;
	s16 =	simm.s32 $0x80;
	s7 =	sand.u32 $0x1, s2  }
0x6: {  	s17 =	simm.s32 $0x7800;
	s2 =	stileid.u32;
	s5 =	smul.u32 $0x13C000, s7  }
0x7: {  	s18 =	simm.s32 $0x1;
	[smem:$0x7FF] =	sst s3;
	s8 =	smul.u32 $0x13C00, s2  }
0x8: {  	s4 =	sadd.s32 $0x36C00, s6;
	s10 =	sadd.s32 $0x5A00, s6;
	s11 =	smul.u32 $0x4F000, s2  }
0x9: {  	_ =	strace $0x8000004A;
	s12 =	ssub.s32 $0x2, s7;
	s14 =	smul.u32 $0x1400, s2  }
0xa: {  	s29 =	sshll.u32 s2, $0x6;
	s30 =	smul.u32 $0x780, s2;
	p0 =	seq.s32 s7, $0x1  }
0xb: {  	s13 =	sshrl.u32 s12, $0x1;
	s8 =	sadd.s32 s8, s5;
	s5 =	sadd.s32 $0x85000, s6  }
0xc: {  	s11 =	sshrl.u32 s11, $0x2;
	s12 =	ssub.s32 s12, s13;
	s31 =	sshrl.u32 s14, $0x3  }
.Ltmp0:
0xd: {  	s7 =	sadd.s32 s9, s30;
	s14 =	simm.s32 $0x2;
	(pc) =	sbr.rel .LBB2_1-.Ltmp0, $4  }
0xe: {  	s8 =	sshrl.u32 s8, $0x3;
	s28 =	sadd.s32 s11, s1;
	s11 =	sadd.s32 $0x7800, s31  }
0xf: {  	s12 =	smax.u32 s12, $0x1;
	s15 =	sadd.s32 s8, s6;
	s6 =	sor.u32 $0x1C02, s29  }
0x10: {  	s8 =	sadd.s32 s10, s30;
	s9 =	sadd.s32 s9, s11;
	s10 =	sadd.s32 s10, s11  }
0x11: {  	s13 =	sshrl.u32 s28, $0x3;
	s11 =	sadd.s32 $0x87800, s15;
	s15 =	simm.s32 $0x3C00  }
.LBB2_7:
0x12: {  	s19 =	sshra.s32 s19, $0x2;
	[sflag:s14] =	ssyncadd.s32 $0xFFFFC000  }
0x13: {  	[tilespmem:s17], [sflag:$0x1] =	stream.indirect.gather [hbm4b:s4+s16], $0x80, s19, s16, $0xb8;
	[tilespmem:$0x1F400] =	vst v63  }
0x14: {  	_ =	swait.ge [sflag:s18], $0x4000  }
0x15: {  	[sflag:s18] =	ssyncset.done $0x0  }
0x16: {  	s19 =	sadd.s32 $0x3C00, s19;
	[sflag:s18] =	ssyncadd.s32 $0xFFFFC000  }
0x17: {  	[spmem:s1] =	stream.indirect.scatter.add.f32 [tilespmem:s17], [sflag:$0x2], $0x80, s19, s16, $0xb8;
	[tilespmem:$0x1F400] =	vst v63  }
0x18: {  	_ =	swait.ge [sflag:s14], $0x4000  }
0x19: {  	[sflag:s14] =	ssyncset.done $0x0  }
0x1a: {  	[sflag:s14] =	ssyncadd.s32 $0xFFFFC000  }
.LBB2_8:
0x1b: {  	s3 =	sadd.s32 $0x1, s3  }
0x1c: {  	p1 =	sne.s32 s3, s12  }
.Ltmp1:
0x1d: {  	[bflag:$0x0] =	sbarrier.arrive $0xFFFF;
	(pc) =	sbr.rel @!p1 .LBB2_9-.Ltmp1, $4  }
0x1e: {  	[hbm:s11], [sflag:s6] =	dma.local [spmem:s13], $0x2780  }
0x1f: {  	_ =	swait.ge [sflag:s14], $0x2780  }
0x20: {  	[sflag:s14] =	ssyncset.done $0x0  }
0x21: {  	[sflag:s14] =	ssyncadd.s32 $0xFFFFD880  }
.LBB2_1:
.Ltmp2:
0x22: {  	(pc) =	sbr.rel @!p0 .LBB2_2-.Ltmp2, $4  }
0x23: {  	[spmem:s13], [sflag:s6] =	dma.local [hbm:s5], $0x2780  }
0x24: {  	_ =	swait.ge [sflag:s14], $0x2780  }
0x25: {  	[sflag:s14] =	ssyncset.done $0x0  }
0x26: {  	s19 =	simm.s32 $0x0;
	[sflag:s14] =	ssyncadd.s32 $0xFFFFD880  }
0x27: {  	[tilespmem:s19], [sflag:$0x2] =	stream.linear.gather [hbm4b:s9+s19], $0x1400, $0x38;
	[tilespmem:$0x1F400] =	vst v63  }
0x28: {  	_ =	swait.ge [sflag:s14], $0x1400  }
0x29: {  	[sflag:s14] =	ssyncset.done $0x0  }
0x2a: {  	[sflag:s14] =	ssyncadd.s32 $0xFFFFEC00  }
0x2b: {  	[tilespmem:s15], [sflag:$0x2] =	stream.linear.gather [hbm4b:s10+s19], $0x1400, $0x38;
	[tilespmem:$0x1F400] =	vst v63  }
0x2c: {  	_ =	swait.ge [sflag:s14], $0x1400  }
0x2d: {  	[sflag:s14] =	ssyncset.done $0x0  }
0x2e: {  	[sflag:s14] =	ssyncadd.s32 $0xFFFFEC00  }
0x2f: {  	s30 =	simm.s32 $0x0;
	[bflag:$0x0] =	sbarrier.arrive $0xFFFF  }
0x30: {  	[tilespmem:s17], [sflag:$0x1] =	stream.indirect.gather [hbm4b:s4+s16], $0x80, s30, s16, $0xb8;
	[tilespmem:$0x1F400] =	vst v63  }
0x31: {  	_ =	swait.ge [sflag:s18], $0x4000  }
0x32: {  	[sflag:s18] =	ssyncset.done $0x0  }
0x33: {  	s31 =	simm.s32 $0x3C00;
	[sflag:s18] =	ssyncadd.s32 $0xFFFFC000  }
0x34: {  	[spmem:s1] =	stream.indirect.scatter.add.f32 [tilespmem:s17], [sflag:$0x2], $0x80, s31, s16, $0xb8;
	[tilespmem:$0x1F400] =	vst v63  }
0x35: {  	_ =	swait.ge [sflag:s14], $0x4000  }
0x36: {  	s20 =	simm.s32 $0x400;
	s19 =	simm.s32 $0x200;
	[sflag:s14] =	ssyncset.done $0x0  }
.LBB2_6:
0x37: {  	s21 =	sshra.s32 s19, $0x2  }
0x38: {  	[sflag:s14] =	ssyncadd.s32 $0xFFFFC000;
	s19 =	smov.u32 s20;
	s22 =	sadd.s32 $0x200, s20  }
0x39: {  	[tilespmem:s17], [sflag:$0x1] =	stream.indirect.gather [hbm4b:s4+s16], $0x80, s21, s16, $0xb8;
	[tilespmem:$0x1F400] =	vst v63  }
0x3a: {  	p1 =	sne.s32 s20, $0x4E00;
	_ =	swait.ge [sflag:s18], $0x4000  }
.Ltmp3:
0x3b: {  	[sflag:s18] =	ssyncset.done $0x0;
	(pc) =	sbr.rel @p1 .LBB2_6-.Ltmp3, $4  }
0x3c: {  	s20 =	sadd.s32 $0x3C00, s21;
	[sflag:s18] =	ssyncadd.s32 $0xFFFFC000  }
0x3d: {  	[spmem:s1] =	stream.indirect.scatter.add.f32 [tilespmem:s17], [sflag:$0x2], $0x80, s20, s16, $0xb8;
	[tilespmem:$0x1F400] =	vst v63  }
0x3e: {  	_ =	swait.ge [sflag:s14], $0x4000  }
0x3f: {  	s20 =	smov.u32 s22;
	[sflag:s14] =	ssyncset.done $0x0  }
.Ltmp4:
0x40: {  	_ = 	snop;
	(pc) =	sbr.rel .LBB2_7-.Ltmp4, $1  }
0x41: {  	_ =	sdelay $0x3  }
.LBB2_2:
0x42: {  	[tilespmem:s19], [sflag:$0x2] =	stream.linear.gather [hbm4b:s7+s19], $0x3C00, $0x38;
	[tilespmem:$0x1F400] =	vst v63  }
0x43: {  	_ =	swait.ge [sflag:s14], $0x3C00  }
0x44: {  	[sflag:s14] =	ssyncset.done $0x0  }
0x45: {  	[sflag:s14] =	ssyncadd.s32 $0xFFFFC400  }
0x46: {  	[tilespmem:s15], [sflag:$0x2] =	stream.linear.gather [hbm4b:s8+s19], $0x3C00, $0x38;
	[tilespmem:$0x1F400] =	vst v63  }
0x47: {  	_ =	swait.ge [sflag:s14], $0x3C00  }
0x48: {  	[sflag:s14] =	ssyncset.done $0x0  }
0x49: {  	[sflag:s14] =	ssyncadd.s32 $0xFFFFC400  }
0x4a: {  	s30 =	simm.s32 $0x0;
	[bflag:$0x0] =	sbarrier.arrive $0xFFFF  }
0x4b: {  	[tilespmem:s17], [sflag:$0x1] =	stream.indirect.gather [hbm4b:s4+s16], $0x80, s30, s16, $0xb8;
	[tilespmem:$0x1F400] =	vst v63  }
0x4c: {  	_ =	swait.ge [sflag:s18], $0x4000  }
0x4d: {  	[sflag:s18] =	ssyncset.done $0x0  }
0x4e: {  	s31 =	simm.s32 $0x3C00;
	[sflag:s18] =	ssyncadd.s32 $0xFFFFC000  }
0x4f: {  	[spmem:s1] =	stream.indirect.scatter.add.f32 [tilespmem:s17], [sflag:$0x2], $0x80, s31, s16, $0xb8;
	[tilespmem:$0x1F400] =	vst v63  }
0x50: {  	_ =	swait.ge [sflag:s14], $0x4000  }
0x51: {  	s20 =	simm.s32 $0x400;
	s19 =	simm.s32 $0x200;
	[sflag:s14] =	ssyncset.done $0x0  }
.LBB2_3:
0x52: {  	s21 =	sshra.s32 s19, $0x2  }
0x53: {  	[sflag:s14] =	ssyncadd.s32 $0xFFFFC000;
	s19 =	smov.u32 s20;
	s22 =	sadd.s32 $0x200, s20  }
0x54: {  	[tilespmem:s17], [sflag:$0x1] =	stream.indirect.gather [hbm4b:s4+s16], $0x80, s21, s16, $0xb8;
	[tilespmem:$0x1F400] =	vst v63  }
0x55: {  	p1 =	seq.s32 s20, $0xEE00;
	_ =	swait.ge [sflag:s18], $0x4000  }
.Ltmp5:
0x56: {  	[sflag:s18] =	ssyncset.done $0x0;
	(pc) =	sbr.rel @!p1 .LBB2_3-.Ltmp5, $4  }
0x57: {  	s20 =	sadd.s32 $0x3C00, s21;
	[sflag:s18] =	ssyncadd.s32 $0xFFFFC000  }
0x58: {  	[spmem:s1] =	stream.indirect.scatter.add.f32 [tilespmem:s17], [sflag:$0x2], $0x80, s20, s16, $0xb8;
	[tilespmem:$0x1F400] =	vst v63  }
0x59: {  	_ =	swait.ge [sflag:s14], $0x4000  }
0x5a: {  	s20 =	smov.u32 s22;
	[sflag:s14] =	ssyncset.done $0x0  }
0x5b: {  	s19 =	sshra.s32 s19, $0x2;
	[sflag:s14] =	ssyncadd.s32 $0xFFFFC000  }
0x5c: {  	[tilespmem:s17], [sflag:$0x1] =	stream.indirect.gather [hbm4b:s4+s16], $0x80, s19, s16, $0xb8;
	[tilespmem:$0x1F400] =	vst v63  }
0x5d: {  	_ =	swait.ge [sflag:s18], $0x4000  }
0x5e: {  	[sflag:s18] =	ssyncset.done $0x0  }
.Ltmp6:
0x5f: {  	s19 =	sadd.s32 $0x3C00, s19;
	[sflag:s18] =	ssyncadd.s32 $0xFFFFC000;
	(pc) =	sbr.rel .LBB2_8-.Ltmp6, $4  }
0x60: {  	[spmem:s1] =	stream.indirect.scatter.add.f32 [tilespmem:s17], [sflag:$0x2], $0x80, s19, s16, $0xb8;
	[tilespmem:$0x1F400] =	vst v63  }
0x61: {  	_ =	swait.ge [sflag:s14], $0x4000  }
0x62: {  	[sflag:s14] =	ssyncset.done $0x0  }
0x63: {  	[sflag:s14] =	ssyncadd.s32 $0xFFFFC000  }
.LBB2_9:
0x64: {  	_ =	sfence.sel $0x180000  }
0x65: {  	[bflag:$0x0] =	sbarrier.arrive $0xFFFF  }
0x66: {  	p0 =	sne.s32 s2, $0x0;
	_ =	strace $0x9000004A  }
0x67: {  	s0 =	sadd.s32 @!p0 $0x100000, s0;
	[bflag:$0x2] =	sbarrier.arrive $0xFFFF  }
0x68: {  	[sflag:s0] =	ssyncadd.tile.s32 @!p0 $0x1;
	_ =	shalt  }
.Lfunc_end2:
_tile_overlayer_lowered:
.L_overlay_start_2:
0x69: {  	(tag) =	ssettag $0x2  }
0x6a: {  	s0 =	rddreg [dreg:$0x0];
	s2 =	stileid.u32  }
0x6b: {  	s1 =	rddreg [dreg:$0x1];
	p0 =	sne.s32 s2, $0x0  }
0x6c: {  	s3 =	rddreg [dreg:$0x2];
	[bflag:$0x3] =	sbarrier.arrive $0xFFFF;
	s2 =	simm.s32 @!p0 $0x1C02  }
0x6d: {  	[timem:s3], [sflag:s2] =	dma.local @!p0 [hbm:s0], s1  }
0x6e: {  	s0 =	simm.s32 @!p0 $0x2  }
0x6f: {  	_ =	swait.ge @!p0 [sflag:s0], s1  }
0x70: {  	s1 =	ssub.s32 @!p0 $0x0, s1;
	[sflag:s0] =	ssyncset.done @!p0 $0x0  }
0x71: {  	[sflag:s0] =	ssyncadd.s32 @!p0 s1  }
0x72: {  	[bflag:$0x3] =	sbarrier.arrive $0xFFFF  }
0x73: {  	_ =	shalt  }

// kernel: kernel.20.cloned.1.call-start
scs
__scs_entry_jumppad:
0x0: {  	(pc) =	sbr.rel $0x88, $3  }
0x1: {  	(tag) =	ssettag $0x0;
	lr =	simm.s32 $0x1  }
0x2: {  	[smem:$0x3F95] =	sst lr;
	_ =	strace $0xD0000000  }
0x3: {  	_ = 	snop  }
0x4: {  	_ = 	snop  }
0x5: {  	_ = 	snop  }
0x6: {  	_ = 	snop  }
0x7: {  	_ = 	snop  }
__scs_overlays_trampoline_lowered:
0x8: {  	[smem:$0x3FA4] =	sst s0  }
0x9: {  	[smem:$0x3FA5] =	sst s1  }
0xa: {  	[smem:$0x3FA6] =	sst s2  }
0xb: {  	[smem:$0x3FA7] =	sst s3  }
0xc: {  	[smem:$0x3FA8] =	sst s4  }
0xd: {  	[smem:$0x3FA9] =	sst s5  }
0xe: {  	[smem:$0x3FAA] =	sst s6  }
0xf: {  	[smem:$0x3FAB] =	sst s7  }
0x10: {  	[smem:$0x3FAC] =	sst s8  }
0x11: {  	[smem:$0x3FAD] =	sst s9;
	s0 =	simm.s32 @!p0 $0x0  }
0x12: {  	s1 =	sld [smem:$0x3F93];
	s0 =	simm.s32 @p0 $0x1  }
0x13: {  	[smem:$0x3FAE] =	sst s0;
	s0 =	simm.s32 @!p1 $0x0  }
0x14: {  	s2 =	sld [smem:$0x3F92];
	s0 =	simm.s32 @p1 $0x1  }
0x15: {  	[smem:$0x3FAF] =	sst s0;
	s0 =	simm.s32 @!p2 $0x0  }
0x16: {  	s3 =	sld [smem:$0x3FDB];
	s0 =	simm.s32 @p2 $0x1  }
0x17: {  	s4 =	simm.s32 $0x1BF5;
	[smem:$0x3FB1] =	sst s0  }
0x18: {  	s0 =	sld [smem:$0x3F94];
	_ =	swait.ge [sflag:s4], $0x0  }
0x19: {  	s7 =	sld [smem:$0x3F95]  }
0x1a: {  	s8 =	sadd.s32 $0xFFFFE003, lr  }
0x1b: {  	s9 =	sadd.s32 $0xFFFFFEF7, lr;
	s5 =	simm.s32 $0xFFFFFFFF;
	p2 =	slt.u32 s8, $0xFFFFF086  }
0x1c: {  	p1 =	slt.u32 s9, $0xF7A;
	s5 =	simm.s32 @!p2 $0x0  }
0x1d: {  	s5 =	simm.s32 @p1 $0x1;
	p0 =	seq.s32 s7, s2  }
0x1e: {  	s7 =	smul.u32 @!p0 $0xF7A, s2;
	p2 =	seq.s32 @!p0 s5, $0x0  }
0x1f: {  	s9 =	smul.u32 $0xF7A, s1;
	s8 =	simm.s32 @!p0 $0x1BF5;
	p2 =	por !p2, p0  }
0x20: {  	[sflag:s8] =	ssyncset.s32 @!p0 $0xFFFFF086;
	s6 =	sadd.s32 @!p0 s3, s7;
	s7 =	simm.s32 @!p0 $0x108  }
0x21: {  	s3 =	sadd.s32 s3, s9;
	s6 =	sadd.s32 @!p0 $0x88, s6;
	s7 =	simm.s32 @p2 $0x1082  }
0x22: {  	[simem:s7], [sflag:s8] =	dma.local @!p0 [hbm:s6], $0xF7A  }
0x23: {  	s9 =	sor.u32 $0xD0000000, s2;
	s6 =	simm.s32 $0x108;
	_ =	swait.ge @!p0 [sflag:s8], $0x0  }
0x24: {  	s3 =	sadd.s32 $0x88, s3;
	s6 =	simm.s32 @!p1 $0x1082;
	[sflag:s4] =	ssyncset.s32 $0xFFFFF086  }
0x25: {  	[simem:s6], [sflag:s4] =	dma.local [hbm:s3], $0xF7A  }
0x26: {  	[smem:$0x3F95] =	sst s1;
	(tag) =	ssettag s2;
	_ =	strace s9  }
0x27: {  	s1 =	sld [smem:$0x3FA5]  }
0x28: {  	s2 =	sld [smem:$0x3FA6]  }
0x29: {  	s4 =	sld [smem:$0x3FA8]  }
0x2a: {  	p0 =	seq.s32 s5, $0x0;
	s5 =	sld [smem:$0x3FA9]  }
0x2b: {  	s6 =	sld [smem:$0x3FAA]  }
0x2c: {  	s7 =	sld [smem:$0x3FAB]  }
0x2d: {  	s3 =	simm.s32 $0x108;
	s8 =	sld [smem:$0x3FAC]  }
0x2e: {  	s3 =	simm.s32 @!p0 $0x1082;
	s9 =	sld [smem:$0x3FAD]  }
0x2f: {  	lr =	sadd.s32 s0, s3;
	s0 =	sld [smem:$0x3FA4]  }
0x30: {  	s3 =	sld [smem:$0x3FA7]  }
0x31: {  	[smem:$0x3FB0] =	sst s10  }
0x32: {  	s10 =	sld [smem:$0x3FAE];
	_ =	sdelay $0x3  }
0x33: {  	p0 =	seq.s32 s10, $0x1;
	s10 =	sld [smem:$0x3FB0];
	_ =	sdelay $0x3  }
0x34: {  	[smem:$0x3FB0] =	sst s10  }
0x35: {  	s10 =	sld [smem:$0x3FAF];
	_ =	sdelay $0x3  }
0x36: {  	p1 =	seq.s32 s10, $0x1;
	s10 =	sld [smem:$0x3FB0];
	_ =	sdelay $0x3  }
0x37: {  	[smem:$0x3FB0] =	sst s10  }
0x38: {  	s10 =	sld [smem:$0x3FB1]  }
0x39: {  	_ = 	snop;
	(pc) =	sbr.ind lr, $3  }
0x3a: {  	_ = 	snop  }
0x3b: {  	_ = 	snop  }
0x3c: {  	p2 =	seq.s32 s10, $0x1;
	s10 =	sld [smem:$0x3FB0]  }
0x3d: {  	_ =	shalt  }
0x3e: {  	_ =	shalt  }
0x3f: {  	_ =	shalt  }
0x40: {  	_ =	shalt  }
0x41: {  	_ =	shalt  }
0x42: {  	_ =	shalt  }
0x43: {  	_ =	shalt  }
0x44: {  	_ =	shalt  }
0x45: {  	_ =	shalt  }
0x46: {  	_ =	shalt  }
0x47: {  	_ =	shalt  }
0x48: {  	_ =	shalt  }
0x49: {  	_ =	shalt  }
0x4a: {  	_ =	shalt  }
0x4b: {  	_ =	shalt  }
0x4c: {  	_ =	shalt  }
0x4d: {  	_ =	shalt  }
0x4e: {  	_ =	shalt  }
0x4f: {  	_ =	shalt  }
0x50: {  	_ =	shalt  }
0x51: {  	_ =	shalt  }
0x52: {  	_ =	shalt  }
0x53: {  	_ =	shalt  }
0x54: {  	_ =	shalt  }
0x55: {  	_ =	shalt  }
0x56: {  	_ =	shalt  }
0x57: {  	_ =	shalt  }
0x58: {  	_ =	shalt  }
0x59: {  	_ =	shalt  }
0x5a: {  	_ =	shalt  }
0x5b: {  	_ =	shalt  }
0x5c: {  	_ =	shalt  }
0x5d: {  	_ =	shalt  }
0x5e: {  	_ =	shalt  }
0x5f: {  	_ =	shalt  }
0x60: {  	_ =	shalt  }
0x61: {  	_ =	shalt  }
0x62: {  	_ =	shalt  }
0x63: {  	_ =	shalt  }
0x64: {  	_ =	shalt  }
0x65: {  	_ =	shalt  }
0x66: {  	_ =	shalt  }
0x67: {  	_ =	shalt  }
0x68: {  	_ =	shalt  }
0x69: {  	_ =	shalt  }
0x6a: {  	_ =	shalt  }
0x6b: {  	_ =	shalt  }
0x6c: {  	_ =	shalt  }
0x6d: {  	_ =	shalt  }
0x6e: {  	_ =	shalt  }
0x6f: {  	_ =	shalt  }
0x70: {  	_ =	shalt  }
0x71: {  	_ =	shalt  }
0x72: {  	_ =	shalt  }
0x73: {  	_ =	shalt  }
0x74: {  	_ =	shalt  }
0x75: {  	_ =	shalt  }
0x76: {  	_ =	shalt  }
0x77: {  	_ =	shalt  }
0x78: {  	_ =	shalt  }
0x79: {  	_ =	shalt  }
0x7a: {  	_ =	shalt  }
0x7b: {  	_ =	shalt  }
0x7c: {  	_ =	shalt  }
0x7d: {  	_ =	shalt  }
0x7e: {  	_ =	shalt  }
0x7f: {  	_ =	shalt  }
0x80: {  	_ =	shalt  }
0x81: {  	_ =	shalt  }
0x82: {  	_ =	shalt  }
0x83: {  	_ =	shalt  }
0x84: {  	_ =	shalt  }
0x85: {  	_ =	shalt  }
0x86: {  	_ =	shalt  }
0x87: {  	_ =	shalt  }
.Lfunc_end0:
.L_simem_size_0:
called_computation.2_lowered:
.L_overlay_start_0:
0x88: {  	s2 =	sld [smem:$0x3FD9]  }
0x89: {  	s3 =	sld [smem:$0x3FFE];
	_ =	sdelay $0x1  }
0x8a: {  	s1 =	srdreg.scid  }
0x8b: {  	s0 =	sand.u32 $0x1, s1  }
0x8c: {  	s17 =	sshll.u32 s0, $0xA;
	s2 =	sadd.s32 s3, s2  }
0x8d: {  	s2 =	sadd.s32 s2, s17  }
0x8e: {  	[smem:$0x3FBC] =	sst s2  }
0x8f: {  	_ = 	snop  }
0x90: {  	s2 =	sld [smem:$0x3FD0];
	(tm) =	ssettm $0x1  }
0x91: {  	s18 =	sld [smem:$0x3FFB];
	_ =	sdelay $0x3  }
0x92: {  	_ =	strace s18  }
0x93: {  	s3 =	sld [smem:$0x3FFC];
	_ =	sdelay $0x3  }
0x94: {  	_ =	strace s3  }
0x95: {  	s3 =	sld [smem:$0x3FFD];
	_ =	sdelay $0x3  }
0x96: {  	_ =	strace s3  }
0x97: {  	_ =	strace $0x8FFFFFFF  }
0x98: {  	s19 =	sld [smem:$0x3FDB];
	_ =	sdelay $0x1  }
0x99: {  	s4 =	simm.s32 $_scs_section_size  }
0x9a: {  	s5 =	simm.s32 $_size__tile_overlayer_lowered;
	s6 =	simm.s32 $_tile_overlayer_lowered  }
0x9b: {  	s22 =	simm.s32 $0x1BFF;
	s21 =	sshll.u32 s6, $0x1;
	s3 =	sadd.s32 s4, s19  }
0x9c: {  	s7 =	simm.s32 $0x0;
	s20 =	sshll.u32 s5, $0x1;
	s5 =	sadd.s32 s21, s3  }
0x9d: {  	[timem:s7], [sflag:s22] =	dma.local [hbm:s5], s20  }
0x9e: {  	_ =	swait.ge [sflag:s22], s20  }
0x9f: {  	s4 =	ssub.s32 $0x0, s20;
	[sflag:s22] =	ssyncset.done $0x0  }
0xa0: {  	[sflag:s22] =	ssyncadd.s32 s4;
	_ =	sdelay $0x1  }
0xa1: {  	s23 =	simm.s32 $0x1B8B  }
0xa2: {  	_ =	swait.ge [sflag:s23], $0x1  }
0xa3: {  	[sflag:s23] =	ssyncset.done $0x0  }
0xa4: {  	s25 =	simm.s32 $0x1B8E;
	s24 =	sld [smem:$0x3FFE];
	[sflag:s23] =	ssyncadd.s32 $0xFFFFFFFF  }
0xa5: {  	s26 =	simm.s32 $execute0_lowered;
	[smem:$0x3FD2] =	sst s25  }
0xa6: {  	s5 =	sshll.u32 s26, $0x1;
	_ =	strace $0x8000004C;
	[dreg:$0x1] =	wrdreg $0xFFFFFFFF  }
0xa7: {  	s28 =	simm.s32 $_size_execute0_lowered;
	s3 =	sadd.s32 s3, s5;
	[dreg:$0x0] =	wrdreg $0x0  }
0xa8: {  	s5 =	sshll.u32 s28, $0x1;
	[dreg:$0x2] =	wrdreg s3  }
0xa9: {  	[dreg:$0x3] =	wrdreg s5  }
0xaa: {  	[dreg:$0x4] =	wrdreg $0xC0  }
0xab: {  	_ =	task [dreg:s7], $0x5FFFF  }
0xac: {  	[dreg:$0x1] =	wrdreg $0xFFFFFFFF  }
0xad: {  	[dreg:$0x0] =	wrdreg $0x60  }
0xae: {  	[dreg:$0x2] =	wrdreg s24  }
0xaf: {  	[dreg:$0x3] =	wrdreg s2  }
0xb0: {  	[dreg:$0x4] =	wrdreg $0xB8000  }
0xb1: {  	[dreg:$0x5] =	wrdreg $0x9  }
0xb2: {  	_ =	task.clear_ibuf [dreg:s7], $0x6FFFF;
	_ =	strace $0x9000004C  }
0xb3: {  	s29 =	simm.s32 $0x9;
	_ =	strace $0x8000004E  }
0xb4: {  	_ =	swait.ge [sflag:s29], $0x1  }
0xb5: {  	[sflag:s29] =	ssyncadd.s32 $0xFFFFFFFF  }
0xb6: {  	_ =	strace $0x9000004E  }
0xb7: {  	_ =	sfence  }
0xb8: {  	s30 =	sld [smem:$0x0];
	_ =	sdelay $0x2  }
0xb9: {  	s31 =	sshll.u32 s1, $0xD;
	s1 =	sshrl.u32 s1, $0x2  }
0xba: {  	s3 =	sand.u32 $0x4000, s31;
	s1 =	sadd.s32 s1, s30  }
0xbb: {  	s0 =	sor.u32 s3, s0;
	s1 =	sshll.u32 s1, $0x11  }
0xbc: {  	s0 =	sor.u32 s1, s0  }
0xbd: {  	s0 =	sadd.s32 $0x8F2B, s0  }
0xbe: {  	[sflag:s0] =	ssyncadd.remote.s32 $0x1  }
0xbf: {  	_ =	sfence.sel $0xFFFF  }
0xc0: {  	[dreg:$0x0] =	wrdreg $0xFFFFFFFF;
	(pc) =	sbr.abs _section_cstart, $3  }
0xc1: {  	[dreg:$0x1] =	wrdreg $0xFFFFFFFF  }
0xc2: {  	_ =	task.clear_ibuf [dreg:s7], $0x2FFFF;
	_ =	strace $0x9FFFFFFF  }
0xc3: {  	(tm) =	ssettm $0x7FFFFFFF  }
tec
execute0_lowered:
.L_overlay_start_1:
0x0: {  	(tag) =	ssettag $0x1  }
0x1: {  	s6 =	rddreg [dreg:$0x0]  }
0x2: {  	s9 =	rddreg [dreg:$0x1]  }
0x3: {  	s1 =	rddreg [dreg:$0x2]  }
0x4: {  	s2 =	srdreg.scid;
	s0 =	rddreg [dreg:$0x3]  }
0x5: {  	s3 =	simm.s32 $0x0;
	s16 =	simm.s32 $0x80;
	s7 =	sand.u32 $0x1, s2  }
0x6: {  	s17 =	simm.s32 $0x7800;
	s2 =	stileid.u32;
	s5 =	smul.u32 $0x13C000, s7  }
0x7: {  	s18 =	simm.s32 $0x1;
	[smem:$0x7FF] =	sst s3;
	s8 =	smul.u32 $0x13C00, s2  }
0x8: {  	s4 =	sadd.s32 $0x36C00, s6;
	s10 =	sadd.s32 $0x5A00, s6;
	s11 =	smul.u32 $0x4F000, s2  }
0x9: {  	_ =	strace $0x8000004D;
	s12 =	ssub.s32 $0x2, s7;
	s14 =	smul.u32 $0x1400, s2  }
0xa: {  	s29 =	sshll.u32 s2, $0x6;
	s30 =	smul.u32 $0x780, s2;
	p0 =	seq.s32 s7, $0x1  }
0xb: {  	s13 =	sshrl.u32 s12, $0x1;
	s8 =	sadd.s32 s8, s5;
	s5 =	sadd.s32 $0x85000, s6  }
0xc: {  	s11 =	sshrl.u32 s11, $0x2;
	s12 =	ssub.s32 s12, s13;
	s31 =	sshrl.u32 s14, $0x3  }
.Ltmp0:
0xd: {  	s7 =	sadd.s32 s9, s30;
	s14 =	simm.s32 $0x2;
	(pc) =	sbr.rel .LBB2_1-.Ltmp0, $4  }
0xe: {  	s8 =	sshrl.u32 s8, $0x3;
	s28 =	sadd.s32 s11, s1;
	s11 =	sadd.s32 $0x7800, s31  }
0xf: {  	s12 =	smax.u32 s12, $0x1;
	s15 =	sadd.s32 s8, s6;
	s6 =	sor.u32 $0x1C02, s29  }
0x10: {  	s8 =	sadd.s32 s10, s30;
	s9 =	sadd.s32 s9, s11;
	s10 =	sadd.s32 s10, s11  }
0x11: {  	s13 =	sshrl.u32 s28, $0x3;
	s11 =	sadd.s32 $0x87800, s15;
	s15 =	simm.s32 $0x3C00  }
.LBB2_7:
0x12: {  	s19 =	sshra.s32 s19, $0x2;
	[sflag:s14] =	ssyncadd.s32 $0xFFFFC000  }
0x13: {  	[tilespmem:s17], [sflag:$0x1] =	stream.indirect.gather [hbm4b:s4+s16], $0x80, s19, s16, $0xb8;
	[tilespmem:$0x1F400] =	vst v63  }
0x14: {  	_ =	swait.ge [sflag:s18], $0x4000  }
0x15: {  	[sflag:s18] =	ssyncset.done $0x0  }
0x16: {  	s19 =	sadd.s32 $0x3C00, s19;
	[sflag:s18] =	ssyncadd.s32 $0xFFFFC000  }
0x17: {  	[spmem:s1] =	stream.indirect.scatter.add.f32 [tilespmem:s17], [sflag:$0x2], $0x80, s19, s16, $0xb8;
	[tilespmem:$0x1F400] =	vst v63  }
0x18: {  	_ =	swait.ge [sflag:s14], $0x4000  }
0x19: {  	[sflag:s14] =	ssyncset.done $0x0  }
0x1a: {  	[sflag:s14] =	ssyncadd.s32 $0xFFFFC000  }
.LBB2_8:
0x1b: {  	s3 =	sadd.s32 $0x1, s3  }
0x1c: {  	p1 =	sne.s32 s3, s12  }
.Ltmp1:
0x1d: {  	[bflag:$0x0] =	sbarrier.arrive $0xFFFF;
	(pc) =	sbr.rel @!p1 .LBB2_9-.Ltmp1, $4  }
0x1e: {  	[hbm:s11], [sflag:s6] =	dma.local [spmem:s13], $0x2780  }
0x1f: {  	_ =	swait.ge [sflag:s14], $0x2780  }
0x20: {  	[sflag:s14] =	ssyncset.done $0x0  }
0x21: {  	[sflag:s14] =	ssyncadd.s32 $0xFFFFD880  }
.LBB2_1:
.Ltmp2:
0x22: {  	(pc) =	sbr.rel @!p0 .LBB2_2-.Ltmp2, $4  }
0x23: {  	[spmem:s13], [sflag:s6] =	dma.local [hbm:s5], $0x2780  }
0x24: {  	_ =	swait.ge [sflag:s14], $0x2780  }
0x25: {  	[sflag:s14] =	ssyncset.done $0x0  }
0x26: {  	s19 =	simm.s32 $0x0;
	[sflag:s14] =	ssyncadd.s32 $0xFFFFD880  }
0x27: {  	[tilespmem:s19], [sflag:$0x2] =	stream.linear.gather [hbm4b:s9+s19], $0x1400, $0x38;
	[tilespmem:$0x1F400] =	vst v63  }
0x28: {  	_ =	swait.ge [sflag:s14], $0x1400  }
0x29: {  	[sflag:s14] =	ssyncset.done $0x0  }
0x2a: {  	[sflag:s14] =	ssyncadd.s32 $0xFFFFEC00  }
0x2b: {  	[tilespmem:s15], [sflag:$0x2] =	stream.linear.gather [hbm4b:s10+s19], $0x1400, $0x38;
	[tilespmem:$0x1F400] =	vst v63  }
0x2c: {  	_ =	swait.ge [sflag:s14], $0x1400  }
0x2d: {  	[sflag:s14] =	ssyncset.done $0x0  }
0x2e: {  	[sflag:s14] =	ssyncadd.s32 $0xFFFFEC00  }
0x2f: {  	s30 =	simm.s32 $0x0;
	[bflag:$0x0] =	sbarrier.arrive $0xFFFF  }
0x30: {  	[tilespmem:s17], [sflag:$0x1] =	stream.indirect.gather [hbm4b:s4+s16], $0x80, s30, s16, $0xb8;
	[tilespmem:$0x1F400] =	vst v63  }
0x31: {  	_ =	swait.ge [sflag:s18], $0x4000  }
0x32: {  	[sflag:s18] =	ssyncset.done $0x0  }
0x33: {  	s31 =	simm.s32 $0x3C00;
	[sflag:s18] =	ssyncadd.s32 $0xFFFFC000  }
0x34: {  	[spmem:s1] =	stream.indirect.scatter.add.f32 [tilespmem:s17], [sflag:$0x2], $0x80, s31, s16, $0xb8;
	[tilespmem:$0x1F400] =	vst v63  }
0x35: {  	_ =	swait.ge [sflag:s14], $0x4000  }
0x36: {  	s20 =	simm.s32 $0x400;
	s19 =	simm.s32 $0x200;
	[sflag:s14] =	ssyncset.done $0x0  }
.LBB2_6:
0x37: {  	s21 =	sshra.s32 s19, $0x2  }
0x38: {  	[sflag:s14] =	ssyncadd.s32 $0xFFFFC000;
	s19 =	smov.u32 s20;
	s22 =	sadd.s32 $0x200, s20  }
0x39: {  	[tilespmem:s17], [sflag:$0x1] =	stream.indirect.gather [hbm4b:s4+s16], $0x80, s21, s16, $0xb8;
	[tilespmem:$0x1F400] =	vst v63  }
0x3a: {  	p1 =	sne.s32 s20, $0x4E00;
	_ =	swait.ge [sflag:s18], $0x4000  }
.Ltmp3:
0x3b: {  	[sflag:s18] =	ssyncset.done $0x0;
	(pc) =	sbr.rel @p1 .LBB2_6-.Ltmp3, $4  }
0x3c: {  	s20 =	sadd.s32 $0x3C00, s21;
	[sflag:s18] =	ssyncadd.s32 $0xFFFFC000  }
0x3d: {  	[spmem:s1] =	stream.indirect.scatter.add.f32 [tilespmem:s17], [sflag:$0x2], $0x80, s20, s16, $0xb8;
	[tilespmem:$0x1F400] =	vst v63  }
0x3e: {  	_ =	swait.ge [sflag:s14], $0x4000  }
0x3f: {  	s20 =	smov.u32 s22;
	[sflag:s14] =	ssyncset.done $0x0  }
.Ltmp4:
0x40: {  	_ = 	snop;
	(pc) =	sbr.rel .LBB2_7-.Ltmp4, $1  }
0x41: {  	_ =	sdelay $0x3  }
.LBB2_2:
0x42: {  	[tilespmem:s19], [sflag:$0x2] =	stream.linear.gather [hbm4b:s7+s19], $0x3C00, $0x38;
	[tilespmem:$0x1F400] =	vst v63  }
0x43: {  	_ =	swait.ge [sflag:s14], $0x3C00  }
0x44: {  	[sflag:s14] =	ssyncset.done $0x0  }
0x45: {  	[sflag:s14] =	ssyncadd.s32 $0xFFFFC400  }
0x46: {  	[tilespmem:s15], [sflag:$0x2] =	stream.linear.gather [hbm4b:s8+s19], $0x3C00, $0x38;
	[tilespmem:$0x1F400] =	vst v63  }
0x47: {  	_ =	swait.ge [sflag:s14], $0x3C00  }
0x48: {  	[sflag:s14] =	ssyncset.done $0x0  }
0x49: {  	[sflag:s14] =	ssyncadd.s32 $0xFFFFC400  }
0x4a: {  	s30 =	simm.s32 $0x0;
	[bflag:$0x0] =	sbarrier.arrive $0xFFFF  }
0x4b: {  	[tilespmem:s17], [sflag:$0x1] =	stream.indirect.gather [hbm4b:s4+s16], $0x80, s30, s16, $0xb8;
	[tilespmem:$0x1F400] =	vst v63  }
0x4c: {  	_ =	swait.ge [sflag:s18], $0x4000  }
0x4d: {  	[sflag:s18] =	ssyncset.done $0x0  }
0x4e: {  	s31 =	simm.s32 $0x3C00;
	[sflag:s18] =	ssyncadd.s32 $0xFFFFC000  }
0x4f: {  	[spmem:s1] =	stream.indirect.scatter.add.f32 [tilespmem:s17], [sflag:$0x2], $0x80, s31, s16, $0xb8;
	[tilespmem:$0x1F400] =	vst v63  }
0x50: {  	_ =	swait.ge [sflag:s14], $0x4000  }
0x51: {  	s20 =	simm.s32 $0x400;
	s19 =	simm.s32 $0x200;
	[sflag:s14] =	ssyncset.done $0x0  }
.LBB2_3:
0x52: {  	s21 =	sshra.s32 s19, $0x2  }
0x53: {  	[sflag:s14] =	ssyncadd.s32 $0xFFFFC000;
	s19 =	smov.u32 s20;
	s22 =	sadd.s32 $0x200, s20  }
0x54: {  	[tilespmem:s17], [sflag:$0x1] =	stream.indirect.gather [hbm4b:s4+s16], $0x80, s21, s16, $0xb8;
	[tilespmem:$0x1F400] =	vst v63  }
0x55: {  	p1 =	seq.s32 s20, $0xEE00;
	_ =	swait.ge [sflag:s18], $0x4000  }
.Ltmp5:
0x56: {  	[sflag:s18] =	ssyncset.done $0x0;
	(pc) =	sbr.rel @!p1 .LBB2_3-.Ltmp5, $4  }
0x57: {  	s20 =	sadd.s32 $0x3C00, s21;
	[sflag:s18] =	ssyncadd.s32 $0xFFFFC000  }
0x58: {  	[spmem:s1] =	stream.indirect.scatter.add.f32 [tilespmem:s17], [sflag:$0x2], $0x80, s20, s16, $0xb8;
	[tilespmem:$0x1F400] =	vst v63  }
0x59: {  	_ =	swait.ge [sflag:s14], $0x4000  }
0x5a: {  	s20 =	smov.u32 s22;
	[sflag:s14] =	ssyncset.done $0x0  }
0x5b: {  	s19 =	sshra.s32 s19, $0x2;
	[sflag:s14] =	ssyncadd.s32 $0xFFFFC000  }
0x5c: {  	[tilespmem:s17], [sflag:$0x1] =	stream.indirect.gather [hbm4b:s4+s16], $0x80, s19, s16, $0xb8;
	[tilespmem:$0x1F400] =	vst v63  }
0x5d: {  	_ =	swait.ge [sflag:s18], $0x4000  }
0x5e: {  	[sflag:s18] =	ssyncset.done $0x0  }
.Ltmp6:
0x5f: {  	s19 =	sadd.s32 $0x3C00, s19;
	[sflag:s18] =	ssyncadd.s32 $0xFFFFC000;
	(pc) =	sbr.rel .LBB2_8-.Ltmp6, $4  }
0x60: {  	[spmem:s1] =	stream.indirect.scatter.add.f32 [tilespmem:s17], [sflag:$0x2], $0x80, s19, s16, $0xb8;
	[tilespmem:$0x1F400] =	vst v63  }
0x61: {  	_ =	swait.ge [sflag:s14], $0x4000  }
0x62: {  	[sflag:s14] =	ssyncset.done $0x0  }
0x63: {  	[sflag:s14] =	ssyncadd.s32 $0xFFFFC000  }
.LBB2_9:
0x64: {  	_ =	sfence.sel $0x180000  }
0x65: {  	[bflag:$0x0] =	sbarrier.arrive $0xFFFF  }
0x66: {  	p0 =	sne.s32 s2, $0x0;
	_ =	strace $0x9000004D  }
0x67: {  	s0 =	sadd.s32 @!p0 $0x100000, s0;
	[bflag:$0x2] =	sbarrier.arrive $0xFFFF  }
0x68: {  	[sflag:s0] =	ssyncadd.tile.s32 @!p0 $0x1;
	_ =	shalt  }
.Lfunc_end2:
_tile_overlayer_lowered:
.L_overlay_start_2:
0x69: {  	(tag) =	ssettag $0x2  }
0x6a: {  	s0 =	rddreg [dreg:$0x0];
	s2 =	stileid.u32  }
0x6b: {  	s1 =	rddreg [dreg:$0x1];
	p0 =	sne.s32 s2, $0x0  }
0x6c: {  	s3 =	rddreg [dreg:$0x2];
	[bflag:$0x3] =	sbarrier.arrive $0xFFFF;
	s2 =	simm.s32 @!p0 $0x1C02  }
0x6d: {  	[timem:s3], [sflag:s2] =	dma.local @!p0 [hbm:s0], s1  }
0x6e: {  	s0 =	simm.s32 @!p0 $0x2  }
0x6f: {  	_ =	swait.ge @!p0 [sflag:s0], s1  }
0x70: {  	s1 =	ssub.s32 @!p0 $0x0, s1;
	[sflag:s0] =	ssyncset.done @!p0 $0x0  }
0x71: {  	[sflag:s0] =	ssyncadd.s32 @!p0 s1  }
0x72: {  	[bflag:$0x3] =	sbarrier.arrive $0xFFFF  }
0x73: {  	_ =	shalt  }

// kernel: kernel.23.cloned.1.call-start
scs
__scs_entry_jumppad:
0x0: {  	(pc) =	sbr.rel $0x88, $3  }
0x1: {  	(tag) =	ssettag $0x0;
	lr =	simm.s32 $0x1  }
0x2: {  	[smem:$0x3F95] =	sst lr;
	_ =	strace $0xD0000000  }
0x3: {  	_ = 	snop  }
0x4: {  	_ = 	snop  }
0x5: {  	_ = 	snop  }
0x6: {  	_ = 	snop  }
0x7: {  	_ = 	snop  }
__scs_overlays_trampoline_lowered:
0x8: {  	[smem:$0x3FA4] =	sst s0  }
0x9: {  	[smem:$0x3FA5] =	sst s1  }
0xa: {  	[smem:$0x3FA6] =	sst s2  }
0xb: {  	[smem:$0x3FA7] =	sst s3  }
0xc: {  	[smem:$0x3FA8] =	sst s4  }
0xd: {  	[smem:$0x3FA9] =	sst s5  }
0xe: {  	[smem:$0x3FAA] =	sst s6  }
0xf: {  	[smem:$0x3FAB] =	sst s7  }
0x10: {  	[smem:$0x3FAC] =	sst s8  }
0x11: {  	[smem:$0x3FAD] =	sst s9;
	s0 =	simm.s32 @!p0 $0x0  }
0x12: {  	s1 =	sld [smem:$0x3F93];
	s0 =	simm.s32 @p0 $0x1  }
0x13: {  	[smem:$0x3FAE] =	sst s0;
	s0 =	simm.s32 @!p1 $0x0  }
0x14: {  	s2 =	sld [smem:$0x3F92];
	s0 =	simm.s32 @p1 $0x1  }
0x15: {  	[smem:$0x3FAF] =	sst s0;
	s0 =	simm.s32 @!p2 $0x0  }
0x16: {  	s3 =	sld [smem:$0x3FDB];
	s0 =	simm.s32 @p2 $0x1  }
0x17: {  	s4 =	simm.s32 $0x1BF5;
	[smem:$0x3FB1] =	sst s0  }
0x18: {  	s0 =	sld [smem:$0x3F94];
	_ =	swait.ge [sflag:s4], $0x0  }
0x19: {  	s7 =	sld [smem:$0x3F95]  }
0x1a: {  	s8 =	sadd.s32 $0xFFFFE003, lr  }
0x1b: {  	s9 =	sadd.s32 $0xFFFFFEF7, lr;
	s5 =	simm.s32 $0xFFFFFFFF;
	p2 =	slt.u32 s8, $0xFFFFF086  }
0x1c: {  	p1 =	slt.u32 s9, $0xF7A;
	s5 =	simm.s32 @!p2 $0x0  }
0x1d: {  	s5 =	simm.s32 @p1 $0x1;
	p0 =	seq.s32 s7, s2  }
0x1e: {  	s7 =	smul.u32 @!p0 $0xF7A, s2;
	p2 =	seq.s32 @!p0 s5, $0x0  }
0x1f: {  	s9 =	smul.u32 $0xF7A, s1;
	s8 =	simm.s32 @!p0 $0x1BF5;
	p2 =	por !p2, p0  }
0x20: {  	[sflag:s8] =	ssyncset.s32 @!p0 $0xFFFFF086;
	s6 =	sadd.s32 @!p0 s3, s7;
	s7 =	simm.s32 @!p0 $0x108  }
0x21: {  	s3 =	sadd.s32 s3, s9;
	s6 =	sadd.s32 @!p0 $0x88, s6;
	s7 =	simm.s32 @p2 $0x1082  }
0x22: {  	[simem:s7], [sflag:s8] =	dma.local @!p0 [hbm:s6], $0xF7A  }
0x23: {  	s9 =	sor.u32 $0xD0000000, s2;
	s6 =	simm.s32 $0x108;
	_ =	swait.ge @!p0 [sflag:s8], $0x0  }
0x24: {  	s3 =	sadd.s32 $0x88, s3;
	s6 =	simm.s32 @!p1 $0x1082;
	[sflag:s4] =	ssyncset.s32 $0xFFFFF086  }
0x25: {  	[simem:s6], [sflag:s4] =	dma.local [hbm:s3], $0xF7A  }
0x26: {  	[smem:$0x3F95] =	sst s1;
	(tag) =	ssettag s2;
	_ =	strace s9  }
0x27: {  	s1 =	sld [smem:$0x3FA5]  }
0x28: {  	s2 =	sld [smem:$0x3FA6]  }
0x29: {  	s4 =	sld [smem:$0x3FA8]  }
0x2a: {  	p0 =	seq.s32 s5, $0x0;
	s5 =	sld [smem:$0x3FA9]  }
0x2b: {  	s6 =	sld [smem:$0x3FAA]  }
0x2c: {  	s7 =	sld [smem:$0x3FAB]  }
0x2d: {  	s3 =	simm.s32 $0x108;
	s8 =	sld [smem:$0x3FAC]  }
0x2e: {  	s3 =	simm.s32 @!p0 $0x1082;
	s9 =	sld [smem:$0x3FAD]  }
0x2f: {  	lr =	sadd.s32 s0, s3;
	s0 =	sld [smem:$0x3FA4]  }
0x30: {  	s3 =	sld [smem:$0x3FA7]  }
0x31: {  	[smem:$0x3FB0] =	sst s10  }
0x32: {  	s10 =	sld [smem:$0x3FAE];
	_ =	sdelay $0x3  }
0x33: {  	p0 =	seq.s32 s10, $0x1;
	s10 =	sld [smem:$0x3FB0];
	_ =	sdelay $0x3  }
0x34: {  	[smem:$0x3FB0] =	sst s10  }
0x35: {  	s10 =	sld [smem:$0x3FAF];
	_ =	sdelay $0x3  }
0x36: {  	p1 =	seq.s32 s10, $0x1;
	s10 =	sld [smem:$0x3FB0];
	_ =	sdelay $0x3  }
0x37: {  	[smem:$0x3FB0] =	sst s10  }
0x38: {  	s10 =	sld [smem:$0x3FB1]  }
0x39: {  	_ = 	snop;
	(pc) =	sbr.ind lr, $3  }
0x3a: {  	_ = 	snop  }
0x3b: {  	_ = 	snop  }
0x3c: {  	p2 =	seq.s32 s10, $0x1;
	s10 =	sld [smem:$0x3FB0]  }
0x3d: {  	_ =	shalt  }
0x3e: {  	_ =	shalt  }
0x3f: {  	_ =	shalt  }
0x40: {  	_ =	shalt  }
0x41: {  	_ =	shalt  }
0x42: {  	_ =	shalt  }
0x43: {  	_ =	shalt  }
0x44: {  	_ =	shalt  }
0x45: {  	_ =	shalt  }
0x46: {  	_ =	shalt  }
0x47: {  	_ =	shalt  }
0x48: {  	_ =	shalt  }
0x49: {  	_ =	shalt  }
0x4a: {  	_ =	shalt  }
0x4b: {  	_ =	shalt  }
0x4c: {  	_ =	shalt  }
0x4d: {  	_ =	shalt  }
0x4e: {  	_ =	shalt  }
0x4f: {  	_ =	shalt  }
0x50: {  	_ =	shalt  }
0x51: {  	_ =	shalt  }
0x52: {  	_ =	shalt  }
0x53: {  	_ =	shalt  }
0x54: {  	_ =	shalt  }
0x55: {  	_ =	shalt  }
0x56: {  	_ =	shalt  }
0x57: {  	_ =	shalt  }
0x58: {  	_ =	shalt  }
0x59: {  	_ =	shalt  }
0x5a: {  	_ =	shalt  }
0x5b: {  	_ =	shalt  }
0x5c: {  	_ =	shalt  }
0x5d: {  	_ =	shalt  }
0x5e: {  	_ =	shalt  }
0x5f: {  	_ =	shalt  }
0x60: {  	_ =	shalt  }
0x61: {  	_ =	shalt  }
0x62: {  	_ =	shalt  }
0x63: {  	_ =	shalt  }
0x64: {  	_ =	shalt  }
0x65: {  	_ =	shalt  }
0x66: {  	_ =	shalt  }
0x67: {  	_ =	shalt  }
0x68: {  	_ =	shalt  }
0x69: {  	_ =	shalt  }
0x6a: {  	_ =	shalt  }
0x6b: {  	_ =	shalt  }
0x6c: {  	_ =	shalt  }
0x6d: {  	_ =	shalt  }
0x6e: {  	_ =	shalt  }
0x6f: {  	_ =	shalt  }
0x70: {  	_ =	shalt  }
0x71: {  	_ =	shalt  }
0x72: {  	_ =	shalt  }
0x73: {  	_ =	shalt  }
0x74: {  	_ =	shalt  }
0x75: {  	_ =	shalt  }
0x76: {  	_ =	shalt  }
0x77: {  	_ =	shalt  }
0x78: {  	_ =	shalt  }
0x79: {  	_ =	shalt  }
0x7a: {  	_ =	shalt  }
0x7b: {  	_ =	shalt  }
0x7c: {  	_ =	shalt  }
0x7d: {  	_ =	shalt  }
0x7e: {  	_ =	shalt  }
0x7f: {  	_ =	shalt  }
0x80: {  	_ =	shalt  }
0x81: {  	_ =	shalt  }
0x82: {  	_ =	shalt  }
0x83: {  	_ =	shalt  }
0x84: {  	_ =	shalt  }
0x85: {  	_ =	shalt  }
0x86: {  	_ =	shalt  }
0x87: {  	_ =	shalt  }
.Lfunc_end0:
.L_simem_size_0:
called_computation.3_lowered:
.L_overlay_start_0:
0x88: {  	s2 =	sld [smem:$0x3FD9]  }
0x89: {  	s3 =	sld [smem:$0x3FFE];
	_ =	sdelay $0x1  }
0x8a: {  	s1 =	srdreg.scid  }
0x8b: {  	s0 =	sand.u32 $0x1, s1  }
0x8c: {  	s17 =	sshll.u32 s0, $0xA;
	s2 =	sadd.s32 s3, s2  }
0x8d: {  	s2 =	sadd.s32 s2, s17  }
0x8e: {  	[smem:$0x3FBC] =	sst s2  }
0x8f: {  	_ = 	snop  }
0x90: {  	s2 =	sld [smem:$0x3FD0];
	(tm) =	ssettm $0x1  }
0x91: {  	s18 =	sld [smem:$0x3FFB];
	_ =	sdelay $0x3  }
0x92: {  	_ =	strace s18  }
0x93: {  	s3 =	sld [smem:$0x3FFC];
	_ =	sdelay $0x3  }
0x94: {  	_ =	strace s3  }
0x95: {  	s3 =	sld [smem:$0x3FFD];
	_ =	sdelay $0x3  }
0x96: {  	_ =	strace s3  }
0x97: {  	_ =	strace $0x8FFFFFFF  }
0x98: {  	s19 =	sld [smem:$0x3FDB];
	_ =	sdelay $0x1  }
0x99: {  	s4 =	simm.s32 $_scs_section_size  }
0x9a: {  	s5 =	simm.s32 $_size__tile_overlayer_lowered;
	s6 =	simm.s32 $_tile_overlayer_lowered  }
0x9b: {  	s22 =	simm.s32 $0x1BFF;
	s21 =	sshll.u32 s6, $0x1;
	s3 =	sadd.s32 s4, s19  }
0x9c: {  	s7 =	simm.s32 $0x0;
	s20 =	sshll.u32 s5, $0x1;
	s5 =	sadd.s32 s21, s3  }
0x9d: {  	[timem:s7], [sflag:s22] =	dma.local [hbm:s5], s20  }
0x9e: {  	_ =	swait.ge [sflag:s22], s20  }
0x9f: {  	s4 =	ssub.s32 $0x0, s20;
	[sflag:s22] =	ssyncset.done $0x0  }
0xa0: {  	[sflag:s22] =	ssyncadd.s32 s4;
	_ =	sdelay $0x1  }
0xa1: {  	s23 =	simm.s32 $0x1B8B  }
0xa2: {  	_ =	swait.ge [sflag:s23], $0x1  }
0xa3: {  	[sflag:s23] =	ssyncset.done $0x0  }
0xa4: {  	s25 =	simm.s32 $0x1B8E;
	s24 =	sld [smem:$0x3FFE];
	[sflag:s23] =	ssyncadd.s32 $0xFFFFFFFF  }
0xa5: {  	s26 =	simm.s32 $execute0_lowered;
	[smem:$0x3FD2] =	sst s25  }
0xa6: {  	s5 =	sshll.u32 s26, $0x1;
	_ =	strace $0x8000004F;
	[dreg:$0x1] =	wrdreg $0xFFFFFFFF  }
0xa7: {  	s28 =	simm.s32 $_size_execute0_lowered;
	s3 =	sadd.s32 s3, s5;
	[dreg:$0x0] =	wrdreg $0x0  }
0xa8: {  	s5 =	sshll.u32 s28, $0x1;
	[dreg:$0x2] =	wrdreg s3  }
0xa9: {  	[dreg:$0x3] =	wrdreg s5  }
0xaa: {  	[dreg:$0x4] =	wrdreg $0xC0  }
0xab: {  	_ =	task [dreg:s7], $0x5FFFF  }
0xac: {  	[dreg:$0x1] =	wrdreg $0xFFFFFFFF  }
0xad: {  	[dreg:$0x0] =	wrdreg $0x60  }
0xae: {  	[dreg:$0x2] =	wrdreg s24  }
0xaf: {  	[dreg:$0x3] =	wrdreg s2  }
0xb0: {  	[dreg:$0x4] =	wrdreg $0xB8000  }
0xb1: {  	[dreg:$0x5] =	wrdreg $0x9  }
0xb2: {  	_ =	task.clear_ibuf [dreg:s7], $0x6FFFF;
	_ =	strace $0x9000004F  }
0xb3: {  	s29 =	simm.s32 $0x9;
	_ =	strace $0x80000051  }
0xb4: {  	_ =	swait.ge [sflag:s29], $0x1  }
0xb5: {  	[sflag:s29] =	ssyncadd.s32 $0xFFFFFFFF  }
0xb6: {  	_ =	strace $0x90000051  }
0xb7: {  	_ =	sfence  }
0xb8: {  	s30 =	sld [smem:$0x0];
	_ =	sdelay $0x2  }
0xb9: {  	s31 =	sshll.u32 s1, $0xD;
	s1 =	sshrl.u32 s1, $0x2  }
0xba: {  	s3 =	sand.u32 $0x4000, s31;
	s1 =	sadd.s32 s1, s30  }
0xbb: {  	s0 =	sor.u32 s3, s0;
	s1 =	sshll.u32 s1, $0x11  }
0xbc: {  	s0 =	sor.u32 s1, s0  }
0xbd: {  	s0 =	sadd.s32 $0x8F2B, s0  }
0xbe: {  	[sflag:s0] =	ssyncadd.remote.s32 $0x1  }
0xbf: {  	_ =	sfence.sel $0xFFFF  }
0xc0: {  	[dreg:$0x0] =	wrdreg $0xFFFFFFFF;
	(pc) =	sbr.abs _section_cstart, $3  }
0xc1: {  	[dreg:$0x1] =	wrdreg $0xFFFFFFFF  }
0xc2: {  	_ =	task.clear_ibuf [dreg:s7], $0x2FFFF;
	_ =	strace $0x9FFFFFFF  }
0xc3: {  	(tm) =	ssettm $0x7FFFFFFF  }
tec
execute0_lowered:
.L_overlay_start_1:
0x0: {  	(tag) =	ssettag $0x1  }
0x1: {  	s6 =	rddreg [dreg:$0x0]  }
0x2: {  	s9 =	rddreg [dreg:$0x1]  }
0x3: {  	s1 =	rddreg [dreg:$0x2]  }
0x4: {  	s2 =	srdreg.scid;
	s0 =	rddreg [dreg:$0x3]  }
0x5: {  	s3 =	simm.s32 $0x0;
	s16 =	simm.s32 $0x80;
	s7 =	sand.u32 $0x1, s2  }
0x6: {  	s17 =	simm.s32 $0x7800;
	s2 =	stileid.u32;
	s5 =	smul.u32 $0x13C000, s7  }
0x7: {  	s18 =	simm.s32 $0x1;
	[smem:$0x7FF] =	sst s3;
	s8 =	smul.u32 $0x13C00, s2  }
0x8: {  	s4 =	sadd.s32 $0xFA00, s6;
	s10 =	sadd.s32 $0x5A00, s6;
	s11 =	smul.u32 $0x4F000, s2  }
0x9: {  	_ =	strace $0x80000050;
	s12 =	ssub.s32 $0x2, s7;
	s14 =	smul.u32 $0x1400, s2  }
0xa: {  	s29 =	sshll.u32 s2, $0x6;
	s30 =	smul.u32 $0x780, s2;
	p0 =	seq.s32 s7, $0x1  }
0xb: {  	s13 =	sshrl.u32 s12, $0x1;
	s8 =	sadd.s32 s8, s5;
	s5 =	sadd.s32 $0x85000, s6  }
0xc: {  	s11 =	sshrl.u32 s11, $0x2;
	s12 =	ssub.s32 s12, s13;
	s31 =	sshrl.u32 s14, $0x3  }
.Ltmp0:
0xd: {  	s7 =	sadd.s32 s9, s30;
	s14 =	simm.s32 $0x2;
	(pc) =	sbr.rel .LBB2_1-.Ltmp0, $4  }
0xe: {  	s8 =	sshrl.u32 s8, $0x3;
	s28 =	sadd.s32 s11, s1;
	s11 =	sadd.s32 $0x7800, s31  }
0xf: {  	s12 =	smax.u32 s12, $0x1;
	s15 =	sadd.s32 s8, s6;
	s6 =	sor.u32 $0x1C02, s29  }
0x10: {  	s8 =	sadd.s32 s10, s30;
	s9 =	sadd.s32 s9, s11;
	s10 =	sadd.s32 s10, s11  }
0x11: {  	s13 =	sshrl.u32 s28, $0x3;
	s11 =	sadd.s32 $0x87800, s15;
	s15 =	simm.s32 $0x3C00  }
.LBB2_7:
0x12: {  	s19 =	sshra.s32 s19, $0x2;
	[sflag:s14] =	ssyncadd.s32 $0xFFFFC000  }
0x13: {  	[tilespmem:s17], [sflag:$0x1] =	stream.indirect.gather [hbm4b:s4+s16], $0x80, s19, s16, $0xb8;
	[tilespmem:$0x1F400] =	vst v63  }
0x14: {  	_ =	swait.ge [sflag:s18], $0x4000  }
0x15: {  	[sflag:s18] =	ssyncset.done $0x0  }
0x16: {  	s19 =	sadd.s32 $0x3C00, s19;
	[sflag:s18] =	ssyncadd.s32 $0xFFFFC000  }
0x17: {  	[spmem:s1] =	stream.indirect.scatter.add.f32 [tilespmem:s17], [sflag:$0x2], $0x80, s19, s16, $0xb8;
	[tilespmem:$0x1F400] =	vst v63  }
0x18: {  	_ =	swait.ge [sflag:s14], $0x4000  }
0x19: {  	[sflag:s14] =	ssyncset.done $0x0  }
0x1a: {  	[sflag:s14] =	ssyncadd.s32 $0xFFFFC000  }
.LBB2_8:
0x1b: {  	s3 =	sadd.s32 $0x1, s3  }
0x1c: {  	p1 =	sne.s32 s3, s12  }
.Ltmp1:
0x1d: {  	[bflag:$0x0] =	sbarrier.arrive $0xFFFF;
	(pc) =	sbr.rel @!p1 .LBB2_9-.Ltmp1, $4  }
0x1e: {  	[hbm:s11], [sflag:s6] =	dma.local [spmem:s13], $0x2780  }
0x1f: {  	_ =	swait.ge [sflag:s14], $0x2780  }
0x20: {  	[sflag:s14] =	ssyncset.done $0x0  }
0x21: {  	[sflag:s14] =	ssyncadd.s32 $0xFFFFD880  }
.LBB2_1:
.Ltmp2:
0x22: {  	(pc) =	sbr.rel @!p0 .LBB2_2-.Ltmp2, $4  }
0x23: {  	[spmem:s13], [sflag:s6] =	dma.local [hbm:s5], $0x2780  }
0x24: {  	_ =	swait.ge [sflag:s14], $0x2780  }
0x25: {  	[sflag:s14] =	ssyncset.done $0x0  }
0x26: {  	s19 =	simm.s32 $0x0;
	[sflag:s14] =	ssyncadd.s32 $0xFFFFD880  }
0x27: {  	[tilespmem:s19], [sflag:$0x2] =	stream.linear.gather [hbm4b:s9+s19], $0x1400, $0x38;
	[tilespmem:$0x1F400] =	vst v63  }
0x28: {  	_ =	swait.ge [sflag:s14], $0x1400  }
0x29: {  	[sflag:s14] =	ssyncset.done $0x0  }
0x2a: {  	[sflag:s14] =	ssyncadd.s32 $0xFFFFEC00  }
0x2b: {  	[tilespmem:s15], [sflag:$0x2] =	stream.linear.gather [hbm4b:s10+s19], $0x1400, $0x38;
	[tilespmem:$0x1F400] =	vst v63  }
0x2c: {  	_ =	swait.ge [sflag:s14], $0x1400  }
0x2d: {  	[sflag:s14] =	ssyncset.done $0x0  }
0x2e: {  	[sflag:s14] =	ssyncadd.s32 $0xFFFFEC00  }
0x2f: {  	s30 =	simm.s32 $0x0;
	[bflag:$0x0] =	sbarrier.arrive $0xFFFF  }
0x30: {  	[tilespmem:s17], [sflag:$0x1] =	stream.indirect.gather [hbm4b:s4+s16], $0x80, s30, s16, $0xb8;
	[tilespmem:$0x1F400] =	vst v63  }
0x31: {  	_ =	swait.ge [sflag:s18], $0x4000  }
0x32: {  	[sflag:s18] =	ssyncset.done $0x0  }
0x33: {  	s31 =	simm.s32 $0x3C00;
	[sflag:s18] =	ssyncadd.s32 $0xFFFFC000  }
0x34: {  	[spmem:s1] =	stream.indirect.scatter.add.f32 [tilespmem:s17], [sflag:$0x2], $0x80, s31, s16, $0xb8;
	[tilespmem:$0x1F400] =	vst v63  }
0x35: {  	_ =	swait.ge [sflag:s14], $0x4000  }
0x36: {  	s20 =	simm.s32 $0x400;
	s19 =	simm.s32 $0x200;
	[sflag:s14] =	ssyncset.done $0x0  }
.LBB2_6:
0x37: {  	s21 =	sshra.s32 s19, $0x2  }
0x38: {  	[sflag:s14] =	ssyncadd.s32 $0xFFFFC000;
	s19 =	smov.u32 s20;
	s22 =	sadd.s32 $0x200, s20  }
0x39: {  	[tilespmem:s17], [sflag:$0x1] =	stream.indirect.gather [hbm4b:s4+s16], $0x80, s21, s16, $0xb8;
	[tilespmem:$0x1F400] =	vst v63  }
0x3a: {  	p1 =	sne.s32 s20, $0x4E00;
	_ =	swait.ge [sflag:s18], $0x4000  }
.Ltmp3:
0x3b: {  	[sflag:s18] =	ssyncset.done $0x0;
	(pc) =	sbr.rel @p1 .LBB2_6-.Ltmp3, $4  }
0x3c: {  	s20 =	sadd.s32 $0x3C00, s21;
	[sflag:s18] =	ssyncadd.s32 $0xFFFFC000  }
0x3d: {  	[spmem:s1] =	stream.indirect.scatter.add.f32 [tilespmem:s17], [sflag:$0x2], $0x80, s20, s16, $0xb8;
	[tilespmem:$0x1F400] =	vst v63  }
0x3e: {  	_ =	swait.ge [sflag:s14], $0x4000  }
0x3f: {  	s20 =	smov.u32 s22;
	[sflag:s14] =	ssyncset.done $0x0  }
.Ltmp4:
0x40: {  	_ = 	snop;
	(pc) =	sbr.rel .LBB2_7-.Ltmp4, $1  }
0x41: {  	_ =	sdelay $0x3  }
.LBB2_2:
0x42: {  	[tilespmem:s19], [sflag:$0x2] =	stream.linear.gather [hbm4b:s7+s19], $0x3C00, $0x38;
	[tilespmem:$0x1F400] =	vst v63  }
0x43: {  	_ =	swait.ge [sflag:s14], $0x3C00  }
0x44: {  	[sflag:s14] =	ssyncset.done $0x0  }
0x45: {  	[sflag:s14] =	ssyncadd.s32 $0xFFFFC400  }
0x46: {  	[tilespmem:s15], [sflag:$0x2] =	stream.linear.gather [hbm4b:s8+s19], $0x3C00, $0x38;
	[tilespmem:$0x1F400] =	vst v63  }
0x47: {  	_ =	swait.ge [sflag:s14], $0x3C00  }
0x48: {  	[sflag:s14] =	ssyncset.done $0x0  }
0x49: {  	[sflag:s14] =	ssyncadd.s32 $0xFFFFC400  }
0x4a: {  	s30 =	simm.s32 $0x0;
	[bflag:$0x0] =	sbarrier.arrive $0xFFFF  }
0x4b: {  	[tilespmem:s17], [sflag:$0x1] =	stream.indirect.gather [hbm4b:s4+s16], $0x80, s30, s16, $0xb8;
	[tilespmem:$0x1F400] =	vst v63  }
0x4c: {  	_ =	swait.ge [sflag:s18], $0x4000  }
0x4d: {  	[sflag:s18] =	ssyncset.done $0x0  }
0x4e: {  	s31 =	simm.s32 $0x3C00;
	[sflag:s18] =	ssyncadd.s32 $0xFFFFC000  }
0x4f: {  	[spmem:s1] =	stream.indirect.scatter.add.f32 [tilespmem:s17], [sflag:$0x2], $0x80, s31, s16, $0xb8;
	[tilespmem:$0x1F400] =	vst v63  }
0x50: {  	_ =	swait.ge [sflag:s14], $0x4000  }
0x51: {  	s20 =	simm.s32 $0x400;
	s19 =	simm.s32 $0x200;
	[sflag:s14] =	ssyncset.done $0x0  }
.LBB2_3:
0x52: {  	s21 =	sshra.s32 s19, $0x2  }
0x53: {  	[sflag:s14] =	ssyncadd.s32 $0xFFFFC000;
	s19 =	smov.u32 s20;
	s22 =	sadd.s32 $0x200, s20  }
0x54: {  	[tilespmem:s17], [sflag:$0x1] =	stream.indirect.gather [hbm4b:s4+s16], $0x80, s21, s16, $0xb8;
	[tilespmem:$0x1F400] =	vst v63  }
0x55: {  	p1 =	seq.s32 s20, $0xEE00;
	_ =	swait.ge [sflag:s18], $0x4000  }
.Ltmp5:
0x56: {  	[sflag:s18] =	ssyncset.done $0x0;
	(pc) =	sbr.rel @!p1 .LBB2_3-.Ltmp5, $4  }
0x57: {  	s20 =	sadd.s32 $0x3C00, s21;
	[sflag:s18] =	ssyncadd.s32 $0xFFFFC000  }
0x58: {  	[spmem:s1] =	stream.indirect.scatter.add.f32 [tilespmem:s17], [sflag:$0x2], $0x80, s20, s16, $0xb8;
	[tilespmem:$0x1F400] =	vst v63  }
0x59: {  	_ =	swait.ge [sflag:s14], $0x4000  }
0x5a: {  	s20 =	smov.u32 s22;
	[sflag:s14] =	ssyncset.done $0x0  }
0x5b: {  	s19 =	sshra.s32 s19, $0x2;
	[sflag:s14] =	ssyncadd.s32 $0xFFFFC000  }
0x5c: {  	[tilespmem:s17], [sflag:$0x1] =	stream.indirect.gather [hbm4b:s4+s16], $0x80, s19, s16, $0xb8;
	[tilespmem:$0x1F400] =	vst v63  }
0x5d: {  	_ =	swait.ge [sflag:s18], $0x4000  }
0x5e: {  	[sflag:s18] =	ssyncset.done $0x0  }
.Ltmp6:
0x5f: {  	s19 =	sadd.s32 $0x3C00, s19;
	[sflag:s18] =	ssyncadd.s32 $0xFFFFC000;
	(pc) =	sbr.rel .LBB2_8-.Ltmp6, $4  }
0x60: {  	[spmem:s1] =	stream.indirect.scatter.add.f32 [tilespmem:s17], [sflag:$0x2], $0x80, s19, s16, $0xb8;
	[tilespmem:$0x1F400] =	vst v63  }
0x61: {  	_ =	swait.ge [sflag:s14], $0x4000  }
0x62: {  	[sflag:s14] =	ssyncset.done $0x0  }
0x63: {  	[sflag:s14] =	ssyncadd.s32 $0xFFFFC000  }
.LBB2_9:
0x64: {  	_ =	sfence.sel $0x180000  }
0x65: {  	[bflag:$0x0] =	sbarrier.arrive $0xFFFF  }
0x66: {  	p0 =	sne.s32 s2, $0x0;
	_ =	strace $0x90000050  }
0x67: {  	s0 =	sadd.s32 @!p0 $0x100000, s0;
	[bflag:$0x2] =	sbarrier.arrive $0xFFFF  }
0x68: {  	[sflag:s0] =	ssyncadd.tile.s32 @!p0 $0x1;
	_ =	shalt  }
.Lfunc_end2:
_tile_overlayer_lowered:
.L_overlay_start_2:
0x69: {  	(tag) =	ssettag $0x2  }
0x6a: {  	s0 =	rddreg [dreg:$0x0];
	s2 =	stileid.u32  }
0x6b: {  	s1 =	rddreg [dreg:$0x1];
	p0 =	sne.s32 s2, $0x0  }
0x6c: {  	s3 =	rddreg [dreg:$0x2];
	[bflag:$0x3] =	sbarrier.arrive $0xFFFF;
	s2 =	simm.s32 @!p0 $0x1C02  }
0x6d: {  	[timem:s3], [sflag:s2] =	dma.local @!p0 [hbm:s0], s1  }
0x6e: {  	s0 =	simm.s32 @!p0 $0x2  }
0x6f: {  	_ =	swait.ge @!p0 [sflag:s0], s1  }
0x70: {  	s1 =	ssub.s32 @!p0 $0x0, s1;
	[sflag:s0] =	ssyncset.done @!p0 $0x0  }
0x71: {  	[sflag:s0] =	ssyncadd.s32 @!p0 s1  }
0x72: {  	[bflag:$0x3] =	sbarrier.arrive $0xFFFF  }
0x73: {  	_ =	shalt  }

</sc_bundles>
